<compile_context>
chip_gen: v7x
topology: tpu7x:2x2x1
jax: 0.10.2.dev20260603
libtpu: 0.0.44.dev20260713+nightly
codegen_flags: <defaults>
</compile_context>

<pallas_src>
import functools

import jax
import jax.numpy as jnp
from jax import lax
from jax.experimental import pallas as pl
from jax.experimental.pallas import tpu as pltpu
from jax.experimental.pallas import tpu_sc as plsc

N = 10000
E = 320000
D = 128
C = 64
CH2 = C // 2

NSC = 2
NTILE = 16
EPT = E // NTILE
CH = 128
NCH = EPT // CH + 1
EPP = NCH * CH - EPT
NPAD = 10240
RPT = NPAD // NTILE
DEAD = N + 200

_MESH = plsc.VectorSubcoreMesh(
    core_axis_name="c", subcore_axis_name="s",
    num_cores=NSC, num_subcores=NTILE)


def _rsqrt16(x):
    xi = plsc.bitcast(x, jnp.int32)
    yi = jnp.int32(0x5F3759DF) - lax.shift_right_logical(xi, 1)
    y = plsc.bitcast(yi, jnp.float32)
    for _ in range(3):
        y = y * (1.5 - 0.5 * x * y * y)
    return y


@functools.partial(
    pl.kernel,
    out_type=jax.ShapeDtypeStruct((N, C), jnp.float32),
    mesh=_MESH,
    compiler_params=pltpu.CompilerParams(use_tc_tiling_on_sc=False,
                                         needs_layout_passes=False),
    scratch_types=[
        pltpu.VMEM((NCH, CH), jnp.int32),
        pltpu.VMEM((NCH, CH), jnp.int32),
        pltpu.VMEM((CH,), jnp.float32),
        pltpu.VMEM((2, CH, CH2), jnp.float32),
        pltpu.VMEM((RPT, CH2), jnp.float32),
        pltpu.VMEM((RPT,), jnp.float32),
        pltpu.VMEM((RPT,), jnp.float32),
        pltpu.VMEM((RPT,), jnp.float32),
        pltpu.VMEM((CH2,), jnp.float32),
        pltpu.VMEM_SHARED((NPAD,), jnp.float32),
        pltpu.VMEM_SHARED((NPAD, CH2), jnp.float32),
        pltpu.VMEM_SHARED((NPAD, CH2), jnp.float32),
        pltpu.SemaphoreType.DMA,
        pltpu.SemaphoreType.DMA,
    ],
)
def _sc_all(y0_hbm, row_hbm, col_hbm, ones_hbm, z1_hbm, b_hbm, out_hbm,
            row_v, col_v, ones_v, pay, buf, degb, dinvb, d2b, bloc,
            deg_sp, u_sp, acc, sem0, sem1):
    c = lax.axis_index("c")
    s = lax.axis_index("s")
    base = s * RPT

    pltpu.sync_copy(row_hbm.at[s], row_v)
    pltpu.sync_copy(col_hbm.at[s], col_v)
    pltpu.sync_copy(ones_hbm, ones_v)
    pltpu.sync_copy(b_hbm.at[c], bloc)
    pltpu.sync_copy(z1_hbm.at[pl.ds(base, RPT)], deg_sp.at[pl.ds(base, RPT)])
    pltpu.sync_copy(y0_hbm.at[c, pl.ds(base, RPT)], buf)
    plsc.subcore_barrier()

    def dchunk(j, carry):
        pltpu.async_copy(ones_v, deg_sp.at[col_v.at[j]], sem0, add=True)
        return carry

    lax.fori_loop(0, NCH, dchunk, 0)

    def ddrain(j, carry):
        pltpu.make_async_copy(ones_v, deg_sp.at[col_v.at[0]], sem0).wait()
        return carry

    lax.fori_loop(0, NCH, ddrain, 0)
    plsc.subcore_barrier()

    pltpu.sync_copy(deg_sp.at[pl.ds(base, RPT)], degb)

    def newton(k, carry):
        x = degb[pl.ds(k * 16, 16)] + 1.0
        y = _rsqrt16(x)
        dinvb[pl.ds(k * 16, 16)] = y
        d2b[pl.ds(k * 16, 16)] = y * y
        return carry

    lax.fori_loop(0, RPT // 16, newton, 0)

    def uscale(g, carry):
        r0 = g * 16
        dv = dinvb[pl.ds(r0, 16)]
        for l in range(16):
            r = r0 + l
            buf[r, pl.ds(0, 16)] = buf[r, pl.ds(0, 16)] * dv[l]
            buf[r, pl.ds(16, 16)] = buf[r, pl.ds(16, 16)] * dv[l]
        return carry

    lax.fori_loop(0, RPT // 16, uscale, 0)
    pltpu.sync_copy(buf, u_sp.at[pl.ds(base, RPT)])
    pltpu.sync_copy(buf, acc.at[pl.ds(base, RPT)])
    plsc.subcore_barrier()

    def hop():
        pltpu.async_copy(u_sp.at[row_v.at[0]], pay.at[0], sem0)

        def pair(i, carry):
            j = i * 2
            pltpu.async_copy(u_sp.at[row_v.at[j + 1]], pay.at[1], sem1)
            pltpu.make_async_copy(u_sp.at[row_v.at[j]], pay.at[0],
                                  sem0).wait()
            pltpu.sync_copy(pay.at[0], acc.at[col_v.at[j]], add=True)
            pltpu.async_copy(u_sp.at[row_v.at[j + 2]], pay.at[0], sem0)
            pltpu.make_async_copy(u_sp.at[row_v.at[j + 1]], pay.at[1],
                                  sem1).wait()
            pltpu.sync_copy(pay.at[1], acc.at[col_v.at[j + 1]], add=True)
            return carry

        lax.fori_loop(0, (NCH - 1) // 2, pair, 0)
        pltpu.make_async_copy(u_sp.at[row_v.at[NCH - 1]], pay.at[0],
                              sem0).wait()
        pltpu.sync_copy(pay.at[0], acc.at[col_v.at[NCH - 1]], add=True)
        plsc.subcore_barrier()

    assert NCH % 2 == 1
    hop()

    pltpu.sync_copy(acc.at[pl.ds(base, RPT)], buf)

    def mscale(g, carry):
        r0 = g * 16
        dv = d2b[pl.ds(r0, 16)]
        for l in range(16):
            r = r0 + l
            buf[r, pl.ds(0, 16)] = buf[r, pl.ds(0, 16)] * dv[l]
            buf[r, pl.ds(16, 16)] = buf[r, pl.ds(16, 16)] * dv[l]
        return carry

    lax.fori_loop(0, RPT // 16, mscale, 0)
    pltpu.sync_copy(buf, u_sp.at[pl.ds(base, RPT)])
    pltpu.sync_copy(buf, acc.at[pl.ds(base, RPT)])
    plsc.subcore_barrier()

    hop()

    pltpu.sync_copy(acc.at[pl.ds(base, RPT)], buf)
    b0 = bloc[pl.ds(0, 16)]
    b1 = bloc[pl.ds(16, 16)]

    def oscale(g, carry):
        r0 = g * 16
        dv = dinvb[pl.ds(r0, 16)]
        for l in range(16):
            r = r0 + l
            buf[r, pl.ds(0, 16)] = buf[r, pl.ds(0, 16)] * dv[l] + b0
            buf[r, pl.ds(16, 16)] = buf[r, pl.ds(16, 16)] * dv[l] + b1
        return carry

    lax.fori_loop(0, RPT // 16, oscale, 0)
    last = N - (NTILE - 1) * RPT

    @pl.when(s < NTILE - 1)
    def _():
        pltpu.sync_copy(buf,
                        out_hbm.at[pl.ds(base, RPT), pl.ds(c * CH2, CH2)])

    @pl.when(s == NTILE - 1)
    def _():
        pltpu.sync_copy(buf.at[pl.ds(0, last)],
                        out_hbm.at[pl.ds(base, last), pl.ds(c * CH2, CH2)])



BLK = 80
GRID = N // BLK


def _mm_body(x_ref, w_ref, y_ref):
    y = lax.dot_general(x_ref[...], w_ref[...], (((1,), (1,)), ((), ())),
                        preferred_element_type=jnp.float32)
    y_ref[0] = y[:, :CH2]
    y_ref[1] = y[:, CH2:]


_mm = pl.pallas_call(
    _mm_body,
    grid=(GRID,),
    in_specs=[
        pl.BlockSpec((BLK, D), lambda i: (i, 0)),
        pl.BlockSpec((C, D), lambda i: (0, 0)),
    ],
    out_specs=pl.BlockSpec((NSC, BLK, CH2), lambda i: (0, i, 0)),
    out_shape=jax.ShapeDtypeStruct((NSC, NPAD, CH2), jnp.float32),
)



def kernel(x, edge_index, W, b):
    ei = edge_index.astype(jnp.int32)
    row = ei[0].reshape(NTILE, EPT)
    col = ei[1].reshape(NTILE, EPT)
    pad_r = jnp.zeros((NTILE, EPP), jnp.int32)
    pad_c = jnp.full((NTILE, EPP), DEAD, jnp.int32)
    row_s = jnp.concatenate([row, pad_r], axis=1).reshape(NTILE, NCH, CH)
    col_s = jnp.concatenate([col, pad_c], axis=1).reshape(NTILE, NCH, CH)

    ones = jnp.ones((CH,), jnp.float32)
    z1 = jnp.zeros((NPAD,), jnp.float32)

    y0 = _mm(x, W)
    return _sc_all(y0, row_s, col_s, ones, z1, b.reshape(NSC, CH2))

# --- scband reference (transcript-rebuilt; emitter-appended) ---
"""Pipeline reference for scband-usgc-7232724927275 (READ-ONLY COPY).

The authoritative reference and input builder live on the scoring server;
editing this copy changes nothing except your own understanding.
"""

import jax, jax.numpy as jnp
import numpy as np

N_NODES = 10000
N_EDGES = 320000
D_FEAT = 128
N_CLASSES = 64
K_HOPS = 2


def setup_inputs(seed: int = 0) -> dict:
    key = jax.random.key(seed)
    k_x, k_ei, k_w, k_b = (jax.random.fold_in(key, i) for i in range(4))
    x = jax.random.normal(k_x, (N_NODES, D_FEAT), dtype=jnp.float32)
    edge_index = jax.random.randint(k_ei, (2, N_EDGES), 0, N_NODES, dtype=jnp.int64)
    # Linear layer params (PyG Linear: y = x @ W.T + b), glorot-ish init
    W = jax.random.normal(k_w, (N_CLASSES, D_FEAT), dtype=jnp.float32) * (1.0 / np.sqrt(D_FEAT))
    b = jnp.zeros((N_CLASSES,), dtype=jnp.float32)
    return {"x": x, "edge_index": edge_index, "W": W, "b": b}


def reference(x, edge_index, W, b):
    N = x.shape[0]
    # gcn_norm with add_self_loops=True, fill_value=1.0
    loop = jnp.arange(N, dtype=edge_index.dtype)
    row = jnp.concatenate([edge_index[0], loop])
    col = jnp.concatenate([edge_index[1], loop])
    ew = jnp.ones(row.shape[0], dtype=x.dtype)
    deg = jnp.zeros((N,), dtype=x.dtype).at[col].add(ew)
    deg_inv_sqrt = jnp.where(deg > 0, jax.lax.rsqrt(jnp.maximum(deg, 1e-12)), 0.0)
    norm = deg_inv_sqrt[row] * ew * deg_inv_sqrt[col]
    # K=2 propagation steps: out = scatter_add(norm * x[row] -> col)
    h = x
    for _ in range(K_HOPS):
        msg = norm[:, None] * h[row]
        h = jnp.zeros((N, h.shape[1]), dtype=h.dtype).at[col].add(msg)
    # final linear
    out = h @ W.T + b
    return out

if __name__ == "__main__":
    import jax
    _d = setup_inputs()
    print(jax.jit(kernel)(*tuple(_d.values())))

</pallas_src>

<mosaic_0001>
#map = affine_map<(d0, d1) -> (0, 0, 0)>
#map1 = affine_map<(d0, d1) -> (0)>
#map2 = affine_map<(d0, d1) -> (0, 0)>
module attributes {stable_mosaic.version = 14 : i64} {
  func.func @_sc_all(%arg0: i32, %arg1: i32, %arg2: memref<2x10240x32xf32, #tpu.memory_space<hbm>>, %arg3: memref<16x157x128xi32, #tpu.memory_space<hbm>>, %arg4: memref<16x157x128xi32, #tpu.memory_space<hbm>>, %arg5: memref<128xf32, #tpu.memory_space<hbm>>, %arg6: memref<10240xf32, #tpu.memory_space<hbm>>, %arg7: memref<2x32xf32, #tpu.memory_space<hbm>>, %arg8: memref<10000x64xf32, #tpu.memory_space<hbm>>, %arg9: memref<157x128xi32, #tpu.memory_space<vmem>>, %arg10: memref<157x128xi32, #tpu.memory_space<vmem>>, %arg11: memref<128xf32, #tpu.memory_space<vmem>>, %arg12: memref<2x128x32xf32, #tpu.memory_space<vmem>>, %arg13: memref<640x32xf32, #tpu.memory_space<vmem>>, %arg14: memref<640xf32, #tpu.memory_space<vmem>>, %arg15: memref<640xf32, #tpu.memory_space<vmem>>, %arg16: memref<640xf32, #tpu.memory_space<vmem>>, %arg17: memref<32xf32, #tpu.memory_space<vmem>>, %arg18: memref<10240xf32, #tpu.memory_space<vmem_shared>>, %arg19: memref<10240x32xf32, #tpu.memory_space<vmem_shared>>, %arg20: memref<10240x32xf32, #tpu.memory_space<vmem_shared>>, %arg21: memref<!tpu.dma_semaphore, #tpu.memory_space<semaphore_mem>>, %arg22: memref<!tpu.dma_semaphore, #tpu.memory_space<semaphore_mem>>) attributes {dimension_semantics = [#tpu.dimension_semantics<core_parallel>, #tpu.dimension_semantics<subcore_parallel>], iteration_bounds = array<i64: 2, 16>, scalar_prefetch = 0 : i64, scratch_operands = 14 : i64, tpu.core_type = #tpu.core_type<sc_vector_subcore>, window_params = [{transform_indices = #map}, {transform_indices = #map}, {transform_indices = #map}, {transform_indices = #map1}, {transform_indices = #map1}, {transform_indices = #map2}, {transform_indices = #map2}]} {
    %mul3A = arith.constant 640 : i32
    %mul3A_0 = arith.muli %arg1, %mul3A : i32
    "tpu.region"() ({
      %run_scoped3A_111 = tpu.sem_alloc : memref<!tpu.dma_semaphore, #tpu.memory_space<semaphore_mem>>
      %dma_start3A_112 = arith.constant 0 : i32
      %dma_start3A_113 = arith.constant 0 : i32
      %dma_start3A_114 = tpu.memref_slice %arg3[%arg1, %dma_start3A_112, %dma_start3A_113] : memref<16x157x128xi32, #tpu.memory_space<hbm>> -> memref<1x157x128xi32, #tpu.memory_space<hbm>>
      %dma_start3A_115 = tpu.memref_squeeze %dma_start3A_114 : memref<1x157x128xi32, #tpu.memory_space<hbm>> -> memref<157x128xi32, #tpu.memory_space<hbm>>
      %dma_start3A_116 = arith.constant 0 : i32
      %dma_start3A_117 = arith.constant 0 : i32
      %dma_start3A_118 = tpu.memref_slice %arg3[%arg1, %dma_start3A_116, %dma_start3A_117] : memref<16x157x128xi32, #tpu.memory_space<hbm>> -> memref<1x157x128xi32, #tpu.memory_space<hbm>>
      %dma_start3A_119 = tpu.memref_squeeze %dma_start3A_118 : memref<1x157x128xi32, #tpu.memory_space<hbm>> -> memref<157x128xi32, #tpu.memory_space<hbm>>
      tpu.enqueue_dma source(%dma_start3A_119 : memref<157x128xi32, #tpu.memory_space<hbm>>) target(%arg9 : memref<157x128xi32, #tpu.memory_space<vmem>>) target_semaphore(%run_scoped3A_111 : memref<!tpu.dma_semaphore, #tpu.memory_space<semaphore_mem>>)
      %dma_wait3A_120 = arith.constant 0 : i32
      %dma_wait3A_121 = arith.constant 0 : i32
      %dma_wait3A_122 = tpu.memref_slice %arg3[%arg1, %dma_wait3A_120, %dma_wait3A_121] : memref<16x157x128xi32, #tpu.memory_space<hbm>> -> memref<1x157x128xi32, #tpu.memory_space<hbm>>
      %dma_wait3A_123 = tpu.memref_squeeze %dma_wait3A_122 : memref<1x157x128xi32, #tpu.memory_space<hbm>> -> memref<157x128xi32, #tpu.memory_space<hbm>>
      %dma_wait3A_124 = arith.constant 0 : i32
      %dma_wait3A_125 = arith.constant 0 : i32
      %dma_wait3A_126 = tpu.memref_slice %arg3[%arg1, %dma_wait3A_124, %dma_wait3A_125] : memref<16x157x128xi32, #tpu.memory_space<hbm>> -> memref<1x157x128xi32, #tpu.memory_space<hbm>>
      %dma_wait3A_127 = tpu.memref_squeeze %dma_wait3A_126 : memref<1x157x128xi32, #tpu.memory_space<hbm>> -> memref<157x128xi32, #tpu.memory_space<hbm>>
      tpu.wait_dma2 semaphore(%run_scoped3A_111 : memref<!tpu.dma_semaphore, #tpu.memory_space<semaphore_mem>>) src(%dma_wait3A_127 : memref<157x128xi32, #tpu.memory_space<hbm>>) dst(%arg9 : memref<157x128xi32, #tpu.memory_space<vmem>>)
      tpu.yield
    }) : () -> ()
    "tpu.region"() ({
      %run_scoped3A_111 = tpu.sem_alloc : memref<!tpu.dma_semaphore, #tpu.memory_space<semaphore_mem>>
      %dma_start3A_112 = arith.constant 0 : i32
      %dma_start3A_113 = arith.constant 0 : i32
      %dma_start3A_114 = tpu.memref_slice %arg4[%arg1, %dma_start3A_112, %dma_start3A_113] : memref<16x157x128xi32, #tpu.memory_space<hbm>> -> memref<1x157x128xi32, #tpu.memory_space<hbm>>
      %dma_start3A_115 = tpu.memref_squeeze %dma_start3A_114 : memref<1x157x128xi32, #tpu.memory_space<hbm>> -> memref<157x128xi32, #tpu.memory_space<hbm>>
      %dma_start3A_116 = arith.constant 0 : i32
      %dma_start3A_117 = arith.constant 0 : i32
      %dma_start3A_118 = tpu.memref_slice %arg4[%arg1, %dma_start3A_116, %dma_start3A_117] : memref<16x157x128xi32, #tpu.memory_space<hbm>> -> memref<1x157x128xi32, #tpu.memory_space<hbm>>
      %dma_start3A_119 = tpu.memref_squeeze %dma_start3A_118 : memref<1x157x128xi32, #tpu.memory_space<hbm>> -> memref<157x128xi32, #tpu.memory_space<hbm>>
      tpu.enqueue_dma source(%dma_start3A_119 : memref<157x128xi32, #tpu.memory_space<hbm>>) target(%arg10 : memref<157x128xi32, #tpu.memory_space<vmem>>) target_semaphore(%run_scoped3A_111 : memref<!tpu.dma_semaphore, #tpu.memory_space<semaphore_mem>>)
      %dma_wait3A_120 = arith.constant 0 : i32
      %dma_wait3A_121 = arith.constant 0 : i32
      %dma_wait3A_122 = tpu.memref_slice %arg4[%arg1, %dma_wait3A_120, %dma_wait3A_121] : memref<16x157x128xi32, #tpu.memory_space<hbm>> -> memref<1x157x128xi32, #tpu.memory_space<hbm>>
      %dma_wait3A_123 = tpu.memref_squeeze %dma_wait3A_122 : memref<1x157x128xi32, #tpu.memory_space<hbm>> -> memref<157x128xi32, #tpu.memory_space<hbm>>
      %dma_wait3A_124 = arith.constant 0 : i32
      %dma_wait3A_125 = arith.constant 0 : i32
      %dma_wait3A_126 = tpu.memref_slice %arg4[%arg1, %dma_wait3A_124, %dma_wait3A_125] : memref<16x157x128xi32, #tpu.memory_space<hbm>> -> memref<1x157x128xi32, #tpu.memory_space<hbm>>
      %dma_wait3A_127 = tpu.memref_squeeze %dma_wait3A_126 : memref<1x157x128xi32, #tpu.memory_space<hbm>> -> memref<157x128xi32, #tpu.memory_space<hbm>>
      tpu.wait_dma2 semaphore(%run_scoped3A_111 : memref<!tpu.dma_semaphore, #tpu.memory_space<semaphore_mem>>) src(%dma_wait3A_127 : memref<157x128xi32, #tpu.memory_space<hbm>>) dst(%arg10 : memref<157x128xi32, #tpu.memory_space<vmem>>)
      tpu.yield
    }) : () -> ()
    "tpu.region"() ({
      %run_scoped3A_111 = tpu.sem_alloc : memref<!tpu.dma_semaphore, #tpu.memory_space<semaphore_mem>>
      tpu.enqueue_dma source(%arg5 : memref<128xf32, #tpu.memory_space<hbm>>) target(%arg11 : memref<128xf32, #tpu.memory_space<vmem>>) target_semaphore(%run_scoped3A_111 : memref<!tpu.dma_semaphore, #tpu.memory_space<semaphore_mem>>)
      tpu.wait_dma2 semaphore(%run_scoped3A_111 : memref<!tpu.dma_semaphore, #tpu.memory_space<semaphore_mem>>) src(%arg5 : memref<128xf32, #tpu.memory_space<hbm>>) dst(%arg11 : memref<128xf32, #tpu.memory_space<vmem>>)
      tpu.yield
    }) : () -> ()
    "tpu.region"() ({
      %run_scoped3A_111 = tpu.sem_alloc : memref<!tpu.dma_semaphore, #tpu.memory_space<semaphore_mem>>
      %dma_start3A_112 = arith.constant 0 : i32
      %dma_start3A_113 = tpu.memref_slice %arg7[%arg0, %dma_start3A_112] : memref<2x32xf32, #tpu.memory_space<hbm>> -> memref<1x32xf32, #tpu.memory_space<hbm>>
      %dma_start3A_114 = tpu.memref_squeeze %dma_start3A_113 : memref<1x32xf32, #tpu.memory_space<hbm>> -> memref<32xf32, #tpu.memory_space<hbm>>
      %dma_start3A_115 = arith.constant 0 : i32
      %dma_start3A_116 = tpu.memref_slice %arg7[%arg0, %dma_start3A_115] : memref<2x32xf32, #tpu.memory_space<hbm>> -> memref<1x32xf32, #tpu.memory_space<hbm>>
      %dma_start3A_117 = tpu.memref_squeeze %dma_start3A_116 : memref<1x32xf32, #tpu.memory_space<hbm>> -> memref<32xf32, #tpu.memory_space<hbm>>
      tpu.enqueue_dma source(%dma_start3A_117 : memref<32xf32, #tpu.memory_space<hbm>>) target(%arg17 : memref<32xf32, #tpu.memory_space<vmem>>) target_semaphore(%run_scoped3A_111 : memref<!tpu.dma_semaphore, #tpu.memory_space<semaphore_mem>>)
      %dma_wait3A_118 = arith.constant 0 : i32
      %dma_wait3A_119 = tpu.memref_slice %arg7[%arg0, %dma_wait3A_118] : memref<2x32xf32, #tpu.memory_space<hbm>> -> memref<1x32xf32, #tpu.memory_space<hbm>>
      %dma_wait3A_120 = tpu.memref_squeeze %dma_wait3A_119 : memref<1x32xf32, #tpu.memory_space<hbm>> -> memref<32xf32, #tpu.memory_space<hbm>>
      %dma_wait3A_121 = arith.constant 0 : i32
      %dma_wait3A_122 = tpu.memref_slice %arg7[%arg0, %dma_wait3A_121] : memref<2x32xf32, #tpu.memory_space<hbm>> -> memref<1x32xf32, #tpu.memory_space<hbm>>
      %dma_wait3A_123 = tpu.memref_squeeze %dma_wait3A_122 : memref<1x32xf32, #tpu.memory_space<hbm>> -> memref<32xf32, #tpu.memory_space<hbm>>
      tpu.wait_dma2 semaphore(%run_scoped3A_111 : memref<!tpu.dma_semaphore, #tpu.memory_space<semaphore_mem>>) src(%dma_wait3A_123 : memref<32xf32, #tpu.memory_space<hbm>>) dst(%arg17 : memref<32xf32, #tpu.memory_space<vmem>>)
      tpu.yield
    }) : () -> ()
    "tpu.region"() ({
      %run_scoped3A_111 = tpu.sem_alloc : memref<!tpu.dma_semaphore, #tpu.memory_space<semaphore_mem>>
      %dma_start3A_112 = tpu.memref_slice %arg18[%mul3A_0] : memref<10240xf32, #tpu.memory_space<vmem_shared>> -> memref<640xf32, #tpu.memory_space<vmem_shared>>
      %dma_start3A_113 = tpu.memref_slice %arg6[%mul3A_0] : memref<10240xf32, #tpu.memory_space<hbm>> -> memref<640xf32, #tpu.memory_space<hbm>>
      tpu.enqueue_dma source(%dma_start3A_113 : memref<640xf32, #tpu.memory_space<hbm>>) target(%dma_start3A_112 : memref<640xf32, #tpu.memory_space<vmem_shared>>) target_semaphore(%run_scoped3A_111 : memref<!tpu.dma_semaphore, #tpu.memory_space<semaphore_mem>>)
      %dma_wait3A_114 = tpu.memref_slice %arg18[%mul3A_0] : memref<10240xf32, #tpu.memory_space<vmem_shared>> -> memref<640xf32, #tpu.memory_space<vmem_shared>>
      %dma_wait3A_115 = tpu.memref_slice %arg6[%mul3A_0] : memref<10240xf32, #tpu.memory_space<hbm>> -> memref<640xf32, #tpu.memory_space<hbm>>
      tpu.wait_dma2 semaphore(%run_scoped3A_111 : memref<!tpu.dma_semaphore, #tpu.memory_space<semaphore_mem>>) src(%dma_wait3A_115 : memref<640xf32, #tpu.memory_space<hbm>>) dst(%dma_wait3A_114 : memref<640xf32, #tpu.memory_space<vmem_shared>>)
      tpu.yield
    }) : () -> ()
    "tpu.region"() ({
      %run_scoped3A_111 = tpu.sem_alloc : memref<!tpu.dma_semaphore, #tpu.memory_space<semaphore_mem>>
      %dma_start3A_112 = arith.constant 0 : i32
      %dma_start3A_113 = tpu.memref_slice %arg2[%arg0, %mul3A_0, %dma_start3A_112] : memref<2x10240x32xf32, #tpu.memory_space<hbm>> -> memref<1x640x32xf32, #tpu.memory_space<hbm>>
      %dma_start3A_114 = tpu.memref_squeeze %dma_start3A_113 : memref<1x640x32xf32, #tpu.memory_space<hbm>> -> memref<640x32xf32, #tpu.memory_space<hbm>>
      %dma_start3A_115 = arith.constant 0 : i32
      %dma_start3A_116 = tpu.memref_slice %arg2[%arg0, %mul3A_0, %dma_start3A_115] : memref<2x10240x32xf32, #tpu.memory_space<hbm>> -> memref<1x640x32xf32, #tpu.memory_space<hbm>>
      %dma_start3A_117 = tpu.memref_squeeze %dma_start3A_116 : memref<1x640x32xf32, #tpu.memory_space<hbm>> -> memref<640x32xf32, #tpu.memory_space<hbm>>
      tpu.enqueue_dma source(%dma_start3A_117 : memref<640x32xf32, #tpu.memory_space<hbm>>) target(%arg13 : memref<640x32xf32, #tpu.memory_space<vmem>>) target_semaphore(%run_scoped3A_111 : memref<!tpu.dma_semaphore, #tpu.memory_space<semaphore_mem>>)
      %dma_wait3A_118 = arith.constant 0 : i32
      %dma_wait3A_119 = tpu.memref_slice %arg2[%arg0, %mul3A_0, %dma_wait3A_118] : memref<2x10240x32xf32, #tpu.memory_space<hbm>> -> memref<1x640x32xf32, #tpu.memory_space<hbm>>
      %dma_wait3A_120 = tpu.memref_squeeze %dma_wait3A_119 : memref<1x640x32xf32, #tpu.memory_space<hbm>> -> memref<640x32xf32, #tpu.memory_space<hbm>>
      %dma_wait3A_121 = arith.constant 0 : i32
      %dma_wait3A_122 = tpu.memref_slice %arg2[%arg0, %mul3A_0, %dma_wait3A_121] : memref<2x10240x32xf32, #tpu.memory_space<hbm>> -> memref<1x640x32xf32, #tpu.memory_space<hbm>>
      %dma_wait3A_123 = tpu.memref_squeeze %dma_wait3A_122 : memref<1x640x32xf32, #tpu.memory_space<hbm>> -> memref<640x32xf32, #tpu.memory_space<hbm>>
      tpu.wait_dma2 semaphore(%run_scoped3A_111 : memref<!tpu.dma_semaphore, #tpu.memory_space<semaphore_mem>>) src(%dma_wait3A_123 : memref<640x32xf32, #tpu.memory_space<hbm>>) dst(%arg13 : memref<640x32xf32, #tpu.memory_space<vmem>>)
      tpu.yield
    }) : () -> ()
    %barrier3A = arith.constant 0 : index
    tpu.barrier barrier_id(%barrier3A)
    %scan3A = arith.constant 0 : i32
    %scan3A_1 = arith.constant 0 : i32
    %scan3A_2 = arith.constant 157 : i32
    %scan3A_3 = arith.addi %scan3A_1, %scan3A_2 : i32
    %scan3A_4 = arith.constant 1 : i32
    scf.for %scan3A_111 = %scan3A_1 to %scan3A_3 step %scan3A_4  : i32 {
      %dma_start3A_112 = arith.constant 0 : i32
      %dma_start3A_113 = tpu.memref_slice %arg10[%scan3A_111, %dma_start3A_112] : memref<157x128xi32, #tpu.memory_space<vmem>> -> memref<1x128xi32, #tpu.memory_space<vmem>>
      %dma_start3A_114 = tpu.memref_squeeze %dma_start3A_113 : memref<1x128xi32, #tpu.memory_space<vmem>> -> memref<128xi32, #tpu.memory_space<vmem>>
      %dma_start3A_115 = arith.constant 0 : i32
      %dma_start3A_116 = tpu.memref_slice %arg18[%dma_start3A_115] : memref<10240xf32, #tpu.memory_space<vmem_shared>> -> memref<10240xf32, #tpu.memory_space<vmem_shared>>
      tpu.enqueue_indirect_dma source(%arg11 : memref<128xf32, #tpu.memory_space<vmem>>) target(%dma_start3A_116 : memref<10240xf32, #tpu.memory_space<vmem_shared>>) offsets(%dma_start3A_114 : memref<128xi32, #tpu.memory_space<vmem>>) semaphore(%arg21 : memref<!tpu.dma_semaphore, #tpu.memory_space<semaphore_mem>>) {add = true}
    }
    %scan3A_5 = arith.constant 157 : i32
    %scan3A_6 = arith.constant 0 : i32
    %scan3A_7 = arith.constant 0 : i32
    %scan3A_8 = arith.constant 157 : i32
    %scan3A_9 = arith.addi %scan3A_7, %scan3A_8 : i32
    %scan3A_10 = arith.constant 1 : i32
    scf.for %scan3A_111 = %scan3A_7 to %scan3A_9 step %scan3A_10  : i32 {
      %dma_wait3A_112 = arith.constant 0 : i32
      %dma_wait3A_113 = arith.constant 0 : i32
      %dma_wait3A_114 = tpu.memref_slice %arg10[%dma_wait3A_112, %dma_wait3A_113] : memref<157x128xi32, #tpu.memory_space<vmem>> -> memref<1x128xi32, #tpu.memory_space<vmem>>
      %dma_wait3A_115 = tpu.memref_squeeze %dma_wait3A_114 : memref<1x128xi32, #tpu.memory_space<vmem>> -> memref<128xi32, #tpu.memory_space<vmem>>
      %dma_wait3A_116 = arith.constant 0 : i32
      %dma_wait3A_117 = tpu.memref_slice %arg18[%dma_wait3A_116] : memref<10240xf32, #tpu.memory_space<vmem_shared>> -> memref<10240xf32, #tpu.memory_space<vmem_shared>>
      tpu.wait_indirect_dma semaphore(%arg21 : memref<!tpu.dma_semaphore, #tpu.memory_space<semaphore_mem>>) src(%arg11 : memref<128xf32, #tpu.memory_space<vmem>>) dst(%dma_wait3A_117 : memref<10240xf32, #tpu.memory_space<vmem_shared>>)
    }
    %scan3A_11 = arith.constant 157 : i32
    %barrier3A_12 = arith.constant 0 : index
    tpu.barrier barrier_id(%barrier3A_12)
    "tpu.region"() ({
      %run_scoped3A_111 = tpu.sem_alloc : memref<!tpu.dma_semaphore, #tpu.memory_space<semaphore_mem>>
      %dma_start3A_112 = tpu.memref_slice %arg18[%mul3A_0] : memref<10240xf32, #tpu.memory_space<vmem_shared>> -> memref<640xf32, #tpu.memory_space<vmem_shared>>
      %dma_start3A_113 = tpu.memref_slice %arg18[%mul3A_0] : memref<10240xf32, #tpu.memory_space<vmem_shared>> -> memref<640xf32, #tpu.memory_space<vmem_shared>>
      tpu.enqueue_dma source(%dma_start3A_113 : memref<640xf32, #tpu.memory_space<vmem_shared>>) target(%arg14 : memref<640xf32, #tpu.memory_space<vmem>>) target_semaphore(%run_scoped3A_111 : memref<!tpu.dma_semaphore, #tpu.memory_space<semaphore_mem>>)
      %dma_wait3A_114 = tpu.memref_slice %arg18[%mul3A_0] : memref<10240xf32, #tpu.memory_space<vmem_shared>> -> memref<640xf32, #tpu.memory_space<vmem_shared>>
      %dma_wait3A_115 = tpu.memref_slice %arg18[%mul3A_0] : memref<10240xf32, #tpu.memory_space<vmem_shared>> -> memref<640xf32, #tpu.memory_space<vmem_shared>>
      tpu.wait_dma2 semaphore(%run_scoped3A_111 : memref<!tpu.dma_semaphore, #tpu.memory_space<semaphore_mem>>) src(%dma_wait3A_115 : memref<640xf32, #tpu.memory_space<vmem_shared>>) dst(%arg14 : memref<640xf32, #tpu.memory_space<vmem>>)
      tpu.yield
    }) : () -> ()
    %scan3A_13 = arith.constant 0 : i32
    %scan3A_14 = arith.constant 0 : i32
    %scan3A_15 = arith.constant 40 : i32
    %scan3A_16 = arith.addi %scan3A_14, %scan3A_15 : i32
    %scan3A_17 = arith.constant 1 : i32
    scf.for %scan3A_111 = %scan3A_14 to %scan3A_16 step %scan3A_17  : i32 {
      %mul3A_112 = arith.constant 16 : i32
      %mul3A_113 = arith.muli %scan3A_111, %mul3A_112 : i32
      %get3A_114 = arith.index_cast %mul3A_113 : i32 to index
      %get3A_115 = tpu.vector_load %arg14[%get3A_114] {strides = array<i32>} : memref<640xf32, #tpu.memory_space<vmem>>, vector<16xf32>,
      %add3A = arith.constant 1.000000e+00 : f32
      %add3A_116 = vector.broadcast %add3A : f32 to vector<16xf32>
      %add3A_117 = arith.addf %get3A_115, %add3A_116 : vector<16xf32>
      %bitcast3A = vector.bitcast %add3A_117 : vector<16xf32> to vector<16xi32>
      %shift_right_logical3A = arith.constant 1 : i32
      %shift_right_logical3A_118 = vector.broadcast %shift_right_logical3A : i32 to vector<16xi32>
      %shift_right_logical3A_119 = arith.shrui %bitcast3A, %shift_right_logical3A_118 : vector<16xi32>
      %sub3A = arith.constant 1597463007 : i32
      %sub3A_120 = vector.broadcast %sub3A : i32 to vector<16xi32>
      %sub3A_121 = arith.subi %sub3A_120, %shift_right_logical3A_119 : vector<16xi32>
      %bitcast3A_122 = vector.bitcast %sub3A_121 : vector<16xi32> to vector<16xf32>
      %mul3A_123 = arith.constant 5.000000e-01 : f32
      %mul3A_124 = vector.broadcast %mul3A_123 : f32 to vector<16xf32>
      %mul3A_125 = arith.mulf %mul3A_124, %add3A_117 : vector<16xf32>
      %mul3A_126 = arith.mulf %mul3A_125, %bitcast3A_122 : vector<16xf32>
      %mul3A_127 = arith.mulf %mul3A_126, %bitcast3A_122 : vector<16xf32>
      %sub3A_128 = arith.constant 1.500000e+00 : f32
      %sub3A_129 = vector.broadcast %sub3A_128 : f32 to vector<16xf32>
      %sub3A_130 = arith.subf %sub3A_129, %mul3A_127 : vector<16xf32>
      %mul3A_131 = arith.mulf %bitcast3A_122, %sub3A_130 : vector<16xf32>
      %mul3A_132 = arith.constant 5.000000e-01 : f32
      %mul3A_133 = vector.broadcast %mul3A_132 : f32 to vector<16xf32>
      %mul3A_134 = arith.mulf %mul3A_133, %add3A_117 : vector<16xf32>
      %mul3A_135 = arith.mulf %mul3A_134, %mul3A_131 : vector<16xf32>
      %mul3A_136 = arith.mulf %mul3A_135, %mul3A_131 : vector<16xf32>
      %sub3A_137 = arith.constant 1.500000e+00 : f32
      %sub3A_138 = vector.broadcast %sub3A_137 : f32 to vector<16xf32>
      %sub3A_139 = arith.subf %sub3A_138, %mul3A_136 : vector<16xf32>
      %mul3A_140 = arith.mulf %mul3A_131, %sub3A_139 : vector<16xf32>
      %mul3A_141 = arith.constant 5.000000e-01 : f32
      %mul3A_142 = vector.broadcast %mul3A_141 : f32 to vector<16xf32>
      %mul3A_143 = arith.mulf %mul3A_142, %add3A_117 : vector<16xf32>
      %mul3A_144 = arith.mulf %mul3A_143, %mul3A_140 : vector<16xf32>
      %mul3A_145 = arith.mulf %mul3A_144, %mul3A_140 : vector<16xf32>
      %sub3A_146 = arith.constant 1.500000e+00 : f32
      %sub3A_147 = vector.broadcast %sub3A_146 : f32 to vector<16xf32>
      %sub3A_148 = arith.subf %sub3A_147, %mul3A_145 : vector<16xf32>
      %mul3A_149 = arith.mulf %mul3A_140, %sub3A_148 : vector<16xf32>
      %mul3A_150 = arith.constant 16 : i32
      %mul3A_151 = arith.muli %scan3A_111, %mul3A_150 : i32
      %swap3A = arith.index_cast %mul3A_151 : i32 to index
      %swap3A_152 = tpu.vector_load %arg15[%swap3A] {strides = array<i32>} : memref<640xf32, #tpu.memory_space<vmem>>, vector<16xf32>,
      tpu.vector_store %arg15[%swap3A], %mul3A_149 {strides = array<i32>} : memref<640xf32, #tpu.memory_space<vmem>>, vector<16xf32>,
      %mul3A_153 = arith.mulf %mul3A_149, %mul3A_149 : vector<16xf32>
      %mul3A_154 = arith.constant 16 : i32
      %mul3A_155 = arith.muli %scan3A_111, %mul3A_154 : i32
      %swap3A_156 = arith.index_cast %mul3A_155 : i32 to index
      %swap3A_157 = tpu.vector_load %arg16[%swap3A_156] {strides = array<i32>} : memref<640xf32, #tpu.memory_space<vmem>>, vector<16xf32>,
      tpu.vector_store %arg16[%swap3A_156], %mul3A_153 {strides = array<i32>} : memref<640xf32, #tpu.memory_space<vmem>>, vector<16xf32>,
    }
    %scan3A_18 = arith.constant 40 : i32
    %scan3A_19 = arith.constant 0 : i32
    %scan3A_20 = arith.constant 0 : i32
    %scan3A_21 = arith.constant 40 : i32
    %scan3A_22 = arith.addi %scan3A_20, %scan3A_21 : i32
    %scan3A_23 = arith.constant 1 : i32
    scf.for %scan3A_111 = %scan3A_20 to %scan3A_22 step %scan3A_23  : i32 {
      %mul3A_112 = arith.constant 16 : i32
      %mul3A_113 = arith.muli %scan3A_111, %mul3A_112 : i32
      %get3A_114 = arith.index_cast %mul3A_113 : i32 to index
      %get3A_115 = tpu.vector_load %arg15[%get3A_114] {strides = array<i32>} : memref<640xf32, #tpu.memory_space<vmem>>, vector<16xf32>,
      %add3A = arith.constant 0 : i32
      %add3A_116 = arith.addi %mul3A_113, %add3A : i32
      %get3A_117 = arith.index_cast %add3A_116 : i32 to index
      %get3A_118 = arith.constant 0 : index
      %get3A_119 = tpu.vector_load %arg13[%get3A_117, %get3A_118] {strides = array<i32>} : memref<640x32xf32, #tpu.memory_space<vmem>>, vector<16xf32>,
      %slice3A = vector.extract_strided_slice %get3A_115 {offsets = [0], sizes = [1], strides = [1]} : vector<16xf32> to vector<1xf32>
      %squeeze3A = vector.extract %slice3A[0] : f32 from vector<1xf32>
      %mul3A_120 = vector.broadcast %squeeze3A : f32 to vector<16xf32>
      %mul3A_121 = arith.mulf %get3A_119, %mul3A_120 : vector<16xf32>
      %swap3A = arith.index_cast %add3A_116 : i32 to index
      %swap3A_122 = arith.constant 0 : index
      %swap3A_123 = tpu.vector_load %arg13[%swap3A, %swap3A_122] {strides = array<i32>} : memref<640x32xf32, #tpu.memory_space<vmem>>, vector<16xf32>,
      tpu.vector_store %arg13[%swap3A, %swap3A_122], %mul3A_121 {strides = array<i32>} : memref<640x32xf32, #tpu.memory_space<vmem>>, vector<16xf32>,
      %get3A_124 = arith.index_cast %add3A_116 : i32 to index
      %get3A_125 = arith.constant 16 : index
      %get3A_126 = tpu.vector_load %arg13[%get3A_124, %get3A_125] {strides = array<i32>} : memref<640x32xf32, #tpu.memory_space<vmem>>, vector<16xf32>,
      %slice3A_127 = vector.extract_strided_slice %get3A_115 {offsets = [0], sizes = [1], strides = [1]} : vector<16xf32> to vector<1xf32>
      %squeeze3A_128 = vector.extract %slice3A_127[0] : f32 from vector<1xf32>
      %mul3A_129 = vector.broadcast %squeeze3A_128 : f32 to vector<16xf32>
      %mul3A_130 = arith.mulf %get3A_126, %mul3A_129 : vector<16xf32>
      %swap3A_131 = arith.index_cast %add3A_116 : i32 to index
      %swap3A_132 = arith.constant 16 : index
      %swap3A_133 = tpu.vector_load %arg13[%swap3A_131, %swap3A_132] {strides = array<i32>} : memref<640x32xf32, #tpu.memory_space<vmem>>, vector<16xf32>,
      tpu.vector_store %arg13[%swap3A_131, %swap3A_132], %mul3A_130 {strides = array<i32>} : memref<640x32xf32, #tpu.memory_space<vmem>>, vector<16xf32>,
      %add3A_134 = arith.constant 1 : i32
      %add3A_135 = arith.addi %mul3A_113, %add3A_134 : i32
      %get3A_136 = arith.index_cast %add3A_135 : i32 to index
      %get3A_137 = arith.constant 0 : index
      %get3A_138 = tpu.vector_load %arg13[%get3A_136, %get3A_137] {strides = array<i32>} : memref<640x32xf32, #tpu.memory_space<vmem>>, vector<16xf32>,
      %slice3A_139 = vector.extract_strided_slice %get3A_115 {offsets = [1], sizes = [1], strides = [1]} : vector<16xf32> to vector<1xf32>
      %squeeze3A_140 = vector.extract %slice3A_139[0] : f32 from vector<1xf32>
      %mul3A_141 = vector.broadcast %squeeze3A_140 : f32 to vector<16xf32>
      %mul3A_142 = arith.mulf %get3A_138, %mul3A_141 : vector<16xf32>
      %swap3A_143 = arith.index_cast %add3A_135 : i32 to index
      %swap3A_144 = arith.constant 0 : index
      %swap3A_145 = tpu.vector_load %arg13[%swap3A_143, %swap3A_144] {strides = array<i32>} : memref<640x32xf32, #tpu.memory_space<vmem>>, vector<16xf32>,
      tpu.vector_store %arg13[%swap3A_143, %swap3A_144], %mul3A_142 {strides = array<i32>} : memref<640x32xf32, #tpu.memory_space<vmem>>, vector<16xf32>,
      %get3A_146 = arith.index_cast %add3A_135 : i32 to index
      %get3A_147 = arith.constant 16 : index
      %get3A_148 = tpu.vector_load %arg13[%get3A_146, %get3A_147] {strides = array<i32>} : memref<640x32xf32, #tpu.memory_space<vmem>>, vector<16xf32>,
      %slice3A_149 = vector.extract_strided_slice %get3A_115 {offsets = [1], sizes = [1], strides = [1]} : vector<16xf32> to vector<1xf32>
      %squeeze3A_150 = vector.extract %slice3A_149[0] : f32 from vector<1xf32>
      %mul3A_151 = vector.broadcast %squeeze3A_150 : f32 to vector<16xf32>
      %mul3A_152 = arith.mulf %get3A_148, %mul3A_151 : vector<16xf32>
      %swap3A_153 = arith.index_cast %add3A_135 : i32 to index
      %swap3A_154 = arith.constant 16 : index
      %swap3A_155 = tpu.vector_load %arg13[%swap3A_153, %swap3A_154] {strides = array<i32>} : memref<640x32xf32, #tpu.memory_space<vmem>>, vector<16xf32>,
      tpu.vector_store %arg13[%swap3A_153, %swap3A_154], %mul3A_152 {strides = array<i32>} : memref<640x32xf32, #tpu.memory_space<vmem>>, vector<16xf32>,
      %add3A_156 = arith.constant 2 : i32
      %add3A_157 = arith.addi %mul3A_113, %add3A_156 : i32
      %get3A_158 = arith.index_cast %add3A_157 : i32 to index
      %get3A_159 = arith.constant 0 : index
      %get3A_160 = tpu.vector_load %arg13[%get3A_158, %get3A_159] {strides = array<i32>} : memref<640x32xf32, #tpu.memory_space<vmem>>, vector<16xf32>,
      %slice3A_161 = vector.extract_strided_slice %get3A_115 {offsets = [2], sizes = [1], strides = [1]} : vector<16xf32> to vector<1xf32>
      %squeeze3A_162 = vector.extract %slice3A_161[0] : f32 from vector<1xf32>
      %mul3A_163 = vector.broadcast %squeeze3A_162 : f32 to vector<16xf32>
      %mul3A_164 = arith.mulf %get3A_160, %mul3A_163 : vector<16xf32>
      %swap3A_165 = arith.index_cast %add3A_157 : i32 to index
      %swap3A_166 = arith.constant 0 : index
      %swap3A_167 = tpu.vector_load %arg13[%swap3A_165, %swap3A_166] {strides = array<i32>} : memref<640x32xf32, #tpu.memory_space<vmem>>, vector<16xf32>,
      tpu.vector_store %arg13[%swap3A_165, %swap3A_166], %mul3A_164 {strides = array<i32>} : memref<640x32xf32, #tpu.memory_space<vmem>>, vector<16xf32>,
      %get3A_168 = arith.index_cast %add3A_157 : i32 to index
      %get3A_169 = arith.constant 16 : index
      %get3A_170 = tpu.vector_load %arg13[%get3A_168, %get3A_169] {strides = array<i32>} : memref<640x32xf32, #tpu.memory_space<vmem>>, vector<16xf32>,
      %slice3A_171 = vector.extract_strided_slice %get3A_115 {offsets = [2], sizes = [1], strides = [1]} : vector<16xf32> to vector<1xf32>
      %squeeze3A_172 = vector.extract %slice3A_171[0] : f32 from vector<1xf32>
      %mul3A_173 = vector.broadcast %squeeze3A_172 : f32 to vector<16xf32>
      %mul3A_174 = arith.mulf %get3A_170, %mul3A_173 : vector<16xf32>
      %swap3A_175 = arith.index_cast %add3A_157 : i32 to index
      %swap3A_176 = arith.constant 16 : index
      %swap3A_177 = tpu.vector_load %arg13[%swap3A_175, %swap3A_176] {strides = array<i32>} : memref<640x32xf32, #tpu.memory_space<vmem>>, vector<16xf32>,
      tpu.vector_store %arg13[%swap3A_175, %swap3A_176], %mul3A_174 {strides = array<i32>} : memref<640x32xf32, #tpu.memory_space<vmem>>, vector<16xf32>,
      %add3A_178 = arith.constant 3 : i32
      %add3A_179 = arith.addi %mul3A_113, %add3A_178 : i32
      %get3A_180 = arith.index_cast %add3A_179 : i32 to index
      %get3A_181 = arith.constant 0 : index
      %get3A_182 = tpu.vector_load %arg13[%get3A_180, %get3A_181] {strides = array<i32>} : memref<640x32xf32, #tpu.memory_space<vmem>>, vector<16xf32>,
      %slice3A_183 = vector.extract_strided_slice %get3A_115 {offsets = [3], sizes = [1], strides = [1]} : vector<16xf32> to vector<1xf32>
      %squeeze3A_184 = vector.extract %slice3A_183[0] : f32 from vector<1xf32>
      %mul3A_185 = vector.broadcast %squeeze3A_184 : f32 to vector<16xf32>
      %mul3A_186 = arith.mulf %get3A_182, %mul3A_185 : vector<16xf32>
      %swap3A_187 = arith.index_cast %add3A_179 : i32 to index
      %swap3A_188 = arith.constant 0 : index
      %swap3A_189 = tpu.vector_load %arg13[%swap3A_187, %swap3A_188] {strides = array<i32>} : memref<640x32xf32, #tpu.memory_space<vmem>>, vector<16xf32>,
      tpu.vector_store %arg13[%swap3A_187, %swap3A_188], %mul3A_186 {strides = array<i32>} : memref<640x32xf32, #tpu.memory_space<vmem>>, vector<16xf32>,
      %get3A_190 = arith.index_cast %add3A_179 : i32 to index
      %get3A_191 = arith.constant 16 : index
      %get3A_192 = tpu.vector_load %arg13[%get3A_190, %get3A_191] {strides = array<i32>} : memref<640x32xf32, #tpu.memory_space<vmem>>, vector<16xf32>,
      %slice3A_193 = vector.extract_strided_slice %get3A_115 {offsets = [3], sizes = [1], strides = [1]} : vector<16xf32> to vector<1xf32>
      %squeeze3A_194 = vector.extract %slice3A_193[0] : f32 from vector<1xf32>
      %mul3A_195 = vector.broadcast %squeeze3A_194 : f32 to vector<16xf32>
      %mul3A_196 = arith.mulf %get3A_192, %mul3A_195 : vector<16xf32>
      %swap3A_197 = arith.index_cast %add3A_179 : i32 to index
      %swap3A_198 = arith.constant 16 : index
      %swap3A_199 = tpu.vector_load %arg13[%swap3A_197, %swap3A_198] {strides = array<i32>} : memref<640x32xf32, #tpu.memory_space<vmem>>, vector<16xf32>,
      tpu.vector_store %arg13[%swap3A_197, %swap3A_198], %mul3A_196 {strides = array<i32>} : memref<640x32xf32, #tpu.memory_space<vmem>>, vector<16xf32>,
      %add3A_200 = arith.constant 4 : i32
      %add3A_201 = arith.addi %mul3A_113, %add3A_200 : i32
      %get3A_202 = arith.index_cast %add3A_201 : i32 to index
      %get3A_203 = arith.constant 0 : index
      %get3A_204 = tpu.vector_load %arg13[%get3A_202, %get3A_203] {strides = array<i32>} : memref<640x32xf32, #tpu.memory_space<vmem>>, vector<16xf32>,
      %slice3A_205 = vector.extract_strided_slice %get3A_115 {offsets = [4], sizes = [1], strides = [1]} : vector<16xf32> to vector<1xf32>
      %squeeze3A_206 = vector.extract %slice3A_205[0] : f32 from vector<1xf32>
      %mul3A_207 = vector.broadcast %squeeze3A_206 : f32 to vector<16xf32>
      %mul3A_208 = arith.mulf %get3A_204, %mul3A_207 : vector<16xf32>
      %swap3A_209 = arith.index_cast %add3A_201 : i32 to index
      %swap3A_210 = arith.constant 0 : index
      %swap3A_211 = tpu.vector_load %arg13[%swap3A_209, %swap3A_210] {strides = array<i32>} : memref<640x32xf32, #tpu.memory_space<vmem>>, vector<16xf32>,
      tpu.vector_store %arg13[%swap3A_209, %swap3A_210], %mul3A_208 {strides = array<i32>} : memref<640x32xf32, #tpu.memory_space<vmem>>, vector<16xf32>,
      %get3A_212 = arith.index_cast %add3A_201 : i32 to index
      %get3A_213 = arith.constant 16 : index
      %get3A_214 = tpu.vector_load %arg13[%get3A_212, %get3A_213] {strides = array<i32>} : memref<640x32xf32, #tpu.memory_space<vmem>>, vector<16xf32>,
      %slice3A_215 = vector.extract_strided_slice %get3A_115 {offsets = [4], sizes = [1], strides = [1]} : vector<16xf32> to vector<1xf32>
      %squeeze3A_216 = vector.extract %slice3A_215[0] : f32 from vector<1xf32>
      %mul3A_217 = vector.broadcast %squeeze3A_216 : f32 to vector<16xf32>
      %mul3A_218 = arith.mulf %get3A_214, %mul3A_217 : vector<16xf32>
      %swap3A_219 = arith.index_cast %add3A_201 : i32 to index
      %swap3A_220 = arith.constant 16 : index
      %swap3A_221 = tpu.vector_load %arg13[%swap3A_219, %swap3A_220] {strides = array<i32>} : memref<640x32xf32, #tpu.memory_space<vmem>>, vector<16xf32>,
      tpu.vector_store %arg13[%swap3A_219, %swap3A_220], %mul3A_218 {strides = array<i32>} : memref<640x32xf32, #tpu.memory_space<vmem>>, vector<16xf32>,
      %add3A_222 = arith.constant 5 : i32
      %add3A_223 = arith.addi %mul3A_113, %add3A_222 : i32
      %get3A_224 = arith.index_cast %add3A_223 : i32 to index
      %get3A_225 = arith.constant 0 : index
      %get3A_226 = tpu.vector_load %arg13[%get3A_224, %get3A_225] {strides = array<i32>} : memref<640x32xf32, #tpu.memory_space<vmem>>, vector<16xf32>,
      %slice3A_227 = vector.extract_strided_slice %get3A_115 {offsets = [5], sizes = [1], strides = [1]} : vector<16xf32> to vector<1xf32>
      %squeeze3A_228 = vector.extract %slice3A_227[0] : f32 from vector<1xf32>
      %mul3A_229 = vector.broadcast %squeeze3A_228 : f32 to vector<16xf32>
      %mul3A_230 = arith.mulf %get3A_226, %mul3A_229 : vector<16xf32>
      %swap3A_231 = arith.index_cast %add3A_223 : i32 to index
      %swap3A_232 = arith.constant 0 : index
      %swap3A_233 = tpu.vector_load %arg13[%swap3A_231, %swap3A_232] {strides = array<i32>} : memref<640x32xf32, #tpu.memory_space<vmem>>, vector<16xf32>,
      tpu.vector_store %arg13[%swap3A_231, %swap3A_232], %mul3A_230 {strides = array<i32>} : memref<640x32xf32, #tpu.memory_space<vmem>>, vector<16xf32>,
      %get3A_234 = arith.index_cast %add3A_223 : i32 to index
      %get3A_235 = arith.constant 16 : index
      %get3A_236 = tpu.vector_load %arg13[%get3A_234, %get3A_235] {strides = array<i32>} : memref<640x32xf32, #tpu.memory_space<vmem>>, vector<16xf32>,
      %slice3A_237 = vector.extract_strided_slice %get3A_115 {offsets = [5], sizes = [1], strides = [1]} : vector<16xf32> to vector<1xf32>
      %squeeze3A_238 = vector.extract %slice3A_237[0] : f32 from vector<1xf32>
      %mul3A_239 = vector.broadcast %squeeze3A_238 : f32 to vector<16xf32>
      %mul3A_240 = arith.mulf %get3A_236, %mul3A_239 : vector<16xf32>
      %swap3A_241 = arith.index_cast %add3A_223 : i32 to index
      %swap3A_242 = arith.constant 16 : index
      %swap3A_243 = tpu.vector_load %arg13[%swap3A_241, %swap3A_242] {strides = array<i32>} : memref<640x32xf32, #tpu.memory_space<vmem>>, vector<16xf32>,
      tpu.vector_store %arg13[%swap3A_241, %swap3A_242], %mul3A_240 {strides = array<i32>} : memref<640x32xf32, #tpu.memory_space<vmem>>, vector<16xf32>,
      %add3A_244 = arith.constant 6 : i32
      %add3A_245 = arith.addi %mul3A_113, %add3A_244 : i32
      %get3A_246 = arith.index_cast %add3A_245 : i32 to index
      %get3A_247 = arith.constant 0 : index
      %get3A_248 = tpu.vector_load %arg13[%get3A_246, %get3A_247] {strides = array<i32>} : memref<640x32xf32, #tpu.memory_space<vmem>>, vector<16xf32>,
      %slice3A_249 = vector.extract_strided_slice %get3A_115 {offsets = [6], sizes = [1], strides = [1]} : vector<16xf32> to vector<1xf32>
      %squeeze3A_250 = vector.extract %slice3A_249[0] : f32 from vector<1xf32>
      %mul3A_251 = vector.broadcast %squeeze3A_250 : f32 to vector<16xf32>
      %mul3A_252 = arith.mulf %get3A_248, %mul3A_251 : vector<16xf32>
      %swap3A_253 = arith.index_cast %add3A_245 : i32 to index
      %swap3A_254 = arith.constant 0 : index
      %swap3A_255 = tpu.vector_load %arg13[%swap3A_253, %swap3A_254] {strides = array<i32>} : memref<640x32xf32, #tpu.memory_space<vmem>>, vector<16xf32>,
      tpu.vector_store %arg13[%swap3A_253, %swap3A_254], %mul3A_252 {strides = array<i32>} : memref<640x32xf32, #tpu.memory_space<vmem>>, vector<16xf32>,
      %get3A_256 = arith.index_cast %add3A_245 : i32 to index
      %get3A_257 = arith.constant 16 : index
      %get3A_258 = tpu.vector_load %arg13[%get3A_256, %get3A_257] {strides = array<i32>} : memref<640x32xf32, #tpu.memory_space<vmem>>, vector<16xf32>,
      %slice3A_259 = vector.extract_strided_slice %get3A_115 {offsets = [6], sizes = [1], strides = [1]} : vector<16xf32> to vector<1xf32>
      %squeeze3A_260 = vector.extract %slice3A_259[0] : f32 from vector<1xf32>
      %mul3A_261 = vector.broadcast %squeeze3A_260 : f32 to vector<16xf32>
      %mul3A_262 = arith.mulf %get3A_258, %mul3A_261 : vector<16xf32>
      %swap3A_263 = arith.index_cast %add3A_245 : i32 to index
      %swap3A_264 = arith.constant 16 : index
      %swap3A_265 = tpu.vector_load %arg13[%swap3A_263, %swap3A_264] {strides = array<i32>} : memref<640x32xf32, #tpu.memory_space<vmem>>, vector<16xf32>,
      tpu.vector_store %arg13[%swap3A_263, %swap3A_264], %mul3A_262 {strides = array<i32>} : memref<640x32xf32, #tpu.memory_space<vmem>>, vector<16xf32>,
      %add3A_266 = arith.constant 7 : i32
      %add3A_267 = arith.addi %mul3A_113, %add3A_266 : i32
      %get3A_268 = arith.index_cast %add3A_267 : i32 to index
      %get3A_269 = arith.constant 0 : index
      %get3A_270 = tpu.vector_load %arg13[%get3A_268, %get3A_269] {strides = array<i32>} : memref<640x32xf32, #tpu.memory_space<vmem>>, vector<16xf32>,
      %slice3A_271 = vector.extract_strided_slice %get3A_115 {offsets = [7], sizes = [1], strides = [1]} : vector<16xf32> to vector<1xf32>
      %squeeze3A_272 = vector.extract %slice3A_271[0] : f32 from vector<1xf32>
      %mul3A_273 = vector.broadcast %squeeze3A_272 : f32 to vector<16xf32>
      %mul3A_274 = arith.mulf %get3A_270, %mul3A_273 : vector<16xf32>
      %swap3A_275 = arith.index_cast %add3A_267 : i32 to index
      %swap3A_276 = arith.constant 0 : index
      %swap3A_277 = tpu.vector_load %arg13[%swap3A_275, %swap3A_276] {strides = array<i32>} : memref<640x32xf32, #tpu.memory_space<vmem>>, vector<16xf32>,
      tpu.vector_store %arg13[%swap3A_275, %swap3A_276], %mul3A_274 {strides = array<i32>} : memref<640x32xf32, #tpu.memory_space<vmem>>, vector<16xf32>,
      %get3A_278 = arith.index_cast %add3A_267 : i32 to index
      %get3A_279 = arith.constant 16 : index
      %get3A_280 = tpu.vector_load %arg13[%get3A_278, %get3A_279] {strides = array<i32>} : memref<640x32xf32, #tpu.memory_space<vmem>>, vector<16xf32>,
      %slice3A_281 = vector.extract_strided_slice %get3A_115 {offsets = [7], sizes = [1], strides = [1]} : vector<16xf32> to vector<1xf32>
      %squeeze3A_282 = vector.extract %slice3A_281[0] : f32 from vector<1xf32>
      %mul3A_283 = vector.broadcast %squeeze3A_282 : f32 to vector<16xf32>
      %mul3A_284 = arith.mulf %get3A_280, %mul3A_283 : vector<16xf32>
      %swap3A_285 = arith.index_cast %add3A_267 : i32 to index
      %swap3A_286 = arith.constant 16 : index
      %swap3A_287 = tpu.vector_load %arg13[%swap3A_285, %swap3A_286] {strides = array<i32>} : memref<640x32xf32, #tpu.memory_space<vmem>>, vector<16xf32>,
      tpu.vector_store %arg13[%swap3A_285, %swap3A_286], %mul3A_284 {strides = array<i32>} : memref<640x32xf32, #tpu.memory_space<vmem>>, vector<16xf32>,
      %add3A_288 = arith.constant 8 : i32
      %add3A_289 = arith.addi %mul3A_113, %add3A_288 : i32
      %get3A_290 = arith.index_cast %add3A_289 : i32 to index
      %get3A_291 = arith.constant 0 : index
      %get3A_292 = tpu.vector_load %arg13[%get3A_290, %get3A_291] {strides = array<i32>} : memref<640x32xf32, #tpu.memory_space<vmem>>, vector<16xf32>,
      %slice3A_293 = vector.extract_strided_slice %get3A_115 {offsets = [8], sizes = [1], strides = [1]} : vector<16xf32> to vector<1xf32>
      %squeeze3A_294 = vector.extract %slice3A_293[0] : f32 from vector<1xf32>
      %mul3A_295 = vector.broadcast %squeeze3A_294 : f32 to vector<16xf32>
      %mul3A_296 = arith.mulf %get3A_292, %mul3A_295 : vector<16xf32>
      %swap3A_297 = arith.index_cast %add3A_289 : i32 to index
      %swap3A_298 = arith.constant 0 : index
      %swap3A_299 = tpu.vector_load %arg13[%swap3A_297, %swap3A_298] {strides = array<i32>} : memref<640x32xf32, #tpu.memory_space<vmem>>, vector<16xf32>,
      tpu.vector_store %arg13[%swap3A_297, %swap3A_298], %mul3A_296 {strides = array<i32>} : memref<640x32xf32, #tpu.memory_space<vmem>>, vector<16xf32>,
      %get3A_300 = arith.index_cast %add3A_289 : i32 to index
      %get3A_301 = arith.constant 16 : index
      %get3A_302 = tpu.vector_load %arg13[%get3A_300, %get3A_301] {strides = array<i32>} : memref<640x32xf32, #tpu.memory_space<vmem>>, vector<16xf32>,
      %slice3A_303 = vector.extract_strided_slice %get3A_115 {offsets = [8], sizes = [1], strides = [1]} : vector<16xf32> to vector<1xf32>
      %squeeze3A_304 = vector.extract %slice3A_303[0] : f32 from vector<1xf32>
      %mul3A_305 = vector.broadcast %squeeze3A_304 : f32 to vector<16xf32>
      %mul3A_306 = arith.mulf %get3A_302, %mul3A_305 : vector<16xf32>
      %swap3A_307 = arith.index_cast %add3A_289 : i32 to index
      %swap3A_308 = arith.constant 16 : index
      %swap3A_309 = tpu.vector_load %arg13[%swap3A_307, %swap3A_308] {strides = array<i32>} : memref<640x32xf32, #tpu.memory_space<vmem>>, vector<16xf32>,
      tpu.vector_store %arg13[%swap3A_307, %swap3A_308], %mul3A_306 {strides = array<i32>} : memref<640x32xf32, #tpu.memory_space<vmem>>, vector<16xf32>,
      %add3A_310 = arith.constant 9 : i32
      %add3A_311 = arith.addi %mul3A_113, %add3A_310 : i32
      %get3A_312 = arith.index_cast %add3A_311 : i32 to index
      %get3A_313 = arith.constant 0 : index
      %get3A_314 = tpu.vector_load %arg13[%get3A_312, %get3A_313] {strides = array<i32>} : memref<640x32xf32, #tpu.memory_space<vmem>>, vector<16xf32>,
      %slice3A_315 = vector.extract_strided_slice %get3A_115 {offsets = [9], sizes = [1], strides = [1]} : vector<16xf32> to vector<1xf32>
      %squeeze3A_316 = vector.extract %slice3A_315[0] : f32 from vector<1xf32>
      %mul3A_317 = vector.broadcast %squeeze3A_316 : f32 to vector<16xf32>
      %mul3A_318 = arith.mulf %get3A_314, %mul3A_317 : vector<16xf32>
      %swap3A_319 = arith.index_cast %add3A_311 : i32 to index
      %swap3A_320 = arith.constant 0 : index
      %swap3A_321 = tpu.vector_load %arg13[%swap3A_319, %swap3A_320] {strides = array<i32>} : memref<640x32xf32, #tpu.memory_space<vmem>>, vector<16xf32>,
      tpu.vector_store %arg13[%swap3A_319, %swap3A_320], %mul3A_318 {strides = array<i32>} : memref<640x32xf32, #tpu.memory_space<vmem>>, vector<16xf32>,
      %get3A_322 = arith.index_cast %add3A_311 : i32 to index
      %get3A_323 = arith.constant 16 : index
      %get3A_324 = tpu.vector_load %arg13[%get3A_322, %get3A_323] {strides = array<i32>} : memref<640x32xf32, #tpu.memory_space<vmem>>, vector<16xf32>,
      %slice3A_325 = vector.extract_strided_slice %get3A_115 {offsets = [9], sizes = [1], strides = [1]} : vector<16xf32> to vector<1xf32>
      %squeeze3A_326 = vector.extract %slice3A_325[0] : f32 from vector<1xf32>
      %mul3A_327 = vector.broadcast %squeeze3A_326 : f32 to vector<16xf32>
      %mul3A_328 = arith.mulf %get3A_324, %mul3A_327 : vector<16xf32>
      %swap3A_329 = arith.index_cast %add3A_311 : i32 to index
      %swap3A_330 = arith.constant 16 : index
      %swap3A_331 = tpu.vector_load %arg13[%swap3A_329, %swap3A_330] {strides = array<i32>} : memref<640x32xf32, #tpu.memory_space<vmem>>, vector<16xf32>,
      tpu.vector_store %arg13[%swap3A_329, %swap3A_330], %mul3A_328 {strides = array<i32>} : memref<640x32xf32, #tpu.memory_space<vmem>>, vector<16xf32>,
      %add3A_332 = arith.constant 10 : i32
      %add3A_333 = arith.addi %mul3A_113, %add3A_332 : i32
      %get3A_334 = arith.index_cast %add3A_333 : i32 to index
      %get3A_335 = arith.constant 0 : index
      %get3A_336 = tpu.vector_load %arg13[%get3A_334, %get3A_335] {strides = array<i32>} : memref<640x32xf32, #tpu.memory_space<vmem>>, vector<16xf32>,
      %slice3A_337 = vector.extract_strided_slice %get3A_115 {offsets = [10], sizes = [1], strides = [1]} : vector<16xf32> to vector<1xf32>
      %squeeze3A_338 = vector.extract %slice3A_337[0] : f32 from vector<1xf32>
      %mul3A_339 = vector.broadcast %squeeze3A_338 : f32 to vector<16xf32>
      %mul3A_340 = arith.mulf %get3A_336, %mul3A_339 : vector<16xf32>
      %swap3A_341 = arith.index_cast %add3A_333 : i32 to index
      %swap3A_342 = arith.constant 0 : index
      %swap3A_343 = tpu.vector_load %arg13[%swap3A_341, %swap3A_342] {strides = array<i32>} : memref<640x32xf32, #tpu.memory_space<vmem>>, vector<16xf32>,
      tpu.vector_store %arg13[%swap3A_341, %swap3A_342], %mul3A_340 {strides = array<i32>} : memref<640x32xf32, #tpu.memory_space<vmem>>, vector<16xf32>,
      %get3A_344 = arith.index_cast %add3A_333 : i32 to index
      %get3A_345 = arith.constant 16 : index
      %get3A_346 = tpu.vector_load %arg13[%get3A_344, %get3A_345] {strides = array<i32>} : memref<640x32xf32, #tpu.memory_space<vmem>>, vector<16xf32>,
      %slice3A_347 = vector.extract_strided_slice %get3A_115 {offsets = [10], sizes = [1], strides = [1]} : vector<16xf32> to vector<1xf32>
      %squeeze3A_348 = vector.extract %slice3A_347[0] : f32 from vector<1xf32>
      %mul3A_349 = vector.broadcast %squeeze3A_348 : f32 to vector<16xf32>
      %mul3A_350 = arith.mulf %get3A_346, %mul3A_349 : vector<16xf32>
      %swap3A_351 = arith.index_cast %add3A_333 : i32 to index
      %swap3A_352 = arith.constant 16 : index
      %swap3A_353 = tpu.vector_load %arg13[%swap3A_351, %swap3A_352] {strides = array<i32>} : memref<640x32xf32, #tpu.memory_space<vmem>>, vector<16xf32>,
      tpu.vector_store %arg13[%swap3A_351, %swap3A_352], %mul3A_350 {strides = array<i32>} : memref<640x32xf32, #tpu.memory_space<vmem>>, vector<16xf32>,
      %add3A_354 = arith.constant 11 : i32
      %add3A_355 = arith.addi %mul3A_113, %add3A_354 : i32
      %get3A_356 = arith.index_cast %add3A_355 : i32 to index
      %get3A_357 = arith.constant 0 : index
      %get3A_358 = tpu.vector_load %arg13[%get3A_356, %get3A_357] {strides = array<i32>} : memref<640x32xf32, #tpu.memory_space<vmem>>, vector<16xf32>,
      %slice3A_359 = vector.extract_strided_slice %get3A_115 {offsets = [11], sizes = [1], strides = [1]} : vector<16xf32> to vector<1xf32>
      %squeeze3A_360 = vector.extract %slice3A_359[0] : f32 from vector<1xf32>
      %mul3A_361 = vector.broadcast %squeeze3A_360 : f32 to vector<16xf32>
      %mul3A_362 = arith.mulf %get3A_358, %mul3A_361 : vector<16xf32>
      %swap3A_363 = arith.index_cast %add3A_355 : i32 to index
      %swap3A_364 = arith.constant 0 : index
      %swap3A_365 = tpu.vector_load %arg13[%swap3A_363, %swap3A_364] {strides = array<i32>} : memref<640x32xf32, #tpu.memory_space<vmem>>, vector<16xf32>,
      tpu.vector_store %arg13[%swap3A_363, %swap3A_364], %mul3A_362 {strides = array<i32>} : memref<640x32xf32, #tpu.memory_space<vmem>>, vector<16xf32>,
      %get3A_366 = arith.index_cast %add3A_355 : i32 to index
      %get3A_367 = arith.constant 16 : index
      %get3A_368 = tpu.vector_load %arg13[%get3A_366, %get3A_367] {strides = array<i32>} : memref<640x32xf32, #tpu.memory_space<vmem>>, vector<16xf32>,
      %slice3A_369 = vector.extract_strided_slice %get3A_115 {offsets = [11], sizes = [1], strides = [1]} : vector<16xf32> to vector<1xf32>
      %squeeze3A_370 = vector.extract %slice3A_369[0] : f32 from vector<1xf32>
      %mul3A_371 = vector.broadcast %squeeze3A_370 : f32 to vector<16xf32>
      %mul3A_372 = arith.mulf %get3A_368, %mul3A_371 : vector<16xf32>
      %swap3A_373 = arith.index_cast %add3A_355 : i32 to index
      %swap3A_374 = arith.constant 16 : index
      %swap3A_375 = tpu.vector_load %arg13[%swap3A_373, %swap3A_374] {strides = array<i32>} : memref<640x32xf32, #tpu.memory_space<vmem>>, vector<16xf32>,
      tpu.vector_store %arg13[%swap3A_373, %swap3A_374], %mul3A_372 {strides = array<i32>} : memref<640x32xf32, #tpu.memory_space<vmem>>, vector<16xf32>,
      %add3A_376 = arith.constant 12 : i32
      %add3A_377 = arith.addi %mul3A_113, %add3A_376 : i32
      %get3A_378 = arith.index_cast %add3A_377 : i32 to index
      %get3A_379 = arith.constant 0 : index
      %get3A_380 = tpu.vector_load %arg13[%get3A_378, %get3A_379] {strides = array<i32>} : memref<640x32xf32, #tpu.memory_space<vmem>>, vector<16xf32>,
      %slice3A_381 = vector.extract_strided_slice %get3A_115 {offsets = [12], sizes = [1], strides = [1]} : vector<16xf32> to vector<1xf32>
      %squeeze3A_382 = vector.extract %slice3A_381[0] : f32 from vector<1xf32>
      %mul3A_383 = vector.broadcast %squeeze3A_382 : f32 to vector<16xf32>
      %mul3A_384 = arith.mulf %get3A_380, %mul3A_383 : vector<16xf32>
      %swap3A_385 = arith.index_cast %add3A_377 : i32 to index
      %swap3A_386 = arith.constant 0 : index
      %swap3A_387 = tpu.vector_load %arg13[%swap3A_385, %swap3A_386] {strides = array<i32>} : memref<640x32xf32, #tpu.memory_space<vmem>>, vector<16xf32>,
      tpu.vector_store %arg13[%swap3A_385, %swap3A_386], %mul3A_384 {strides = array<i32>} : memref<640x32xf32, #tpu.memory_space<vmem>>, vector<16xf32>,
      %get3A_388 = arith.index_cast %add3A_377 : i32 to index
      %get3A_389 = arith.constant 16 : index
      %get3A_390 = tpu.vector_load %arg13[%get3A_388, %get3A_389] {strides = array<i32>} : memref<640x32xf32, #tpu.memory_space<vmem>>, vector<16xf32>,
      %slice3A_391 = vector.extract_strided_slice %get3A_115 {offsets = [12], sizes = [1], strides = [1]} : vector<16xf32> to vector<1xf32>
      %squeeze3A_392 = vector.extract %slice3A_391[0] : f32 from vector<1xf32>
      %mul3A_393 = vector.broadcast %squeeze3A_392 : f32 to vector<16xf32>
      %mul3A_394 = arith.mulf %get3A_390, %mul3A_393 : vector<16xf32>
      %swap3A_395 = arith.index_cast %add3A_377 : i32 to index
      %swap3A_396 = arith.constant 16 : index
      %swap3A_397 = tpu.vector_load %arg13[%swap3A_395, %swap3A_396] {strides = array<i32>} : memref<640x32xf32, #tpu.memory_space<vmem>>, vector<16xf32>,
      tpu.vector_store %arg13[%swap3A_395, %swap3A_396], %mul3A_394 {strides = array<i32>} : memref<640x32xf32, #tpu.memory_space<vmem>>, vector<16xf32>,
      %add3A_398 = arith.constant 13 : i32
      %add3A_399 = arith.addi %mul3A_113, %add3A_398 : i32
      %get3A_400 = arith.index_cast %add3A_399 : i32 to index
      %get3A_401 = arith.constant 0 : index
      %get3A_402 = tpu.vector_load %arg13[%get3A_400, %get3A_401] {strides = array<i32>} : memref<640x32xf32, #tpu.memory_space<vmem>>, vector<16xf32>,
      %slice3A_403 = vector.extract_strided_slice %get3A_115 {offsets = [13], sizes = [1], strides = [1]} : vector<16xf32> to vector<1xf32>
      %squeeze3A_404 = vector.extract %slice3A_403[0] : f32 from vector<1xf32>
      %mul3A_405 = vector.broadcast %squeeze3A_404 : f32 to vector<16xf32>
      %mul3A_406 = arith.mulf %get3A_402, %mul3A_405 : vector<16xf32>
      %swap3A_407 = arith.index_cast %add3A_399 : i32 to index
      %swap3A_408 = arith.constant 0 : index
      %swap3A_409 = tpu.vector_load %arg13[%swap3A_407, %swap3A_408] {strides = array<i32>} : memref<640x32xf32, #tpu.memory_space<vmem>>, vector<16xf32>,
      tpu.vector_store %arg13[%swap3A_407, %swap3A_408], %mul3A_406 {strides = array<i32>} : memref<640x32xf32, #tpu.memory_space<vmem>>, vector<16xf32>,
      %get3A_410 = arith.index_cast %add3A_399 : i32 to index
      %get3A_411 = arith.constant 16 : index
      %get3A_412 = tpu.vector_load %arg13[%get3A_410, %get3A_411] {strides = array<i32>} : memref<640x32xf32, #tpu.memory_space<vmem>>, vector<16xf32>,
      %slice3A_413 = vector.extract_strided_slice %get3A_115 {offsets = [13], sizes = [1], strides = [1]} : vector<16xf32> to vector<1xf32>
      %squeeze3A_414 = vector.extract %slice3A_413[0] : f32 from vector<1xf32>
      %mul3A_415 = vector.broadcast %squeeze3A_414 : f32 to vector<16xf32>
      %mul3A_416 = arith.mulf %get3A_412, %mul3A_415 : vector<16xf32>
      %swap3A_417 = arith.index_cast %add3A_399 : i32 to index
      %swap3A_418 = arith.constant 16 : index
      %swap3A_419 = tpu.vector_load %arg13[%swap3A_417, %swap3A_418] {strides = array<i32>} : memref<640x32xf32, #tpu.memory_space<vmem>>, vector<16xf32>,
      tpu.vector_store %arg13[%swap3A_417, %swap3A_418], %mul3A_416 {strides = array<i32>} : memref<640x32xf32, #tpu.memory_space<vmem>>, vector<16xf32>,
      %add3A_420 = arith.constant 14 : i32
      %add3A_421 = arith.addi %mul3A_113, %add3A_420 : i32
      %get3A_422 = arith.index_cast %add3A_421 : i32 to index
      %get3A_423 = arith.constant 0 : index
      %get3A_424 = tpu.vector_load %arg13[%get3A_422, %get3A_423] {strides = array<i32>} : memref<640x32xf32, #tpu.memory_space<vmem>>, vector<16xf32>,
      %slice3A_425 = vector.extract_strided_slice %get3A_115 {offsets = [14], sizes = [1], strides = [1]} : vector<16xf32> to vector<1xf32>
      %squeeze3A_426 = vector.extract %slice3A_425[0] : f32 from vector<1xf32>
      %mul3A_427 = vector.broadcast %squeeze3A_426 : f32 to vector<16xf32>
      %mul3A_428 = arith.mulf %get3A_424, %mul3A_427 : vector<16xf32>
      %swap3A_429 = arith.index_cast %add3A_421 : i32 to index
      %swap3A_430 = arith.constant 0 : index
      %swap3A_431 = tpu.vector_load %arg13[%swap3A_429, %swap3A_430] {strides = array<i32>} : memref<640x32xf32, #tpu.memory_space<vmem>>, vector<16xf32>,
      tpu.vector_store %arg13[%swap3A_429, %swap3A_430], %mul3A_428 {strides = array<i32>} : memref<640x32xf32, #tpu.memory_space<vmem>>, vector<16xf32>,
      %get3A_432 = arith.index_cast %add3A_421 : i32 to index
      %get3A_433 = arith.constant 16 : index
      %get3A_434 = tpu.vector_load %arg13[%get3A_432, %get3A_433] {strides = array<i32>} : memref<640x32xf32, #tpu.memory_space<vmem>>, vector<16xf32>,
      %slice3A_435 = vector.extract_strided_slice %get3A_115 {offsets = [14], sizes = [1], strides = [1]} : vector<16xf32> to vector<1xf32>
      %squeeze3A_436 = vector.extract %slice3A_435[0] : f32 from vector<1xf32>
      %mul3A_437 = vector.broadcast %squeeze3A_436 : f32 to vector<16xf32>
      %mul3A_438 = arith.mulf %get3A_434, %mul3A_437 : vector<16xf32>
      %swap3A_439 = arith.index_cast %add3A_421 : i32 to index
      %swap3A_440 = arith.constant 16 : index
      %swap3A_441 = tpu.vector_load %arg13[%swap3A_439, %swap3A_440] {strides = array<i32>} : memref<640x32xf32, #tpu.memory_space<vmem>>, vector<16xf32>,
      tpu.vector_store %arg13[%swap3A_439, %swap3A_440], %mul3A_438 {strides = array<i32>} : memref<640x32xf32, #tpu.memory_space<vmem>>, vector<16xf32>,
      %add3A_442 = arith.constant 15 : i32
      %add3A_443 = arith.addi %mul3A_113, %add3A_442 : i32
      %get3A_444 = arith.index_cast %add3A_443 : i32 to index
      %get3A_445 = arith.constant 0 : index
      %get3A_446 = tpu.vector_load %arg13[%get3A_444, %get3A_445] {strides = array<i32>} : memref<640x32xf32, #tpu.memory_space<vmem>>, vector<16xf32>,
      %slice3A_447 = vector.extract_strided_slice %get3A_115 {offsets = [15], sizes = [1], strides = [1]} : vector<16xf32> to vector<1xf32>
      %squeeze3A_448 = vector.extract %slice3A_447[0] : f32 from vector<1xf32>
      %mul3A_449 = vector.broadcast %squeeze3A_448 : f32 to vector<16xf32>
      %mul3A_450 = arith.mulf %get3A_446, %mul3A_449 : vector<16xf32>
      %swap3A_451 = arith.index_cast %add3A_443 : i32 to index
      %swap3A_452 = arith.constant 0 : index
      %swap3A_453 = tpu.vector_load %arg13[%swap3A_451, %swap3A_452] {strides = array<i32>} : memref<640x32xf32, #tpu.memory_space<vmem>>, vector<16xf32>,
      tpu.vector_store %arg13[%swap3A_451, %swap3A_452], %mul3A_450 {strides = array<i32>} : memref<640x32xf32, #tpu.memory_space<vmem>>, vector<16xf32>,
      %get3A_454 = arith.index_cast %add3A_443 : i32 to index
      %get3A_455 = arith.constant 16 : index
      %get3A_456 = tpu.vector_load %arg13[%get3A_454, %get3A_455] {strides = array<i32>} : memref<640x32xf32, #tpu.memory_space<vmem>>, vector<16xf32>,
      %slice3A_457 = vector.extract_strided_slice %get3A_115 {offsets = [15], sizes = [1], strides = [1]} : vector<16xf32> to vector<1xf32>
      %squeeze3A_458 = vector.extract %slice3A_457[0] : f32 from vector<1xf32>
      %mul3A_459 = vector.broadcast %squeeze3A_458 : f32 to vector<16xf32>
      %mul3A_460 = arith.mulf %get3A_456, %mul3A_459 : vector<16xf32>
      %swap3A_461 = arith.index_cast %add3A_443 : i32 to index
      %swap3A_462 = arith.constant 16 : index
      %swap3A_463 = tpu.vector_load %arg13[%swap3A_461, %swap3A_462] {strides = array<i32>} : memref<640x32xf32, #tpu.memory_space<vmem>>, vector<16xf32>,
      tpu.vector_store %arg13[%swap3A_461, %swap3A_462], %mul3A_460 {strides = array<i32>} : memref<640x32xf32, #tpu.memory_space<vmem>>, vector<16xf32>,
    }
    %scan3A_24 = arith.constant 40 : i32
    "tpu.region"() ({
      %run_scoped3A_111 = tpu.sem_alloc : memref<!tpu.dma_semaphore, #tpu.memory_space<semaphore_mem>>
      %dma_start3A_112 = arith.constant 0 : i32
      %dma_start3A_113 = tpu.memref_slice %arg19[%mul3A_0, %dma_start3A_112] : memref<10240x32xf32, #tpu.memory_space<vmem_shared>> -> memref<640x32xf32, #tpu.memory_space<vmem_shared>>
      %dma_start3A_114 = arith.constant 0 : i32
      %dma_start3A_115 = tpu.memref_slice %arg19[%mul3A_0, %dma_start3A_114] : memref<10240x32xf32, #tpu.memory_space<vmem_shared>> -> memref<640x32xf32, #tpu.memory_space<vmem_shared>>
      tpu.enqueue_dma source(%arg13 : memref<640x32xf32, #tpu.memory_space<vmem>>) target(%dma_start3A_115 : memref<640x32xf32, #tpu.memory_space<vmem_shared>>) target_semaphore(%run_scoped3A_111 : memref<!tpu.dma_semaphore, #tpu.memory_space<semaphore_mem>>)
      %dma_wait3A_116 = arith.constant 0 : i32
      %dma_wait3A_117 = tpu.memref_slice %arg19[%mul3A_0, %dma_wait3A_116] : memref<10240x32xf32, #tpu.memory_space<vmem_shared>> -> memref<640x32xf32, #tpu.memory_space<vmem_shared>>
      %dma_wait3A_118 = arith.constant 0 : i32
      %dma_wait3A_119 = tpu.memref_slice %arg19[%mul3A_0, %dma_wait3A_118] : memref<10240x32xf32, #tpu.memory_space<vmem_shared>> -> memref<640x32xf32, #tpu.memory_space<vmem_shared>>
      tpu.wait_dma2 semaphore(%run_scoped3A_111 : memref<!tpu.dma_semaphore, #tpu.memory_space<semaphore_mem>>) src(%arg13 : memref<640x32xf32, #tpu.memory_space<vmem>>) dst(%dma_wait3A_119 : memref<640x32xf32, #tpu.memory_space<vmem_shared>>)
      tpu.yield
    }) : () -> ()
    "tpu.region"() ({
      %run_scoped3A_111 = tpu.sem_alloc : memref<!tpu.dma_semaphore, #tpu.memory_space<semaphore_mem>>
      %dma_start3A_112 = arith.constant 0 : i32
      %dma_start3A_113 = tpu.memref_slice %arg20[%mul3A_0, %dma_start3A_112] : memref<10240x32xf32, #tpu.memory_space<vmem_shared>> -> memref<640x32xf32, #tpu.memory_space<vmem_shared>>
      %dma_start3A_114 = arith.constant 0 : i32
      %dma_start3A_115 = tpu.memref_slice %arg20[%mul3A_0, %dma_start3A_114] : memref<10240x32xf32, #tpu.memory_space<vmem_shared>> -> memref<640x32xf32, #tpu.memory_space<vmem_shared>>
      tpu.enqueue_dma source(%arg13 : memref<640x32xf32, #tpu.memory_space<vmem>>) target(%dma_start3A_115 : memref<640x32xf32, #tpu.memory_space<vmem_shared>>) target_semaphore(%run_scoped3A_111 : memref<!tpu.dma_semaphore, #tpu.memory_space<semaphore_mem>>)
      %dma_wait3A_116 = arith.constant 0 : i32
      %dma_wait3A_117 = tpu.memref_slice %arg20[%mul3A_0, %dma_wait3A_116] : memref<10240x32xf32, #tpu.memory_space<vmem_shared>> -> memref<640x32xf32, #tpu.memory_space<vmem_shared>>
      %dma_wait3A_118 = arith.constant 0 : i32
      %dma_wait3A_119 = tpu.memref_slice %arg20[%mul3A_0, %dma_wait3A_118] : memref<10240x32xf32, #tpu.memory_space<vmem_shared>> -> memref<640x32xf32, #tpu.memory_space<vmem_shared>>
      tpu.wait_dma2 semaphore(%run_scoped3A_111 : memref<!tpu.dma_semaphore, #tpu.memory_space<semaphore_mem>>) src(%arg13 : memref<640x32xf32, #tpu.memory_space<vmem>>) dst(%dma_wait3A_119 : memref<640x32xf32, #tpu.memory_space<vmem_shared>>)
      tpu.yield
    }) : () -> ()
    %barrier3A_25 = arith.constant 0 : index
    tpu.barrier barrier_id(%barrier3A_25)
    %dma_start3A = arith.constant 0 : i32
    %dma_start3A_26 = arith.constant 0 : i32
    %dma_start3A_27 = arith.constant 0 : i32
    %dma_start3A_28 = arith.constant 0 : i32
    %dma_start3A_29 = tpu.memref_slice %arg12[%dma_start3A_26, %dma_start3A_27, %dma_start3A_28] : memref<2x128x32xf32, #tpu.memory_space<vmem>> -> memref<1x128x32xf32, #tpu.memory_space<vmem>>
    %dma_start3A_30 = tpu.memref_squeeze %dma_start3A_29 : memref<1x128x32xf32, #tpu.memory_space<vmem>> -> memref<128x32xf32, #tpu.memory_space<vmem>>
    %dma_start3A_31 = arith.constant 0 : i32
    %dma_start3A_32 = tpu.memref_slice %arg9[%dma_start3A, %dma_start3A_31] : memref<157x128xi32, #tpu.memory_space<vmem>> -> memref<1x128xi32, #tpu.memory_space<vmem>>
    %dma_start3A_33 = tpu.memref_squeeze %dma_start3A_32 : memref<1x128xi32, #tpu.memory_space<vmem>> -> memref<128xi32, #tpu.memory_space<vmem>>
    %dma_start3A_34 = arith.constant 0 : i32
    %dma_start3A_35 = arith.constant 0 : i32
    %dma_start3A_36 = tpu.memref_slice %arg19[%dma_start3A_34, %dma_start3A_35] : memref<10240x32xf32, #tpu.memory_space<vmem_shared>> -> memref<10240x32xf32, #tpu.memory_space<vmem_shared>>
    tpu.enqueue_indirect_dma source(%dma_start3A_36 : memref<10240x32xf32, #tpu.memory_space<vmem_shared>>) target(%dma_start3A_30 : memref<128x32xf32, #tpu.memory_space<vmem>>) offsets(%dma_start3A_33 : memref<128xi32, #tpu.memory_space<vmem>>) semaphore(%arg21 : memref<!tpu.dma_semaphore, #tpu.memory_space<semaphore_mem>>)
    %scan3A_37 = arith.constant 0 : i32
    %scan3A_38 = arith.constant 0 : i32
    %scan3A_39 = arith.constant 78 : i32
    %scan3A_40 = arith.addi %scan3A_38, %scan3A_39 : i32
    %scan3A_41 = arith.constant 1 : i32
    scf.for %scan3A_111 = %scan3A_38 to %scan3A_40 step %scan3A_41  : i32 {
      %mul3A_112 = arith.constant 2 : i32
      %mul3A_113 = arith.muli %scan3A_111, %mul3A_112 : i32
      %add3A = arith.constant 1 : i32
      %add3A_114 = arith.addi %mul3A_113, %add3A : i32
      %dma_start3A_115 = arith.constant 1 : i32
      %dma_start3A_116 = arith.constant 0 : i32
      %dma_start3A_117 = arith.constant 0 : i32
      %dma_start3A_118 = tpu.memref_slice %arg12[%dma_start3A_115, %dma_start3A_116, %dma_start3A_117] : memref<2x128x32xf32, #tpu.memory_space<vmem>> -> memref<1x128x32xf32, #tpu.memory_space<vmem>>
      %dma_start3A_119 = tpu.memref_squeeze %dma_start3A_118 : memref<1x128x32xf32, #tpu.memory_space<vmem>> -> memref<128x32xf32, #tpu.memory_space<vmem>>
      %dma_start3A_120 = arith.constant 0 : i32
      %dma_start3A_121 = tpu.memref_slice %arg9[%add3A_114, %dma_start3A_120] : memref<157x128xi32, #tpu.memory_space<vmem>> -> memref<1x128xi32, #tpu.memory_space<vmem>>
      %dma_start3A_122 = tpu.memref_squeeze %dma_start3A_121 : memref<1x128xi32, #tpu.memory_space<vmem>> -> memref<128xi32, #tpu.memory_space<vmem>>
      %dma_start3A_123 = arith.constant 0 : i32
      %dma_start3A_124 = arith.constant 0 : i32
      %dma_start3A_125 = tpu.memref_slice %arg19[%dma_start3A_123, %dma_start3A_124] : memref<10240x32xf32, #tpu.memory_space<vmem_shared>> -> memref<10240x32xf32, #tpu.memory_space<vmem_shared>>
      tpu.enqueue_indirect_dma source(%dma_start3A_125 : memref<10240x32xf32, #tpu.memory_space<vmem_shared>>) target(%dma_start3A_119 : memref<128x32xf32, #tpu.memory_space<vmem>>) offsets(%dma_start3A_122 : memref<128xi32, #tpu.memory_space<vmem>>) semaphore(%arg22 : memref<!tpu.dma_semaphore, #tpu.memory_space<semaphore_mem>>)
      %dma_wait3A_126 = arith.constant 0 : i32
      %dma_wait3A_127 = arith.constant 0 : i32
      %dma_wait3A_128 = arith.constant 0 : i32
      %dma_wait3A_129 = tpu.memref_slice %arg12[%dma_wait3A_126, %dma_wait3A_127, %dma_wait3A_128] : memref<2x128x32xf32, #tpu.memory_space<vmem>> -> memref<1x128x32xf32, #tpu.memory_space<vmem>>
      %dma_wait3A_130 = tpu.memref_squeeze %dma_wait3A_129 : memref<1x128x32xf32, #tpu.memory_space<vmem>> -> memref<128x32xf32, #tpu.memory_space<vmem>>
      %dma_wait3A_131 = arith.constant 0 : i32
      %dma_wait3A_132 = tpu.memref_slice %arg9[%mul3A_113, %dma_wait3A_131] : memref<157x128xi32, #tpu.memory_space<vmem>> -> memref<1x128xi32, #tpu.memory_space<vmem>>
      %dma_wait3A_133 = tpu.memref_squeeze %dma_wait3A_132 : memref<1x128xi32, #tpu.memory_space<vmem>> -> memref<128xi32, #tpu.memory_space<vmem>>
      %dma_wait3A_134 = arith.constant 0 : i32
      %dma_wait3A_135 = arith.constant 0 : i32
      %dma_wait3A_136 = tpu.memref_slice %arg19[%dma_wait3A_134, %dma_wait3A_135] : memref<10240x32xf32, #tpu.memory_space<vmem_shared>> -> memref<10240x32xf32, #tpu.memory_space<vmem_shared>>
      tpu.wait_indirect_dma semaphore(%arg21 : memref<!tpu.dma_semaphore, #tpu.memory_space<semaphore_mem>>) src(%dma_wait3A_136 : memref<10240x32xf32, #tpu.memory_space<vmem_shared>>) dst(%dma_wait3A_130 : memref<128x32xf32, #tpu.memory_space<vmem>>)
      %run_scoped3A_137 = arith.constant 0 : i32
      "tpu.region"() ({
        %run_scoped3A_167 = tpu.sem_alloc : memref<!tpu.dma_semaphore, #tpu.memory_space<semaphore_mem>>
        %dma_start3A_168 = arith.constant 0 : i32
        %dma_start3A_169 = arith.constant 0 : i32
        %dma_start3A_170 = tpu.memref_slice %arg12[%run_scoped3A_137, %dma_start3A_168, %dma_start3A_169] : memref<2x128x32xf32, #tpu.memory_space<vmem>> -> memref<1x128x32xf32, #tpu.memory_space<vmem>>
        %dma_start3A_171 = tpu.memref_squeeze %dma_start3A_170 : memref<1x128x32xf32, #tpu.memory_space<vmem>> -> memref<128x32xf32, #tpu.memory_space<vmem>>
        %dma_start3A_172 = arith.constant 0 : i32
        %dma_start3A_173 = tpu.memref_slice %arg10[%mul3A_113, %dma_start3A_172] : memref<157x128xi32, #tpu.memory_space<vmem>> -> memref<1x128xi32, #tpu.memory_space<vmem>>
        %dma_start3A_174 = tpu.memref_squeeze %dma_start3A_173 : memref<1x128xi32, #tpu.memory_space<vmem>> -> memref<128xi32, #tpu.memory_space<vmem>>
        %dma_start3A_175 = arith.constant 0 : i32
        %dma_start3A_176 = arith.constant 0 : i32
        %dma_start3A_177 = tpu.memref_slice %arg20[%dma_start3A_175, %dma_start3A_176] : memref<10240x32xf32, #tpu.memory_space<vmem_shared>> -> memref<10240x32xf32, #tpu.memory_space<vmem_shared>>
        tpu.enqueue_indirect_dma source(%dma_start3A_171 : memref<128x32xf32, #tpu.memory_space<vmem>>) target(%dma_start3A_177 : memref<10240x32xf32, #tpu.memory_space<vmem_shared>>) offsets(%dma_start3A_174 : memref<128xi32, #tpu.memory_space<vmem>>) semaphore(%run_scoped3A_167 : memref<!tpu.dma_semaphore, #tpu.memory_space<semaphore_mem>>) {add = true}
        %dma_wait3A_178 = arith.constant 0 : i32
        %dma_wait3A_179 = arith.constant 0 : i32
        %dma_wait3A_180 = tpu.memref_slice %arg12[%run_scoped3A_137, %dma_wait3A_178, %dma_wait3A_179] : memref<2x128x32xf32, #tpu.memory_space<vmem>> -> memref<1x128x32xf32, #tpu.memory_space<vmem>>
        %dma_wait3A_181 = tpu.memref_squeeze %dma_wait3A_180 : memref<1x128x32xf32, #tpu.memory_space<vmem>> -> memref<128x32xf32, #tpu.memory_space<vmem>>
        %dma_wait3A_182 = arith.constant 0 : i32
        %dma_wait3A_183 = tpu.memref_slice %arg10[%mul3A_113, %dma_wait3A_182] : memref<157x128xi32, #tpu.memory_space<vmem>> -> memref<1x128xi32, #tpu.memory_space<vmem>>
        %dma_wait3A_184 = tpu.memref_squeeze %dma_wait3A_183 : memref<1x128xi32, #tpu.memory_space<vmem>> -> memref<128xi32, #tpu.memory_space<vmem>>
        %dma_wait3A_185 = arith.constant 0 : i32
        %dma_wait3A_186 = arith.constant 0 : i32
        %dma_wait3A_187 = tpu.memref_slice %arg20[%dma_wait3A_185, %dma_wait3A_186] : memref<10240x32xf32, #tpu.memory_space<vmem_shared>> -> memref<10240x32xf32, #tpu.memory_space<vmem_shared>>
        tpu.wait_indirect_dma semaphore(%run_scoped3A_167 : memref<!tpu.dma_semaphore, #tpu.memory_space<semaphore_mem>>) src(%dma_wait3A_181 : memref<128x32xf32, #tpu.memory_space<vmem>>) dst(%dma_wait3A_187 : memref<10240x32xf32, #tpu.memory_space<vmem_shared>>)
        tpu.yield
      }) : () -> ()
      %add3A_138 = arith.constant 2 : i32
      %add3A_139 = arith.addi %mul3A_113, %add3A_138 : i32
      %dma_start3A_140 = arith.constant 0 : i32
      %dma_start3A_141 = arith.constant 0 : i32
      %dma_start3A_142 = arith.constant 0 : i32
      %dma_start3A_143 = tpu.memref_slice %arg12[%dma_start3A_140, %dma_start3A_141, %dma_start3A_142] : memref<2x128x32xf32, #tpu.memory_space<vmem>> -> memref<1x128x32xf32, #tpu.memory_space<vmem>>
      %dma_start3A_144 = tpu.memref_squeeze %dma_start3A_143 : memref<1x128x32xf32, #tpu.memory_space<vmem>> -> memref<128x32xf32, #tpu.memory_space<vmem>>
      %dma_start3A_145 = arith.constant 0 : i32
      %dma_start3A_146 = tpu.memref_slice %arg9[%add3A_139, %dma_start3A_145] : memref<157x128xi32, #tpu.memory_space<vmem>> -> memref<1x128xi32, #tpu.memory_space<vmem>>
      %dma_start3A_147 = tpu.memref_squeeze %dma_start3A_146 : memref<1x128xi32, #tpu.memory_space<vmem>> -> memref<128xi32, #tpu.memory_space<vmem>>
      %dma_start3A_148 = arith.constant 0 : i32
      %dma_start3A_149 = arith.constant 0 : i32
      %dma_start3A_150 = tpu.memref_slice %arg19[%dma_start3A_148, %dma_start3A_149] : memref<10240x32xf32, #tpu.memory_space<vmem_shared>> -> memref<10240x32xf32, #tpu.memory_space<vmem_shared>>
      tpu.enqueue_indirect_dma source(%dma_start3A_150 : memref<10240x32xf32, #tpu.memory_space<vmem_shared>>) target(%dma_start3A_144 : memref<128x32xf32, #tpu.memory_space<vmem>>) offsets(%dma_start3A_147 : memref<128xi32, #tpu.memory_space<vmem>>) semaphore(%arg21 : memref<!tpu.dma_semaphore, #tpu.memory_space<semaphore_mem>>)
      %add3A_151 = arith.constant 1 : i32
      %add3A_152 = arith.addi %mul3A_113, %add3A_151 : i32
      %dma_wait3A_153 = arith.constant 1 : i32
      %dma_wait3A_154 = arith.constant 0 : i32
      %dma_wait3A_155 = arith.constant 0 : i32
      %dma_wait3A_156 = tpu.memref_slice %arg12[%dma_wait3A_153, %dma_wait3A_154, %dma_wait3A_155] : memref<2x128x32xf32, #tpu.memory_space<vmem>> -> memref<1x128x32xf32, #tpu.memory_space<vmem>>
      %dma_wait3A_157 = tpu.memref_squeeze %dma_wait3A_156 : memref<1x128x32xf32, #tpu.memory_space<vmem>> -> memref<128x32xf32, #tpu.memory_space<vmem>>
      %dma_wait3A_158 = arith.constant 0 : i32
      %dma_wait3A_159 = tpu.memref_slice %arg9[%add3A_152, %dma_wait3A_158] : memref<157x128xi32, #tpu.memory_space<vmem>> -> memref<1x128xi32, #tpu.memory_space<vmem>>
      %dma_wait3A_160 = tpu.memref_squeeze %dma_wait3A_159 : memref<1x128xi32, #tpu.memory_space<vmem>> -> memref<128xi32, #tpu.memory_space<vmem>>
      %dma_wait3A_161 = arith.constant 0 : i32
      %dma_wait3A_162 = arith.constant 0 : i32
      %dma_wait3A_163 = tpu.memref_slice %arg19[%dma_wait3A_161, %dma_wait3A_162] : memref<10240x32xf32, #tpu.memory_space<vmem_shared>> -> memref<10240x32xf32, #tpu.memory_space<vmem_shared>>
      tpu.wait_indirect_dma semaphore(%arg22 : memref<!tpu.dma_semaphore, #tpu.memory_space<semaphore_mem>>) src(%dma_wait3A_163 : memref<10240x32xf32, #tpu.memory_space<vmem_shared>>) dst(%dma_wait3A_157 : memref<128x32xf32, #tpu.memory_space<vmem>>)
      %add3A_164 = arith.constant 1 : i32
      %add3A_165 = arith.addi %mul3A_113, %add3A_164 : i32
      %run_scoped3A_166 = arith.constant 1 : i32
      "tpu.region"() ({
        %run_scoped3A_167 = tpu.sem_alloc : memref<!tpu.dma_semaphore, #tpu.memory_space<semaphore_mem>>
        %dma_start3A_168 = arith.constant 0 : i32
        %dma_start3A_169 = arith.constant 0 : i32
        %dma_start3A_170 = tpu.memref_slice %arg12[%run_scoped3A_166, %dma_start3A_168, %dma_start3A_169] : memref<2x128x32xf32, #tpu.memory_space<vmem>> -> memref<1x128x32xf32, #tpu.memory_space<vmem>>
        %dma_start3A_171 = tpu.memref_squeeze %dma_start3A_170 : memref<1x128x32xf32, #tpu.memory_space<vmem>> -> memref<128x32xf32, #tpu.memory_space<vmem>>
        %dma_start3A_172 = arith.constant 0 : i32
        %dma_start3A_173 = tpu.memref_slice %arg10[%add3A_165, %dma_start3A_172] : memref<157x128xi32, #tpu.memory_space<vmem>> -> memref<1x128xi32, #tpu.memory_space<vmem>>
        %dma_start3A_174 = tpu.memref_squeeze %dma_start3A_173 : memref<1x128xi32, #tpu.memory_space<vmem>> -> memref<128xi32, #tpu.memory_space<vmem>>
        %dma_start3A_175 = arith.constant 0 : i32
        %dma_start3A_176 = arith.constant 0 : i32
        %dma_start3A_177 = tpu.memref_slice %arg20[%dma_start3A_175, %dma_start3A_176] : memref<10240x32xf32, #tpu.memory_space<vmem_shared>> -> memref<10240x32xf32, #tpu.memory_space<vmem_shared>>
        tpu.enqueue_indirect_dma source(%dma_start3A_171 : memref<128x32xf32, #tpu.memory_space<vmem>>) target(%dma_start3A_177 : memref<10240x32xf32, #tpu.memory_space<vmem_shared>>) offsets(%dma_start3A_174 : memref<128xi32, #tpu.memory_space<vmem>>) semaphore(%run_scoped3A_167 : memref<!tpu.dma_semaphore, #tpu.memory_space<semaphore_mem>>) {add = true}
        %dma_wait3A_178 = arith.constant 0 : i32
        %dma_wait3A_179 = arith.constant 0 : i32
        %dma_wait3A_180 = tpu.memref_slice %arg12[%run_scoped3A_166, %dma_wait3A_178, %dma_wait3A_179] : memref<2x128x32xf32, #tpu.memory_space<vmem>> -> memref<1x128x32xf32, #tpu.memory_space<vmem>>
        %dma_wait3A_181 = tpu.memref_squeeze %dma_wait3A_180 : memref<1x128x32xf32, #tpu.memory_space<vmem>> -> memref<128x32xf32, #tpu.memory_space<vmem>>
        %dma_wait3A_182 = arith.constant 0 : i32
        %dma_wait3A_183 = tpu.memref_slice %arg10[%add3A_165, %dma_wait3A_182] : memref<157x128xi32, #tpu.memory_space<vmem>> -> memref<1x128xi32, #tpu.memory_space<vmem>>
        %dma_wait3A_184 = tpu.memref_squeeze %dma_wait3A_183 : memref<1x128xi32, #tpu.memory_space<vmem>> -> memref<128xi32, #tpu.memory_space<vmem>>
        %dma_wait3A_185 = arith.constant 0 : i32
        %dma_wait3A_186 = arith.constant 0 : i32
        %dma_wait3A_187 = tpu.memref_slice %arg20[%dma_wait3A_185, %dma_wait3A_186] : memref<10240x32xf32, #tpu.memory_space<vmem_shared>> -> memref<10240x32xf32, #tpu.memory_space<vmem_shared>>
        tpu.wait_indirect_dma semaphore(%run_scoped3A_167 : memref<!tpu.dma_semaphore, #tpu.memory_space<semaphore_mem>>) src(%dma_wait3A_181 : memref<128x32xf32, #tpu.memory_space<vmem>>) dst(%dma_wait3A_187 : memref<10240x32xf32, #tpu.memory_space<vmem_shared>>)
        tpu.yield
      }) : () -> ()
    }
    %scan3A_42 = arith.constant 78 : i32
    %dma_wait3A = arith.constant 156 : i32
    %dma_wait3A_43 = arith.constant 0 : i32
    %dma_wait3A_44 = arith.constant 0 : i32
    %dma_wait3A_45 = arith.constant 0 : i32
    %dma_wait3A_46 = tpu.memref_slice %arg12[%dma_wait3A_43, %dma_wait3A_44, %dma_wait3A_45] : memref<2x128x32xf32, #tpu.memory_space<vmem>> -> memref<1x128x32xf32, #tpu.memory_space<vmem>>
    %dma_wait3A_47 = tpu.memref_squeeze %dma_wait3A_46 : memref<1x128x32xf32, #tpu.memory_space<vmem>> -> memref<128x32xf32, #tpu.memory_space<vmem>>
    %dma_wait3A_48 = arith.constant 0 : i32
    %dma_wait3A_49 = tpu.memref_slice %arg9[%dma_wait3A, %dma_wait3A_48] : memref<157x128xi32, #tpu.memory_space<vmem>> -> memref<1x128xi32, #tpu.memory_space<vmem>>
    %dma_wait3A_50 = tpu.memref_squeeze %dma_wait3A_49 : memref<1x128xi32, #tpu.memory_space<vmem>> -> memref<128xi32, #tpu.memory_space<vmem>>
    %dma_wait3A_51 = arith.constant 0 : i32
    %dma_wait3A_52 = arith.constant 0 : i32
    %dma_wait3A_53 = tpu.memref_slice %arg19[%dma_wait3A_51, %dma_wait3A_52] : memref<10240x32xf32, #tpu.memory_space<vmem_shared>> -> memref<10240x32xf32, #tpu.memory_space<vmem_shared>>
    tpu.wait_indirect_dma semaphore(%arg21 : memref<!tpu.dma_semaphore, #tpu.memory_space<semaphore_mem>>) src(%dma_wait3A_53 : memref<10240x32xf32, #tpu.memory_space<vmem_shared>>) dst(%dma_wait3A_47 : memref<128x32xf32, #tpu.memory_space<vmem>>)
    %run_scoped3A = arith.constant 0 : i32
    %run_scoped3A_54 = arith.constant 156 : i32
    "tpu.region"() ({
      %run_scoped3A_111 = tpu.sem_alloc : memref<!tpu.dma_semaphore, #tpu.memory_space<semaphore_mem>>
      %dma_start3A_112 = arith.constant 0 : i32
      %dma_start3A_113 = arith.constant 0 : i32
      %dma_start3A_114 = tpu.memref_slice %arg12[%run_scoped3A, %dma_start3A_112, %dma_start3A_113] : memref<2x128x32xf32, #tpu.memory_space<vmem>> -> memref<1x128x32xf32, #tpu.memory_space<vmem>>
      %dma_start3A_115 = tpu.memref_squeeze %dma_start3A_114 : memref<1x128x32xf32, #tpu.memory_space<vmem>> -> memref<128x32xf32, #tpu.memory_space<vmem>>
      %dma_start3A_116 = arith.constant 0 : i32
      %dma_start3A_117 = tpu.memref_slice %arg10[%run_scoped3A_54, %dma_start3A_116] : memref<157x128xi32, #tpu.memory_space<vmem>> -> memref<1x128xi32, #tpu.memory_space<vmem>>
      %dma_start3A_118 = tpu.memref_squeeze %dma_start3A_117 : memref<1x128xi32, #tpu.memory_space<vmem>> -> memref<128xi32, #tpu.memory_space<vmem>>
      %dma_start3A_119 = arith.constant 0 : i32
      %dma_start3A_120 = arith.constant 0 : i32
      %dma_start3A_121 = tpu.memref_slice %arg20[%dma_start3A_119, %dma_start3A_120] : memref<10240x32xf32, #tpu.memory_space<vmem_shared>> -> memref<10240x32xf32, #tpu.memory_space<vmem_shared>>
      tpu.enqueue_indirect_dma source(%dma_start3A_115 : memref<128x32xf32, #tpu.memory_space<vmem>>) target(%dma_start3A_121 : memref<10240x32xf32, #tpu.memory_space<vmem_shared>>) offsets(%dma_start3A_118 : memref<128xi32, #tpu.memory_space<vmem>>) semaphore(%run_scoped3A_111 : memref<!tpu.dma_semaphore, #tpu.memory_space<semaphore_mem>>) {add = true}
      %dma_wait3A_122 = arith.constant 0 : i32
      %dma_wait3A_123 = arith.constant 0 : i32
      %dma_wait3A_124 = tpu.memref_slice %arg12[%run_scoped3A, %dma_wait3A_122, %dma_wait3A_123] : memref<2x128x32xf32, #tpu.memory_space<vmem>> -> memref<1x128x32xf32, #tpu.memory_space<vmem>>
      %dma_wait3A_125 = tpu.memref_squeeze %dma_wait3A_124 : memref<1x128x32xf32, #tpu.memory_space<vmem>> -> memref<128x32xf32, #tpu.memory_space<vmem>>
      %dma_wait3A_126 = arith.constant 0 : i32
      %dma_wait3A_127 = tpu.memref_slice %arg10[%run_scoped3A_54, %dma_wait3A_126] : memref<157x128xi32, #tpu.memory_space<vmem>> -> memref<1x128xi32, #tpu.memory_space<vmem>>
      %dma_wait3A_128 = tpu.memref_squeeze %dma_wait3A_127 : memref<1x128xi32, #tpu.memory_space<vmem>> -> memref<128xi32, #tpu.memory_space<vmem>>
      %dma_wait3A_129 = arith.constant 0 : i32
      %dma_wait3A_130 = arith.constant 0 : i32
      %dma_wait3A_131 = tpu.memref_slice %arg20[%dma_wait3A_129, %dma_wait3A_130] : memref<10240x32xf32, #tpu.memory_space<vmem_shared>> -> memref<10240x32xf32, #tpu.memory_space<vmem_shared>>
      tpu.wait_indirect_dma semaphore(%run_scoped3A_111 : memref<!tpu.dma_semaphore, #tpu.memory_space<semaphore_mem>>) src(%dma_wait3A_125 : memref<128x32xf32, #tpu.memory_space<vmem>>) dst(%dma_wait3A_131 : memref<10240x32xf32, #tpu.memory_space<vmem_shared>>)
      tpu.yield
    }) : () -> ()
    %barrier3A_55 = arith.constant 0 : index
    tpu.barrier barrier_id(%barrier3A_55)
    "tpu.region"() ({
      %run_scoped3A_111 = tpu.sem_alloc : memref<!tpu.dma_semaphore, #tpu.memory_space<semaphore_mem>>
      %dma_start3A_112 = arith.constant 0 : i32
      %dma_start3A_113 = tpu.memref_slice %arg20[%mul3A_0, %dma_start3A_112] : memref<10240x32xf32, #tpu.memory_space<vmem_shared>> -> memref<640x32xf32, #tpu.memory_space<vmem_shared>>
      %dma_start3A_114 = arith.constant 0 : i32
      %dma_start3A_115 = tpu.memref_slice %arg20[%mul3A_0, %dma_start3A_114] : memref<10240x32xf32, #tpu.memory_space<vmem_shared>> -> memref<640x32xf32, #tpu.memory_space<vmem_shared>>
      tpu.enqueue_dma source(%dma_start3A_115 : memref<640x32xf32, #tpu.memory_space<vmem_shared>>) target(%arg13 : memref<640x32xf32, #tpu.memory_space<vmem>>) target_semaphore(%run_scoped3A_111 : memref<!tpu.dma_semaphore, #tpu.memory_space<semaphore_mem>>)
      %dma_wait3A_116 = arith.constant 0 : i32
      %dma_wait3A_117 = tpu.memref_slice %arg20[%mul3A_0, %dma_wait3A_116] : memref<10240x32xf32, #tpu.memory_space<vmem_shared>> -> memref<640x32xf32, #tpu.memory_space<vmem_shared>>
      %dma_wait3A_118 = arith.constant 0 : i32
      %dma_wait3A_119 = tpu.memref_slice %arg20[%mul3A_0, %dma_wait3A_118] : memref<10240x32xf32, #tpu.memory_space<vmem_shared>> -> memref<640x32xf32, #tpu.memory_space<vmem_shared>>
      tpu.wait_dma2 semaphore(%run_scoped3A_111 : memref<!tpu.dma_semaphore, #tpu.memory_space<semaphore_mem>>) src(%dma_wait3A_119 : memref<640x32xf32, #tpu.memory_space<vmem_shared>>) dst(%arg13 : memref<640x32xf32, #tpu.memory_space<vmem>>)
      tpu.yield
    }) : () -> ()
    %scan3A_56 = arith.constant 0 : i32
    %scan3A_57 = arith.constant 0 : i32
    %scan3A_58 = arith.constant 40 : i32
    %scan3A_59 = arith.addi %scan3A_57, %scan3A_58 : i32
    %scan3A_60 = arith.constant 1 : i32
    scf.for %scan3A_111 = %scan3A_57 to %scan3A_59 step %scan3A_60  : i32 {
      %mul3A_112 = arith.constant 16 : i32
      %mul3A_113 = arith.muli %scan3A_111, %mul3A_112 : i32
      %get3A_114 = arith.index_cast %mul3A_113 : i32 to index
      %get3A_115 = tpu.vector_load %arg16[%get3A_114] {strides = array<i32>} : memref<640xf32, #tpu.memory_space<vmem>>, vector<16xf32>,
      %add3A = arith.constant 0 : i32
      %add3A_116 = arith.addi %mul3A_113, %add3A : i32
      %get3A_117 = arith.index_cast %add3A_116 : i32 to index
      %get3A_118 = arith.constant 0 : index
      %get3A_119 = tpu.vector_load %arg13[%get3A_117, %get3A_118] {strides = array<i32>} : memref<640x32xf32, #tpu.memory_space<vmem>>, vector<16xf32>,
      %slice3A = vector.extract_strided_slice %get3A_115 {offsets = [0], sizes = [1], strides = [1]} : vector<16xf32> to vector<1xf32>
      %squeeze3A = vector.extract %slice3A[0] : f32 from vector<1xf32>
      %mul3A_120 = vector.broadcast %squeeze3A : f32 to vector<16xf32>
      %mul3A_121 = arith.mulf %get3A_119, %mul3A_120 : vector<16xf32>
      %swap3A = arith.index_cast %add3A_116 : i32 to index
      %swap3A_122 = arith.constant 0 : index
      %swap3A_123 = tpu.vector_load %arg13[%swap3A, %swap3A_122] {strides = array<i32>} : memref<640x32xf32, #tpu.memory_space<vmem>>, vector<16xf32>,
      tpu.vector_store %arg13[%swap3A, %swap3A_122], %mul3A_121 {strides = array<i32>} : memref<640x32xf32, #tpu.memory_space<vmem>>, vector<16xf32>,
      %get3A_124 = arith.index_cast %add3A_116 : i32 to index
      %get3A_125 = arith.constant 16 : index
      %get3A_126 = tpu.vector_load %arg13[%get3A_124, %get3A_125] {strides = array<i32>} : memref<640x32xf32, #tpu.memory_space<vmem>>, vector<16xf32>,
      %slice3A_127 = vector.extract_strided_slice %get3A_115 {offsets = [0], sizes = [1], strides = [1]} : vector<16xf32> to vector<1xf32>
      %squeeze3A_128 = vector.extract %slice3A_127[0] : f32 from vector<1xf32>
      %mul3A_129 = vector.broadcast %squeeze3A_128 : f32 to vector<16xf32>
      %mul3A_130 = arith.mulf %get3A_126, %mul3A_129 : vector<16xf32>
      %swap3A_131 = arith.index_cast %add3A_116 : i32 to index
      %swap3A_132 = arith.constant 16 : index
      %swap3A_133 = tpu.vector_load %arg13[%swap3A_131, %swap3A_132] {strides = array<i32>} : memref<640x32xf32, #tpu.memory_space<vmem>>, vector<16xf32>,
      tpu.vector_store %arg13[%swap3A_131, %swap3A_132], %mul3A_130 {strides = array<i32>} : memref<640x32xf32, #tpu.memory_space<vmem>>, vector<16xf32>,
      %add3A_134 = arith.constant 1 : i32
      %add3A_135 = arith.addi %mul3A_113, %add3A_134 : i32
      %get3A_136 = arith.index_cast %add3A_135 : i32 to index
      %get3A_137 = arith.constant 0 : index
      %get3A_138 = tpu.vector_load %arg13[%get3A_136, %get3A_137] {strides = array<i32>} : memref<640x32xf32, #tpu.memory_space<vmem>>, vector<16xf32>,
      %slice3A_139 = vector.extract_strided_slice %get3A_115 {offsets = [1], sizes = [1], strides = [1]} : vector<16xf32> to vector<1xf32>
      %squeeze3A_140 = vector.extract %slice3A_139[0] : f32 from vector<1xf32>
      %mul3A_141 = vector.broadcast %squeeze3A_140 : f32 to vector<16xf32>
      %mul3A_142 = arith.mulf %get3A_138, %mul3A_141 : vector<16xf32>
      %swap3A_143 = arith.index_cast %add3A_135 : i32 to index
      %swap3A_144 = arith.constant 0 : index
      %swap3A_145 = tpu.vector_load %arg13[%swap3A_143, %swap3A_144] {strides = array<i32>} : memref<640x32xf32, #tpu.memory_space<vmem>>, vector<16xf32>,
      tpu.vector_store %arg13[%swap3A_143, %swap3A_144], %mul3A_142 {strides = array<i32>} : memref<640x32xf32, #tpu.memory_space<vmem>>, vector<16xf32>,
      %get3A_146 = arith.index_cast %add3A_135 : i32 to index
      %get3A_147 = arith.constant 16 : index
      %get3A_148 = tpu.vector_load %arg13[%get3A_146, %get3A_147] {strides = array<i32>} : memref<640x32xf32, #tpu.memory_space<vmem>>, vector<16xf32>,
      %slice3A_149 = vector.extract_strided_slice %get3A_115 {offsets = [1], sizes = [1], strides = [1]} : vector<16xf32> to vector<1xf32>
      %squeeze3A_150 = vector.extract %slice3A_149[0] : f32 from vector<1xf32>
      %mul3A_151 = vector.broadcast %squeeze3A_150 : f32 to vector<16xf32>
      %mul3A_152 = arith.mulf %get3A_148, %mul3A_151 : vector<16xf32>
      %swap3A_153 = arith.index_cast %add3A_135 : i32 to index
      %swap3A_154 = arith.constant 16 : index
      %swap3A_155 = tpu.vector_load %arg13[%swap3A_153, %swap3A_154] {strides = array<i32>} : memref<640x32xf32, #tpu.memory_space<vmem>>, vector<16xf32>,
      tpu.vector_store %arg13[%swap3A_153, %swap3A_154], %mul3A_152 {strides = array<i32>} : memref<640x32xf32, #tpu.memory_space<vmem>>, vector<16xf32>,
      %add3A_156 = arith.constant 2 : i32
      %add3A_157 = arith.addi %mul3A_113, %add3A_156 : i32
      %get3A_158 = arith.index_cast %add3A_157 : i32 to index
      %get3A_159 = arith.constant 0 : index
      %get3A_160 = tpu.vector_load %arg13[%get3A_158, %get3A_159] {strides = array<i32>} : memref<640x32xf32, #tpu.memory_space<vmem>>, vector<16xf32>,
      %slice3A_161 = vector.extract_strided_slice %get3A_115 {offsets = [2], sizes = [1], strides = [1]} : vector<16xf32> to vector<1xf32>
      %squeeze3A_162 = vector.extract %slice3A_161[0] : f32 from vector<1xf32>
      %mul3A_163 = vector.broadcast %squeeze3A_162 : f32 to vector<16xf32>
      %mul3A_164 = arith.mulf %get3A_160, %mul3A_163 : vector<16xf32>
      %swap3A_165 = arith.index_cast %add3A_157 : i32 to index
      %swap3A_166 = arith.constant 0 : index
      %swap3A_167 = tpu.vector_load %arg13[%swap3A_165, %swap3A_166] {strides = array<i32>} : memref<640x32xf32, #tpu.memory_space<vmem>>, vector<16xf32>,
      tpu.vector_store %arg13[%swap3A_165, %swap3A_166], %mul3A_164 {strides = array<i32>} : memref<640x32xf32, #tpu.memory_space<vmem>>, vector<16xf32>,
      %get3A_168 = arith.index_cast %add3A_157 : i32 to index
      %get3A_169 = arith.constant 16 : index
      %get3A_170 = tpu.vector_load %arg13[%get3A_168, %get3A_169] {strides = array<i32>} : memref<640x32xf32, #tpu.memory_space<vmem>>, vector<16xf32>,
      %slice3A_171 = vector.extract_strided_slice %get3A_115 {offsets = [2], sizes = [1], strides = [1]} : vector<16xf32> to vector<1xf32>
      %squeeze3A_172 = vector.extract %slice3A_171[0] : f32 from vector<1xf32>
      %mul3A_173 = vector.broadcast %squeeze3A_172 : f32 to vector<16xf32>
      %mul3A_174 = arith.mulf %get3A_170, %mul3A_173 : vector<16xf32>
      %swap3A_175 = arith.index_cast %add3A_157 : i32 to index
      %swap3A_176 = arith.constant 16 : index
      %swap3A_177 = tpu.vector_load %arg13[%swap3A_175, %swap3A_176] {strides = array<i32>} : memref<640x32xf32, #tpu.memory_space<vmem>>, vector<16xf32>,
      tpu.vector_store %arg13[%swap3A_175, %swap3A_176], %mul3A_174 {strides = array<i32>} : memref<640x32xf32, #tpu.memory_space<vmem>>, vector<16xf32>,
      %add3A_178 = arith.constant 3 : i32
      %add3A_179 = arith.addi %mul3A_113, %add3A_178 : i32
      %get3A_180 = arith.index_cast %add3A_179 : i32 to index
      %get3A_181 = arith.constant 0 : index
      %get3A_182 = tpu.vector_load %arg13[%get3A_180, %get3A_181] {strides = array<i32>} : memref<640x32xf32, #tpu.memory_space<vmem>>, vector<16xf32>,
      %slice3A_183 = vector.extract_strided_slice %get3A_115 {offsets = [3], sizes = [1], strides = [1]} : vector<16xf32> to vector<1xf32>
      %squeeze3A_184 = vector.extract %slice3A_183[0] : f32 from vector<1xf32>
      %mul3A_185 = vector.broadcast %squeeze3A_184 : f32 to vector<16xf32>
      %mul3A_186 = arith.mulf %get3A_182, %mul3A_185 : vector<16xf32>
      %swap3A_187 = arith.index_cast %add3A_179 : i32 to index
      %swap3A_188 = arith.constant 0 : index
      %swap3A_189 = tpu.vector_load %arg13[%swap3A_187, %swap3A_188] {strides = array<i32>} : memref<640x32xf32, #tpu.memory_space<vmem>>, vector<16xf32>,
      tpu.vector_store %arg13[%swap3A_187, %swap3A_188], %mul3A_186 {strides = array<i32>} : memref<640x32xf32, #tpu.memory_space<vmem>>, vector<16xf32>,
      %get3A_190 = arith.index_cast %add3A_179 : i32 to index
      %get3A_191 = arith.constant 16 : index
      %get3A_192 = tpu.vector_load %arg13[%get3A_190, %get3A_191] {strides = array<i32>} : memref<640x32xf32, #tpu.memory_space<vmem>>, vector<16xf32>,
      %slice3A_193 = vector.extract_strided_slice %get3A_115 {offsets = [3], sizes = [1], strides = [1]} : vector<16xf32> to vector<1xf32>
      %squeeze3A_194 = vector.extract %slice3A_193[0] : f32 from vector<1xf32>
      %mul3A_195 = vector.broadcast %squeeze3A_194 : f32 to vector<16xf32>
      %mul3A_196 = arith.mulf %get3A_192, %mul3A_195 : vector<16xf32>
      %swap3A_197 = arith.index_cast %add3A_179 : i32 to index
      %swap3A_198 = arith.constant 16 : index
      %swap3A_199 = tpu.vector_load %arg13[%swap3A_197, %swap3A_198] {strides = array<i32>} : memref<640x32xf32, #tpu.memory_space<vmem>>, vector<16xf32>,
      tpu.vector_store %arg13[%swap3A_197, %swap3A_198], %mul3A_196 {strides = array<i32>} : memref<640x32xf32, #tpu.memory_space<vmem>>, vector<16xf32>,
      %add3A_200 = arith.constant 4 : i32
      %add3A_201 = arith.addi %mul3A_113, %add3A_200 : i32
      %get3A_202 = arith.index_cast %add3A_201 : i32 to index
      %get3A_203 = arith.constant 0 : index
      %get3A_204 = tpu.vector_load %arg13[%get3A_202, %get3A_203] {strides = array<i32>} : memref<640x32xf32, #tpu.memory_space<vmem>>, vector<16xf32>,
      %slice3A_205 = vector.extract_strided_slice %get3A_115 {offsets = [4], sizes = [1], strides = [1]} : vector<16xf32> to vector<1xf32>
      %squeeze3A_206 = vector.extract %slice3A_205[0] : f32 from vector<1xf32>
      %mul3A_207 = vector.broadcast %squeeze3A_206 : f32 to vector<16xf32>
      %mul3A_208 = arith.mulf %get3A_204, %mul3A_207 : vector<16xf32>
      %swap3A_209 = arith.index_cast %add3A_201 : i32 to index
      %swap3A_210 = arith.constant 0 : index
      %swap3A_211 = tpu.vector_load %arg13[%swap3A_209, %swap3A_210] {strides = array<i32>} : memref<640x32xf32, #tpu.memory_space<vmem>>, vector<16xf32>,
      tpu.vector_store %arg13[%swap3A_209, %swap3A_210], %mul3A_208 {strides = array<i32>} : memref<640x32xf32, #tpu.memory_space<vmem>>, vector<16xf32>,
      %get3A_212 = arith.index_cast %add3A_201 : i32 to index
      %get3A_213 = arith.constant 16 : index
      %get3A_214 = tpu.vector_load %arg13[%get3A_212, %get3A_213] {strides = array<i32>} : memref<640x32xf32, #tpu.memory_space<vmem>>, vector<16xf32>,
      %slice3A_215 = vector.extract_strided_slice %get3A_115 {offsets = [4], sizes = [1], strides = [1]} : vector<16xf32> to vector<1xf32>
      %squeeze3A_216 = vector.extract %slice3A_215[0] : f32 from vector<1xf32>
      %mul3A_217 = vector.broadcast %squeeze3A_216 : f32 to vector<16xf32>
      %mul3A_218 = arith.mulf %get3A_214, %mul3A_217 : vector<16xf32>
      %swap3A_219 = arith.index_cast %add3A_201 : i32 to index
      %swap3A_220 = arith.constant 16 : index
      %swap3A_221 = tpu.vector_load %arg13[%swap3A_219, %swap3A_220] {strides = array<i32>} : memref<640x32xf32, #tpu.memory_space<vmem>>, vector<16xf32>,
      tpu.vector_store %arg13[%swap3A_219, %swap3A_220], %mul3A_218 {strides = array<i32>} : memref<640x32xf32, #tpu.memory_space<vmem>>, vector<16xf32>,
      %add3A_222 = arith.constant 5 : i32
      %add3A_223 = arith.addi %mul3A_113, %add3A_222 : i32
      %get3A_224 = arith.index_cast %add3A_223 : i32 to index
      %get3A_225 = arith.constant 0 : index
      %get3A_226 = tpu.vector_load %arg13[%get3A_224, %get3A_225] {strides = array<i32>} : memref<640x32xf32, #tpu.memory_space<vmem>>, vector<16xf32>,
      %slice3A_227 = vector.extract_strided_slice %get3A_115 {offsets = [5], sizes = [1], strides = [1]} : vector<16xf32> to vector<1xf32>
      %squeeze3A_228 = vector.extract %slice3A_227[0] : f32 from vector<1xf32>
      %mul3A_229 = vector.broadcast %squeeze3A_228 : f32 to vector<16xf32>
      %mul3A_230 = arith.mulf %get3A_226, %mul3A_229 : vector<16xf32>
      %swap3A_231 = arith.index_cast %add3A_223 : i32 to index
      %swap3A_232 = arith.constant 0 : index
      %swap3A_233 = tpu.vector_load %arg13[%swap3A_231, %swap3A_232] {strides = array<i32>} : memref<640x32xf32, #tpu.memory_space<vmem>>, vector<16xf32>,
      tpu.vector_store %arg13[%swap3A_231, %swap3A_232], %mul3A_230 {strides = array<i32>} : memref<640x32xf32, #tpu.memory_space<vmem>>, vector<16xf32>,
      %get3A_234 = arith.index_cast %add3A_223 : i32 to index
      %get3A_235 = arith.constant 16 : index
      %get3A_236 = tpu.vector_load %arg13[%get3A_234, %get3A_235] {strides = array<i32>} : memref<640x32xf32, #tpu.memory_space<vmem>>, vector<16xf32>,
      %slice3A_237 = vector.extract_strided_slice %get3A_115 {offsets = [5], sizes = [1], strides = [1]} : vector<16xf32> to vector<1xf32>
      %squeeze3A_238 = vector.extract %slice3A_237[0] : f32 from vector<1xf32>
      %mul3A_239 = vector.broadcast %squeeze3A_238 : f32 to vector<16xf32>
      %mul3A_240 = arith.mulf %get3A_236, %mul3A_239 : vector<16xf32>
      %swap3A_241 = arith.index_cast %add3A_223 : i32 to index
      %swap3A_242 = arith.constant 16 : index
      %swap3A_243 = tpu.vector_load %arg13[%swap3A_241, %swap3A_242] {strides = array<i32>} : memref<640x32xf32, #tpu.memory_space<vmem>>, vector<16xf32>,
      tpu.vector_store %arg13[%swap3A_241, %swap3A_242], %mul3A_240 {strides = array<i32>} : memref<640x32xf32, #tpu.memory_space<vmem>>, vector<16xf32>,
      %add3A_244 = arith.constant 6 : i32
      %add3A_245 = arith.addi %mul3A_113, %add3A_244 : i32
      %get3A_246 = arith.index_cast %add3A_245 : i32 to index
      %get3A_247 = arith.constant 0 : index
      %get3A_248 = tpu.vector_load %arg13[%get3A_246, %get3A_247] {strides = array<i32>} : memref<640x32xf32, #tpu.memory_space<vmem>>, vector<16xf32>,
      %slice3A_249 = vector.extract_strided_slice %get3A_115 {offsets = [6], sizes = [1], strides = [1]} : vector<16xf32> to vector<1xf32>
      %squeeze3A_250 = vector.extract %slice3A_249[0] : f32 from vector<1xf32>
      %mul3A_251 = vector.broadcast %squeeze3A_250 : f32 to vector<16xf32>
      %mul3A_252 = arith.mulf %get3A_248, %mul3A_251 : vector<16xf32>
      %swap3A_253 = arith.index_cast %add3A_245 : i32 to index
      %swap3A_254 = arith.constant 0 : index
      %swap3A_255 = tpu.vector_load %arg13[%swap3A_253, %swap3A_254] {strides = array<i32>} : memref<640x32xf32, #tpu.memory_space<vmem>>, vector<16xf32>,
      tpu.vector_store %arg13[%swap3A_253, %swap3A_254], %mul3A_252 {strides = array<i32>} : memref<640x32xf32, #tpu.memory_space<vmem>>, vector<16xf32>,
      %get3A_256 = arith.index_cast %add3A_245 : i32 to index
      %get3A_257 = arith.constant 16 : index
      %get3A_258 = tpu.vector_load %arg13[%get3A_256, %get3A_257] {strides = array<i32>} : memref<640x32xf32, #tpu.memory_space<vmem>>, vector<16xf32>,
      %slice3A_259 = vector.extract_strided_slice %get3A_115 {offsets = [6], sizes = [1], strides = [1]} : vector<16xf32> to vector<1xf32>
      %squeeze3A_260 = vector.extract %slice3A_259[0] : f32 from vector<1xf32>
      %mul3A_261 = vector.broadcast %squeeze3A_260 : f32 to vector<16xf32>
      %mul3A_262 = arith.mulf %get3A_258, %mul3A_261 : vector<16xf32>
      %swap3A_263 = arith.index_cast %add3A_245 : i32 to index
      %swap3A_264 = arith.constant 16 : index
      %swap3A_265 = tpu.vector_load %arg13[%swap3A_263, %swap3A_264] {strides = array<i32>} : memref<640x32xf32, #tpu.memory_space<vmem>>, vector<16xf32>,
      tpu.vector_store %arg13[%swap3A_263, %swap3A_264], %mul3A_262 {strides = array<i32>} : memref<640x32xf32, #tpu.memory_space<vmem>>, vector<16xf32>,
      %add3A_266 = arith.constant 7 : i32
      %add3A_267 = arith.addi %mul3A_113, %add3A_266 : i32
      %get3A_268 = arith.index_cast %add3A_267 : i32 to index
      %get3A_269 = arith.constant 0 : index
      %get3A_270 = tpu.vector_load %arg13[%get3A_268, %get3A_269] {strides = array<i32>} : memref<640x32xf32, #tpu.memory_space<vmem>>, vector<16xf32>,
      %slice3A_271 = vector.extract_strided_slice %get3A_115 {offsets = [7], sizes = [1], strides = [1]} : vector<16xf32> to vector<1xf32>
      %squeeze3A_272 = vector.extract %slice3A_271[0] : f32 from vector<1xf32>
      %mul3A_273 = vector.broadcast %squeeze3A_272 : f32 to vector<16xf32>
      %mul3A_274 = arith.mulf %get3A_270, %mul3A_273 : vector<16xf32>
      %swap3A_275 = arith.index_cast %add3A_267 : i32 to index
      %swap3A_276 = arith.constant 0 : index
      %swap3A_277 = tpu.vector_load %arg13[%swap3A_275, %swap3A_276] {strides = array<i32>} : memref<640x32xf32, #tpu.memory_space<vmem>>, vector<16xf32>,
      tpu.vector_store %arg13[%swap3A_275, %swap3A_276], %mul3A_274 {strides = array<i32>} : memref<640x32xf32, #tpu.memory_space<vmem>>, vector<16xf32>,
      %get3A_278 = arith.index_cast %add3A_267 : i32 to index
      %get3A_279 = arith.constant 16 : index
      %get3A_280 = tpu.vector_load %arg13[%get3A_278, %get3A_279] {strides = array<i32>} : memref<640x32xf32, #tpu.memory_space<vmem>>, vector<16xf32>,
      %slice3A_281 = vector.extract_strided_slice %get3A_115 {offsets = [7], sizes = [1], strides = [1]} : vector<16xf32> to vector<1xf32>
      %squeeze3A_282 = vector.extract %slice3A_281[0] : f32 from vector<1xf32>
      %mul3A_283 = vector.broadcast %squeeze3A_282 : f32 to vector<16xf32>
      %mul3A_284 = arith.mulf %get3A_280, %mul3A_283 : vector<16xf32>
      %swap3A_285 = arith.index_cast %add3A_267 : i32 to index
      %swap3A_286 = arith.constant 16 : index
      %swap3A_287 = tpu.vector_load %arg13[%swap3A_285, %swap3A_286] {strides = array<i32>} : memref<640x32xf32, #tpu.memory_space<vmem>>, vector<16xf32>,
      tpu.vector_store %arg13[%swap3A_285, %swap3A_286], %mul3A_284 {strides = array<i32>} : memref<640x32xf32, #tpu.memory_space<vmem>>, vector<16xf32>,
      %add3A_288 = arith.constant 8 : i32
      %add3A_289 = arith.addi %mul3A_113, %add3A_288 : i32
      %get3A_290 = arith.index_cast %add3A_289 : i32 to index
      %get3A_291 = arith.constant 0 : index
      %get3A_292 = tpu.vector_load %arg13[%get3A_290, %get3A_291] {strides = array<i32>} : memref<640x32xf32, #tpu.memory_space<vmem>>, vector<16xf32>,
      %slice3A_293 = vector.extract_strided_slice %get3A_115 {offsets = [8], sizes = [1], strides = [1]} : vector<16xf32> to vector<1xf32>
      %squeeze3A_294 = vector.extract %slice3A_293[0] : f32 from vector<1xf32>
      %mul3A_295 = vector.broadcast %squeeze3A_294 : f32 to vector<16xf32>
      %mul3A_296 = arith.mulf %get3A_292, %mul3A_295 : vector<16xf32>
      %swap3A_297 = arith.index_cast %add3A_289 : i32 to index
      %swap3A_298 = arith.constant 0 : index
      %swap3A_299 = tpu.vector_load %arg13[%swap3A_297, %swap3A_298] {strides = array<i32>} : memref<640x32xf32, #tpu.memory_space<vmem>>, vector<16xf32>,
      tpu.vector_store %arg13[%swap3A_297, %swap3A_298], %mul3A_296 {strides = array<i32>} : memref<640x32xf32, #tpu.memory_space<vmem>>, vector<16xf32>,
      %get3A_300 = arith.index_cast %add3A_289 : i32 to index
      %get3A_301 = arith.constant 16 : index
      %get3A_302 = tpu.vector_load %arg13[%get3A_300, %get3A_301] {strides = array<i32>} : memref<640x32xf32, #tpu.memory_space<vmem>>, vector<16xf32>,
      %slice3A_303 = vector.extract_strided_slice %get3A_115 {offsets = [8], sizes = [1], strides = [1]} : vector<16xf32> to vector<1xf32>
      %squeeze3A_304 = vector.extract %slice3A_303[0] : f32 from vector<1xf32>
      %mul3A_305 = vector.broadcast %squeeze3A_304 : f32 to vector<16xf32>
      %mul3A_306 = arith.mulf %get3A_302, %mul3A_305 : vector<16xf32>
      %swap3A_307 = arith.index_cast %add3A_289 : i32 to index
      %swap3A_308 = arith.constant 16 : index
      %swap3A_309 = tpu.vector_load %arg13[%swap3A_307, %swap3A_308] {strides = array<i32>} : memref<640x32xf32, #tpu.memory_space<vmem>>, vector<16xf32>,
      tpu.vector_store %arg13[%swap3A_307, %swap3A_308], %mul3A_306 {strides = array<i32>} : memref<640x32xf32, #tpu.memory_space<vmem>>, vector<16xf32>,
      %add3A_310 = arith.constant 9 : i32
      %add3A_311 = arith.addi %mul3A_113, %add3A_310 : i32
      %get3A_312 = arith.index_cast %add3A_311 : i32 to index
      %get3A_313 = arith.constant 0 : index
      %get3A_314 = tpu.vector_load %arg13[%get3A_312, %get3A_313] {strides = array<i32>} : memref<640x32xf32, #tpu.memory_space<vmem>>, vector<16xf32>,
      %slice3A_315 = vector.extract_strided_slice %get3A_115 {offsets = [9], sizes = [1], strides = [1]} : vector<16xf32> to vector<1xf32>
      %squeeze3A_316 = vector.extract %slice3A_315[0] : f32 from vector<1xf32>
      %mul3A_317 = vector.broadcast %squeeze3A_316 : f32 to vector<16xf32>
      %mul3A_318 = arith.mulf %get3A_314, %mul3A_317 : vector<16xf32>
      %swap3A_319 = arith.index_cast %add3A_311 : i32 to index
      %swap3A_320 = arith.constant 0 : index
      %swap3A_321 = tpu.vector_load %arg13[%swap3A_319, %swap3A_320] {strides = array<i32>} : memref<640x32xf32, #tpu.memory_space<vmem>>, vector<16xf32>,
      tpu.vector_store %arg13[%swap3A_319, %swap3A_320], %mul3A_318 {strides = array<i32>} : memref<640x32xf32, #tpu.memory_space<vmem>>, vector<16xf32>,
      %get3A_322 = arith.index_cast %add3A_311 : i32 to index
      %get3A_323 = arith.constant 16 : index
      %get3A_324 = tpu.vector_load %arg13[%get3A_322, %get3A_323] {strides = array<i32>} : memref<640x32xf32, #tpu.memory_space<vmem>>, vector<16xf32>,
      %slice3A_325 = vector.extract_strided_slice %get3A_115 {offsets = [9], sizes = [1], strides = [1]} : vector<16xf32> to vector<1xf32>
      %squeeze3A_326 = vector.extract %slice3A_325[0] : f32 from vector<1xf32>
      %mul3A_327 = vector.broadcast %squeeze3A_326 : f32 to vector<16xf32>
      %mul3A_328 = arith.mulf %get3A_324, %mul3A_327 : vector<16xf32>
      %swap3A_329 = arith.index_cast %add3A_311 : i32 to index
      %swap3A_330 = arith.constant 16 : index
      %swap3A_331 = tpu.vector_load %arg13[%swap3A_329, %swap3A_330] {strides = array<i32>} : memref<640x32xf32, #tpu.memory_space<vmem>>, vector<16xf32>,
      tpu.vector_store %arg13[%swap3A_329, %swap3A_330], %mul3A_328 {strides = array<i32>} : memref<640x32xf32, #tpu.memory_space<vmem>>, vector<16xf32>,
      %add3A_332 = arith.constant 10 : i32
      %add3A_333 = arith.addi %mul3A_113, %add3A_332 : i32
      %get3A_334 = arith.index_cast %add3A_333 : i32 to index
      %get3A_335 = arith.constant 0 : index
      %get3A_336 = tpu.vector_load %arg13[%get3A_334, %get3A_335] {strides = array<i32>} : memref<640x32xf32, #tpu.memory_space<vmem>>, vector<16xf32>,
      %slice3A_337 = vector.extract_strided_slice %get3A_115 {offsets = [10], sizes = [1], strides = [1]} : vector<16xf32> to vector<1xf32>
      %squeeze3A_338 = vector.extract %slice3A_337[0] : f32 from vector<1xf32>
      %mul3A_339 = vector.broadcast %squeeze3A_338 : f32 to vector<16xf32>
      %mul3A_340 = arith.mulf %get3A_336, %mul3A_339 : vector<16xf32>
      %swap3A_341 = arith.index_cast %add3A_333 : i32 to index
      %swap3A_342 = arith.constant 0 : index
      %swap3A_343 = tpu.vector_load %arg13[%swap3A_341, %swap3A_342] {strides = array<i32>} : memref<640x32xf32, #tpu.memory_space<vmem>>, vector<16xf32>,
      tpu.vector_store %arg13[%swap3A_341, %swap3A_342], %mul3A_340 {strides = array<i32>} : memref<640x32xf32, #tpu.memory_space<vmem>>, vector<16xf32>,
      %get3A_344 = arith.index_cast %add3A_333 : i32 to index
      %get3A_345 = arith.constant 16 : index
      %get3A_346 = tpu.vector_load %arg13[%get3A_344, %get3A_345] {strides = array<i32>} : memref<640x32xf32, #tpu.memory_space<vmem>>, vector<16xf32>,
      %slice3A_347 = vector.extract_strided_slice %get3A_115 {offsets = [10], sizes = [1], strides = [1]} : vector<16xf32> to vector<1xf32>
      %squeeze3A_348 = vector.extract %slice3A_347[0] : f32 from vector<1xf32>
      %mul3A_349 = vector.broadcast %squeeze3A_348 : f32 to vector<16xf32>
      %mul3A_350 = arith.mulf %get3A_346, %mul3A_349 : vector<16xf32>
      %swap3A_351 = arith.index_cast %add3A_333 : i32 to index
      %swap3A_352 = arith.constant 16 : index
      %swap3A_353 = tpu.vector_load %arg13[%swap3A_351, %swap3A_352] {strides = array<i32>} : memref<640x32xf32, #tpu.memory_space<vmem>>, vector<16xf32>,
      tpu.vector_store %arg13[%swap3A_351, %swap3A_352], %mul3A_350 {strides = array<i32>} : memref<640x32xf32, #tpu.memory_space<vmem>>, vector<16xf32>,
      %add3A_354 = arith.constant 11 : i32
      %add3A_355 = arith.addi %mul3A_113, %add3A_354 : i32
      %get3A_356 = arith.index_cast %add3A_355 : i32 to index
      %get3A_357 = arith.constant 0 : index
      %get3A_358 = tpu.vector_load %arg13[%get3A_356, %get3A_357] {strides = array<i32>} : memref<640x32xf32, #tpu.memory_space<vmem>>, vector<16xf32>,
      %slice3A_359 = vector.extract_strided_slice %get3A_115 {offsets = [11], sizes = [1], strides = [1]} : vector<16xf32> to vector<1xf32>
      %squeeze3A_360 = vector.extract %slice3A_359[0] : f32 from vector<1xf32>
      %mul3A_361 = vector.broadcast %squeeze3A_360 : f32 to vector<16xf32>
      %mul3A_362 = arith.mulf %get3A_358, %mul3A_361 : vector<16xf32>
      %swap3A_363 = arith.index_cast %add3A_355 : i32 to index
      %swap3A_364 = arith.constant 0 : index
      %swap3A_365 = tpu.vector_load %arg13[%swap3A_363, %swap3A_364] {strides = array<i32>} : memref<640x32xf32, #tpu.memory_space<vmem>>, vector<16xf32>,
      tpu.vector_store %arg13[%swap3A_363, %swap3A_364], %mul3A_362 {strides = array<i32>} : memref<640x32xf32, #tpu.memory_space<vmem>>, vector<16xf32>,
      %get3A_366 = arith.index_cast %add3A_355 : i32 to index
      %get3A_367 = arith.constant 16 : index
      %get3A_368 = tpu.vector_load %arg13[%get3A_366, %get3A_367] {strides = array<i32>} : memref<640x32xf32, #tpu.memory_space<vmem>>, vector<16xf32>,
      %slice3A_369 = vector.extract_strided_slice %get3A_115 {offsets = [11], sizes = [1], strides = [1]} : vector<16xf32> to vector<1xf32>
      %squeeze3A_370 = vector.extract %slice3A_369[0] : f32 from vector<1xf32>
      %mul3A_371 = vector.broadcast %squeeze3A_370 : f32 to vector<16xf32>
      %mul3A_372 = arith.mulf %get3A_368, %mul3A_371 : vector<16xf32>
      %swap3A_373 = arith.index_cast %add3A_355 : i32 to index
      %swap3A_374 = arith.constant 16 : index
      %swap3A_375 = tpu.vector_load %arg13[%swap3A_373, %swap3A_374] {strides = array<i32>} : memref<640x32xf32, #tpu.memory_space<vmem>>, vector<16xf32>,
      tpu.vector_store %arg13[%swap3A_373, %swap3A_374], %mul3A_372 {strides = array<i32>} : memref<640x32xf32, #tpu.memory_space<vmem>>, vector<16xf32>,
      %add3A_376 = arith.constant 12 : i32
      %add3A_377 = arith.addi %mul3A_113, %add3A_376 : i32
      %get3A_378 = arith.index_cast %add3A_377 : i32 to index
      %get3A_379 = arith.constant 0 : index
      %get3A_380 = tpu.vector_load %arg13[%get3A_378, %get3A_379] {strides = array<i32>} : memref<640x32xf32, #tpu.memory_space<vmem>>, vector<16xf32>,
      %slice3A_381 = vector.extract_strided_slice %get3A_115 {offsets = [12], sizes = [1], strides = [1]} : vector<16xf32> to vector<1xf32>
      %squeeze3A_382 = vector.extract %slice3A_381[0] : f32 from vector<1xf32>
      %mul3A_383 = vector.broadcast %squeeze3A_382 : f32 to vector<16xf32>
      %mul3A_384 = arith.mulf %get3A_380, %mul3A_383 : vector<16xf32>
      %swap3A_385 = arith.index_cast %add3A_377 : i32 to index
      %swap3A_386 = arith.constant 0 : index
      %swap3A_387 = tpu.vector_load %arg13[%swap3A_385, %swap3A_386] {strides = array<i32>} : memref<640x32xf32, #tpu.memory_space<vmem>>, vector<16xf32>,
      tpu.vector_store %arg13[%swap3A_385, %swap3A_386], %mul3A_384 {strides = array<i32>} : memref<640x32xf32, #tpu.memory_space<vmem>>, vector<16xf32>,
      %get3A_388 = arith.index_cast %add3A_377 : i32 to index
      %get3A_389 = arith.constant 16 : index
      %get3A_390 = tpu.vector_load %arg13[%get3A_388, %get3A_389] {strides = array<i32>} : memref<640x32xf32, #tpu.memory_space<vmem>>, vector<16xf32>,
      %slice3A_391 = vector.extract_strided_slice %get3A_115 {offsets = [12], sizes = [1], strides = [1]} : vector<16xf32> to vector<1xf32>
      %squeeze3A_392 = vector.extract %slice3A_391[0] : f32 from vector<1xf32>
      %mul3A_393 = vector.broadcast %squeeze3A_392 : f32 to vector<16xf32>
      %mul3A_394 = arith.mulf %get3A_390, %mul3A_393 : vector<16xf32>
      %swap3A_395 = arith.index_cast %add3A_377 : i32 to index
      %swap3A_396 = arith.constant 16 : index
      %swap3A_397 = tpu.vector_load %arg13[%swap3A_395, %swap3A_396] {strides = array<i32>} : memref<640x32xf32, #tpu.memory_space<vmem>>, vector<16xf32>,
      tpu.vector_store %arg13[%swap3A_395, %swap3A_396], %mul3A_394 {strides = array<i32>} : memref<640x32xf32, #tpu.memory_space<vmem>>, vector<16xf32>,
      %add3A_398 = arith.constant 13 : i32
      %add3A_399 = arith.addi %mul3A_113, %add3A_398 : i32
      %get3A_400 = arith.index_cast %add3A_399 : i32 to index
      %get3A_401 = arith.constant 0 : index
      %get3A_402 = tpu.vector_load %arg13[%get3A_400, %get3A_401] {strides = array<i32>} : memref<640x32xf32, #tpu.memory_space<vmem>>, vector<16xf32>,
      %slice3A_403 = vector.extract_strided_slice %get3A_115 {offsets = [13], sizes = [1], strides = [1]} : vector<16xf32> to vector<1xf32>
      %squeeze3A_404 = vector.extract %slice3A_403[0] : f32 from vector<1xf32>
      %mul3A_405 = vector.broadcast %squeeze3A_404 : f32 to vector<16xf32>
      %mul3A_406 = arith.mulf %get3A_402, %mul3A_405 : vector<16xf32>
      %swap3A_407 = arith.index_cast %add3A_399 : i32 to index
      %swap3A_408 = arith.constant 0 : index
      %swap3A_409 = tpu.vector_load %arg13[%swap3A_407, %swap3A_408] {strides = array<i32>} : memref<640x32xf32, #tpu.memory_space<vmem>>, vector<16xf32>,
      tpu.vector_store %arg13[%swap3A_407, %swap3A_408], %mul3A_406 {strides = array<i32>} : memref<640x32xf32, #tpu.memory_space<vmem>>, vector<16xf32>,
      %get3A_410 = arith.index_cast %add3A_399 : i32 to index
      %get3A_411 = arith.constant 16 : index
      %get3A_412 = tpu.vector_load %arg13[%get3A_410, %get3A_411] {strides = array<i32>} : memref<640x32xf32, #tpu.memory_space<vmem>>, vector<16xf32>,
      %slice3A_413 = vector.extract_strided_slice %get3A_115 {offsets = [13], sizes = [1], strides = [1]} : vector<16xf32> to vector<1xf32>
      %squeeze3A_414 = vector.extract %slice3A_413[0] : f32 from vector<1xf32>
      %mul3A_415 = vector.broadcast %squeeze3A_414 : f32 to vector<16xf32>
      %mul3A_416 = arith.mulf %get3A_412, %mul3A_415 : vector<16xf32>
      %swap3A_417 = arith.index_cast %add3A_399 : i32 to index
      %swap3A_418 = arith.constant 16 : index
      %swap3A_419 = tpu.vector_load %arg13[%swap3A_417, %swap3A_418] {strides = array<i32>} : memref<640x32xf32, #tpu.memory_space<vmem>>, vector<16xf32>,
      tpu.vector_store %arg13[%swap3A_417, %swap3A_418], %mul3A_416 {strides = array<i32>} : memref<640x32xf32, #tpu.memory_space<vmem>>, vector<16xf32>,
      %add3A_420 = arith.constant 14 : i32
      %add3A_421 = arith.addi %mul3A_113, %add3A_420 : i32
      %get3A_422 = arith.index_cast %add3A_421 : i32 to index
      %get3A_423 = arith.constant 0 : index
      %get3A_424 = tpu.vector_load %arg13[%get3A_422, %get3A_423] {strides = array<i32>} : memref<640x32xf32, #tpu.memory_space<vmem>>, vector<16xf32>,
      %slice3A_425 = vector.extract_strided_slice %get3A_115 {offsets = [14], sizes = [1], strides = [1]} : vector<16xf32> to vector<1xf32>
      %squeeze3A_426 = vector.extract %slice3A_425[0] : f32 from vector<1xf32>
      %mul3A_427 = vector.broadcast %squeeze3A_426 : f32 to vector<16xf32>
      %mul3A_428 = arith.mulf %get3A_424, %mul3A_427 : vector<16xf32>
      %swap3A_429 = arith.index_cast %add3A_421 : i32 to index
      %swap3A_430 = arith.constant 0 : index
      %swap3A_431 = tpu.vector_load %arg13[%swap3A_429, %swap3A_430] {strides = array<i32>} : memref<640x32xf32, #tpu.memory_space<vmem>>, vector<16xf32>,
      tpu.vector_store %arg13[%swap3A_429, %swap3A_430], %mul3A_428 {strides = array<i32>} : memref<640x32xf32, #tpu.memory_space<vmem>>, vector<16xf32>,
      %get3A_432 = arith.index_cast %add3A_421 : i32 to index
      %get3A_433 = arith.constant 16 : index
      %get3A_434 = tpu.vector_load %arg13[%get3A_432, %get3A_433] {strides = array<i32>} : memref<640x32xf32, #tpu.memory_space<vmem>>, vector<16xf32>,
      %slice3A_435 = vector.extract_strided_slice %get3A_115 {offsets = [14], sizes = [1], strides = [1]} : vector<16xf32> to vector<1xf32>
      %squeeze3A_436 = vector.extract %slice3A_435[0] : f32 from vector<1xf32>
      %mul3A_437 = vector.broadcast %squeeze3A_436 : f32 to vector<16xf32>
      %mul3A_438 = arith.mulf %get3A_434, %mul3A_437 : vector<16xf32>
      %swap3A_439 = arith.index_cast %add3A_421 : i32 to index
      %swap3A_440 = arith.constant 16 : index
      %swap3A_441 = tpu.vector_load %arg13[%swap3A_439, %swap3A_440] {strides = array<i32>} : memref<640x32xf32, #tpu.memory_space<vmem>>, vector<16xf32>,
      tpu.vector_store %arg13[%swap3A_439, %swap3A_440], %mul3A_438 {strides = array<i32>} : memref<640x32xf32, #tpu.memory_space<vmem>>, vector<16xf32>,
      %add3A_442 = arith.constant 15 : i32
      %add3A_443 = arith.addi %mul3A_113, %add3A_442 : i32
      %get3A_444 = arith.index_cast %add3A_443 : i32 to index
      %get3A_445 = arith.constant 0 : index
      %get3A_446 = tpu.vector_load %arg13[%get3A_444, %get3A_445] {strides = array<i32>} : memref<640x32xf32, #tpu.memory_space<vmem>>, vector<16xf32>,
      %slice3A_447 = vector.extract_strided_slice %get3A_115 {offsets = [15], sizes = [1], strides = [1]} : vector<16xf32> to vector<1xf32>
      %squeeze3A_448 = vector.extract %slice3A_447[0] : f32 from vector<1xf32>
      %mul3A_449 = vector.broadcast %squeeze3A_448 : f32 to vector<16xf32>
      %mul3A_450 = arith.mulf %get3A_446, %mul3A_449 : vector<16xf32>
      %swap3A_451 = arith.index_cast %add3A_443 : i32 to index
      %swap3A_452 = arith.constant 0 : index
      %swap3A_453 = tpu.vector_load %arg13[%swap3A_451, %swap3A_452] {strides = array<i32>} : memref<640x32xf32, #tpu.memory_space<vmem>>, vector<16xf32>,
      tpu.vector_store %arg13[%swap3A_451, %swap3A_452], %mul3A_450 {strides = array<i32>} : memref<640x32xf32, #tpu.memory_space<vmem>>, vector<16xf32>,
      %get3A_454 = arith.index_cast %add3A_443 : i32 to index
      %get3A_455 = arith.constant 16 : index
      %get3A_456 = tpu.vector_load %arg13[%get3A_454, %get3A_455] {strides = array<i32>} : memref<640x32xf32, #tpu.memory_space<vmem>>, vector<16xf32>,
      %slice3A_457 = vector.extract_strided_slice %get3A_115 {offsets = [15], sizes = [1], strides = [1]} : vector<16xf32> to vector<1xf32>
      %squeeze3A_458 = vector.extract %slice3A_457[0] : f32 from vector<1xf32>
      %mul3A_459 = vector.broadcast %squeeze3A_458 : f32 to vector<16xf32>
      %mul3A_460 = arith.mulf %get3A_456, %mul3A_459 : vector<16xf32>
      %swap3A_461 = arith.index_cast %add3A_443 : i32 to index
      %swap3A_462 = arith.constant 16 : index
      %swap3A_463 = tpu.vector_load %arg13[%swap3A_461, %swap3A_462] {strides = array<i32>} : memref<640x32xf32, #tpu.memory_space<vmem>>, vector<16xf32>,
      tpu.vector_store %arg13[%swap3A_461, %swap3A_462], %mul3A_460 {strides = array<i32>} : memref<640x32xf32, #tpu.memory_space<vmem>>, vector<16xf32>,
    }
    %scan3A_61 = arith.constant 40 : i32
    "tpu.region"() ({
      %run_scoped3A_111 = tpu.sem_alloc : memref<!tpu.dma_semaphore, #tpu.memory_space<semaphore_mem>>
      %dma_start3A_112 = arith.constant 0 : i32
      %dma_start3A_113 = tpu.memref_slice %arg19[%mul3A_0, %dma_start3A_112] : memref<10240x32xf32, #tpu.memory_space<vmem_shared>> -> memref<640x32xf32, #tpu.memory_space<vmem_shared>>
      %dma_start3A_114 = arith.constant 0 : i32
      %dma_start3A_115 = tpu.memref_slice %arg19[%mul3A_0, %dma_start3A_114] : memref<10240x32xf32, #tpu.memory_space<vmem_shared>> -> memref<640x32xf32, #tpu.memory_space<vmem_shared>>
      tpu.enqueue_dma source(%arg13 : memref<640x32xf32, #tpu.memory_space<vmem>>) target(%dma_start3A_115 : memref<640x32xf32, #tpu.memory_space<vmem_shared>>) target_semaphore(%run_scoped3A_111 : memref<!tpu.dma_semaphore, #tpu.memory_space<semaphore_mem>>)
      %dma_wait3A_116 = arith.constant 0 : i32
      %dma_wait3A_117 = tpu.memref_slice %arg19[%mul3A_0, %dma_wait3A_116] : memref<10240x32xf32, #tpu.memory_space<vmem_shared>> -> memref<640x32xf32, #tpu.memory_space<vmem_shared>>
      %dma_wait3A_118 = arith.constant 0 : i32
      %dma_wait3A_119 = tpu.memref_slice %arg19[%mul3A_0, %dma_wait3A_118] : memref<10240x32xf32, #tpu.memory_space<vmem_shared>> -> memref<640x32xf32, #tpu.memory_space<vmem_shared>>
      tpu.wait_dma2 semaphore(%run_scoped3A_111 : memref<!tpu.dma_semaphore, #tpu.memory_space<semaphore_mem>>) src(%arg13 : memref<640x32xf32, #tpu.memory_space<vmem>>) dst(%dma_wait3A_119 : memref<640x32xf32, #tpu.memory_space<vmem_shared>>)
      tpu.yield
    }) : () -> ()
    "tpu.region"() ({
      %run_scoped3A_111 = tpu.sem_alloc : memref<!tpu.dma_semaphore, #tpu.memory_space<semaphore_mem>>
      %dma_start3A_112 = arith.constant 0 : i32
      %dma_start3A_113 = tpu.memref_slice %arg20[%mul3A_0, %dma_start3A_112] : memref<10240x32xf32, #tpu.memory_space<vmem_shared>> -> memref<640x32xf32, #tpu.memory_space<vmem_shared>>
      %dma_start3A_114 = arith.constant 0 : i32
      %dma_start3A_115 = tpu.memref_slice %arg20[%mul3A_0, %dma_start3A_114] : memref<10240x32xf32, #tpu.memory_space<vmem_shared>> -> memref<640x32xf32, #tpu.memory_space<vmem_shared>>
      tpu.enqueue_dma source(%arg13 : memref<640x32xf32, #tpu.memory_space<vmem>>) target(%dma_start3A_115 : memref<640x32xf32, #tpu.memory_space<vmem_shared>>) target_semaphore(%run_scoped3A_111 : memref<!tpu.dma_semaphore, #tpu.memory_space<semaphore_mem>>)
      %dma_wait3A_116 = arith.constant 0 : i32
      %dma_wait3A_117 = tpu.memref_slice %arg20[%mul3A_0, %dma_wait3A_116] : memref<10240x32xf32, #tpu.memory_space<vmem_shared>> -> memref<640x32xf32, #tpu.memory_space<vmem_shared>>
      %dma_wait3A_118 = arith.constant 0 : i32
      %dma_wait3A_119 = tpu.memref_slice %arg20[%mul3A_0, %dma_wait3A_118] : memref<10240x32xf32, #tpu.memory_space<vmem_shared>> -> memref<640x32xf32, #tpu.memory_space<vmem_shared>>
      tpu.wait_dma2 semaphore(%run_scoped3A_111 : memref<!tpu.dma_semaphore, #tpu.memory_space<semaphore_mem>>) src(%arg13 : memref<640x32xf32, #tpu.memory_space<vmem>>) dst(%dma_wait3A_119 : memref<640x32xf32, #tpu.memory_space<vmem_shared>>)
      tpu.yield
    }) : () -> ()
    %barrier3A_62 = arith.constant 0 : index
    tpu.barrier barrier_id(%barrier3A_62)
    %dma_start3A_63 = arith.constant 0 : i32
    %dma_start3A_64 = arith.constant 0 : i32
    %dma_start3A_65 = arith.constant 0 : i32
    %dma_start3A_66 = arith.constant 0 : i32
    %dma_start3A_67 = tpu.memref_slice %arg12[%dma_start3A_64, %dma_start3A_65, %dma_start3A_66] : memref<2x128x32xf32, #tpu.memory_space<vmem>> -> memref<1x128x32xf32, #tpu.memory_space<vmem>>
    %dma_start3A_68 = tpu.memref_squeeze %dma_start3A_67 : memref<1x128x32xf32, #tpu.memory_space<vmem>> -> memref<128x32xf32, #tpu.memory_space<vmem>>
    %dma_start3A_69 = arith.constant 0 : i32
    %dma_start3A_70 = tpu.memref_slice %arg9[%dma_start3A_63, %dma_start3A_69] : memref<157x128xi32, #tpu.memory_space<vmem>> -> memref<1x128xi32, #tpu.memory_space<vmem>>
    %dma_start3A_71 = tpu.memref_squeeze %dma_start3A_70 : memref<1x128xi32, #tpu.memory_space<vmem>> -> memref<128xi32, #tpu.memory_space<vmem>>
    %dma_start3A_72 = arith.constant 0 : i32
    %dma_start3A_73 = arith.constant 0 : i32
    %dma_start3A_74 = tpu.memref_slice %arg19[%dma_start3A_72, %dma_start3A_73] : memref<10240x32xf32, #tpu.memory_space<vmem_shared>> -> memref<10240x32xf32, #tpu.memory_space<vmem_shared>>
    tpu.enqueue_indirect_dma source(%dma_start3A_74 : memref<10240x32xf32, #tpu.memory_space<vmem_shared>>) target(%dma_start3A_68 : memref<128x32xf32, #tpu.memory_space<vmem>>) offsets(%dma_start3A_71 : memref<128xi32, #tpu.memory_space<vmem>>) semaphore(%arg21 : memref<!tpu.dma_semaphore, #tpu.memory_space<semaphore_mem>>)
    %scan3A_75 = arith.constant 0 : i32
    %scan3A_76 = arith.constant 0 : i32
    %scan3A_77 = arith.constant 78 : i32
    %scan3A_78 = arith.addi %scan3A_76, %scan3A_77 : i32
    %scan3A_79 = arith.constant 1 : i32
    scf.for %scan3A_111 = %scan3A_76 to %scan3A_78 step %scan3A_79  : i32 {
      %mul3A_112 = arith.constant 2 : i32
      %mul3A_113 = arith.muli %scan3A_111, %mul3A_112 : i32
      %add3A = arith.constant 1 : i32
      %add3A_114 = arith.addi %mul3A_113, %add3A : i32
      %dma_start3A_115 = arith.constant 1 : i32
      %dma_start3A_116 = arith.constant 0 : i32
      %dma_start3A_117 = arith.constant 0 : i32
      %dma_start3A_118 = tpu.memref_slice %arg12[%dma_start3A_115, %dma_start3A_116, %dma_start3A_117] : memref<2x128x32xf32, #tpu.memory_space<vmem>> -> memref<1x128x32xf32, #tpu.memory_space<vmem>>
      %dma_start3A_119 = tpu.memref_squeeze %dma_start3A_118 : memref<1x128x32xf32, #tpu.memory_space<vmem>> -> memref<128x32xf32, #tpu.memory_space<vmem>>
      %dma_start3A_120 = arith.constant 0 : i32
      %dma_start3A_121 = tpu.memref_slice %arg9[%add3A_114, %dma_start3A_120] : memref<157x128xi32, #tpu.memory_space<vmem>> -> memref<1x128xi32, #tpu.memory_space<vmem>>
      %dma_start3A_122 = tpu.memref_squeeze %dma_start3A_121 : memref<1x128xi32, #tpu.memory_space<vmem>> -> memref<128xi32, #tpu.memory_space<vmem>>
      %dma_start3A_123 = arith.constant 0 : i32
      %dma_start3A_124 = arith.constant 0 : i32
      %dma_start3A_125 = tpu.memref_slice %arg19[%dma_start3A_123, %dma_start3A_124] : memref<10240x32xf32, #tpu.memory_space<vmem_shared>> -> memref<10240x32xf32, #tpu.memory_space<vmem_shared>>
      tpu.enqueue_indirect_dma source(%dma_start3A_125 : memref<10240x32xf32, #tpu.memory_space<vmem_shared>>) target(%dma_start3A_119 : memref<128x32xf32, #tpu.memory_space<vmem>>) offsets(%dma_start3A_122 : memref<128xi32, #tpu.memory_space<vmem>>) semaphore(%arg22 : memref<!tpu.dma_semaphore, #tpu.memory_space<semaphore_mem>>)
      %dma_wait3A_126 = arith.constant 0 : i32
      %dma_wait3A_127 = arith.constant 0 : i32
      %dma_wait3A_128 = arith.constant 0 : i32
      %dma_wait3A_129 = tpu.memref_slice %arg12[%dma_wait3A_126, %dma_wait3A_127, %dma_wait3A_128] : memref<2x128x32xf32, #tpu.memory_space<vmem>> -> memref<1x128x32xf32, #tpu.memory_space<vmem>>
      %dma_wait3A_130 = tpu.memref_squeeze %dma_wait3A_129 : memref<1x128x32xf32, #tpu.memory_space<vmem>> -> memref<128x32xf32, #tpu.memory_space<vmem>>
      %dma_wait3A_131 = arith.constant 0 : i32
      %dma_wait3A_132 = tpu.memref_slice %arg9[%mul3A_113, %dma_wait3A_131] : memref<157x128xi32, #tpu.memory_space<vmem>> -> memref<1x128xi32, #tpu.memory_space<vmem>>
      %dma_wait3A_133 = tpu.memref_squeeze %dma_wait3A_132 : memref<1x128xi32, #tpu.memory_space<vmem>> -> memref<128xi32, #tpu.memory_space<vmem>>
      %dma_wait3A_134 = arith.constant 0 : i32
      %dma_wait3A_135 = arith.constant 0 : i32
      %dma_wait3A_136 = tpu.memref_slice %arg19[%dma_wait3A_134, %dma_wait3A_135] : memref<10240x32xf32, #tpu.memory_space<vmem_shared>> -> memref<10240x32xf32, #tpu.memory_space<vmem_shared>>
      tpu.wait_indirect_dma semaphore(%arg21 : memref<!tpu.dma_semaphore, #tpu.memory_space<semaphore_mem>>) src(%dma_wait3A_136 : memref<10240x32xf32, #tpu.memory_space<vmem_shared>>) dst(%dma_wait3A_130 : memref<128x32xf32, #tpu.memory_space<vmem>>)
      %run_scoped3A_137 = arith.constant 0 : i32
      "tpu.region"() ({
        %run_scoped3A_167 = tpu.sem_alloc : memref<!tpu.dma_semaphore, #tpu.memory_space<semaphore_mem>>
        %dma_start3A_168 = arith.constant 0 : i32
        %dma_start3A_169 = arith.constant 0 : i32
        %dma_start3A_170 = tpu.memref_slice %arg12[%run_scoped3A_137, %dma_start3A_168, %dma_start3A_169] : memref<2x128x32xf32, #tpu.memory_space<vmem>> -> memref<1x128x32xf32, #tpu.memory_space<vmem>>
        %dma_start3A_171 = tpu.memref_squeeze %dma_start3A_170 : memref<1x128x32xf32, #tpu.memory_space<vmem>> -> memref<128x32xf32, #tpu.memory_space<vmem>>
        %dma_start3A_172 = arith.constant 0 : i32
        %dma_start3A_173 = tpu.memref_slice %arg10[%mul3A_113, %dma_start3A_172] : memref<157x128xi32, #tpu.memory_space<vmem>> -> memref<1x128xi32, #tpu.memory_space<vmem>>
        %dma_start3A_174 = tpu.memref_squeeze %dma_start3A_173 : memref<1x128xi32, #tpu.memory_space<vmem>> -> memref<128xi32, #tpu.memory_space<vmem>>
        %dma_start3A_175 = arith.constant 0 : i32
        %dma_start3A_176 = arith.constant 0 : i32
        %dma_start3A_177 = tpu.memref_slice %arg20[%dma_start3A_175, %dma_start3A_176] : memref<10240x32xf32, #tpu.memory_space<vmem_shared>> -> memref<10240x32xf32, #tpu.memory_space<vmem_shared>>
        tpu.enqueue_indirect_dma source(%dma_start3A_171 : memref<128x32xf32, #tpu.memory_space<vmem>>) target(%dma_start3A_177 : memref<10240x32xf32, #tpu.memory_space<vmem_shared>>) offsets(%dma_start3A_174 : memref<128xi32, #tpu.memory_space<vmem>>) semaphore(%run_scoped3A_167 : memref<!tpu.dma_semaphore, #tpu.memory_space<semaphore_mem>>) {add = true}
        %dma_wait3A_178 = arith.constant 0 : i32
        %dma_wait3A_179 = arith.constant 0 : i32
        %dma_wait3A_180 = tpu.memref_slice %arg12[%run_scoped3A_137, %dma_wait3A_178, %dma_wait3A_179] : memref<2x128x32xf32, #tpu.memory_space<vmem>> -> memref<1x128x32xf32, #tpu.memory_space<vmem>>
        %dma_wait3A_181 = tpu.memref_squeeze %dma_wait3A_180 : memref<1x128x32xf32, #tpu.memory_space<vmem>> -> memref<128x32xf32, #tpu.memory_space<vmem>>
        %dma_wait3A_182 = arith.constant 0 : i32
        %dma_wait3A_183 = tpu.memref_slice %arg10[%mul3A_113, %dma_wait3A_182] : memref<157x128xi32, #tpu.memory_space<vmem>> -> memref<1x128xi32, #tpu.memory_space<vmem>>
        %dma_wait3A_184 = tpu.memref_squeeze %dma_wait3A_183 : memref<1x128xi32, #tpu.memory_space<vmem>> -> memref<128xi32, #tpu.memory_space<vmem>>
        %dma_wait3A_185 = arith.constant 0 : i32
        %dma_wait3A_186 = arith.constant 0 : i32
        %dma_wait3A_187 = tpu.memref_slice %arg20[%dma_wait3A_185, %dma_wait3A_186] : memref<10240x32xf32, #tpu.memory_space<vmem_shared>> -> memref<10240x32xf32, #tpu.memory_space<vmem_shared>>
        tpu.wait_indirect_dma semaphore(%run_scoped3A_167 : memref<!tpu.dma_semaphore, #tpu.memory_space<semaphore_mem>>) src(%dma_wait3A_181 : memref<128x32xf32, #tpu.memory_space<vmem>>) dst(%dma_wait3A_187 : memref<10240x32xf32, #tpu.memory_space<vmem_shared>>)
        tpu.yield
      }) : () -> ()
      %add3A_138 = arith.constant 2 : i32
      %add3A_139 = arith.addi %mul3A_113, %add3A_138 : i32
      %dma_start3A_140 = arith.constant 0 : i32
      %dma_start3A_141 = arith.constant 0 : i32
      %dma_start3A_142 = arith.constant 0 : i32
      %dma_start3A_143 = tpu.memref_slice %arg12[%dma_start3A_140, %dma_start3A_141, %dma_start3A_142] : memref<2x128x32xf32, #tpu.memory_space<vmem>> -> memref<1x128x32xf32, #tpu.memory_space<vmem>>
      %dma_start3A_144 = tpu.memref_squeeze %dma_start3A_143 : memref<1x128x32xf32, #tpu.memory_space<vmem>> -> memref<128x32xf32, #tpu.memory_space<vmem>>
      %dma_start3A_145 = arith.constant 0 : i32
      %dma_start3A_146 = tpu.memref_slice %arg9[%add3A_139, %dma_start3A_145] : memref<157x128xi32, #tpu.memory_space<vmem>> -> memref<1x128xi32, #tpu.memory_space<vmem>>
      %dma_start3A_147 = tpu.memref_squeeze %dma_start3A_146 : memref<1x128xi32, #tpu.memory_space<vmem>> -> memref<128xi32, #tpu.memory_space<vmem>>
      %dma_start3A_148 = arith.constant 0 : i32
      %dma_start3A_149 = arith.constant 0 : i32
      %dma_start3A_150 = tpu.memref_slice %arg19[%dma_start3A_148, %dma_start3A_149] : memref<10240x32xf32, #tpu.memory_space<vmem_shared>> -> memref<10240x32xf32, #tpu.memory_space<vmem_shared>>
      tpu.enqueue_indirect_dma source(%dma_start3A_150 : memref<10240x32xf32, #tpu.memory_space<vmem_shared>>) target(%dma_start3A_144 : memref<128x32xf32, #tpu.memory_space<vmem>>) offsets(%dma_start3A_147 : memref<128xi32, #tpu.memory_space<vmem>>) semaphore(%arg21 : memref<!tpu.dma_semaphore, #tpu.memory_space<semaphore_mem>>)
      %add3A_151 = arith.constant 1 : i32
      %add3A_152 = arith.addi %mul3A_113, %add3A_151 : i32
      %dma_wait3A_153 = arith.constant 1 : i32
      %dma_wait3A_154 = arith.constant 0 : i32
      %dma_wait3A_155 = arith.constant 0 : i32
      %dma_wait3A_156 = tpu.memref_slice %arg12[%dma_wait3A_153, %dma_wait3A_154, %dma_wait3A_155] : memref<2x128x32xf32, #tpu.memory_space<vmem>> -> memref<1x128x32xf32, #tpu.memory_space<vmem>>
      %dma_wait3A_157 = tpu.memref_squeeze %dma_wait3A_156 : memref<1x128x32xf32, #tpu.memory_space<vmem>> -> memref<128x32xf32, #tpu.memory_space<vmem>>
      %dma_wait3A_158 = arith.constant 0 : i32
      %dma_wait3A_159 = tpu.memref_slice %arg9[%add3A_152, %dma_wait3A_158] : memref<157x128xi32, #tpu.memory_space<vmem>> -> memref<1x128xi32, #tpu.memory_space<vmem>>
      %dma_wait3A_160 = tpu.memref_squeeze %dma_wait3A_159 : memref<1x128xi32, #tpu.memory_space<vmem>> -> memref<128xi32, #tpu.memory_space<vmem>>
      %dma_wait3A_161 = arith.constant 0 : i32
      %dma_wait3A_162 = arith.constant 0 : i32
      %dma_wait3A_163 = tpu.memref_slice %arg19[%dma_wait3A_161, %dma_wait3A_162] : memref<10240x32xf32, #tpu.memory_space<vmem_shared>> -> memref<10240x32xf32, #tpu.memory_space<vmem_shared>>
      tpu.wait_indirect_dma semaphore(%arg22 : memref<!tpu.dma_semaphore, #tpu.memory_space<semaphore_mem>>) src(%dma_wait3A_163 : memref<10240x32xf32, #tpu.memory_space<vmem_shared>>) dst(%dma_wait3A_157 : memref<128x32xf32, #tpu.memory_space<vmem>>)
      %add3A_164 = arith.constant 1 : i32
      %add3A_165 = arith.addi %mul3A_113, %add3A_164 : i32
      %run_scoped3A_166 = arith.constant 1 : i32
      "tpu.region"() ({
        %run_scoped3A_167 = tpu.sem_alloc : memref<!tpu.dma_semaphore, #tpu.memory_space<semaphore_mem>>
        %dma_start3A_168 = arith.constant 0 : i32
        %dma_start3A_169 = arith.constant 0 : i32
        %dma_start3A_170 = tpu.memref_slice %arg12[%run_scoped3A_166, %dma_start3A_168, %dma_start3A_169] : memref<2x128x32xf32, #tpu.memory_space<vmem>> -> memref<1x128x32xf32, #tpu.memory_space<vmem>>
        %dma_start3A_171 = tpu.memref_squeeze %dma_start3A_170 : memref<1x128x32xf32, #tpu.memory_space<vmem>> -> memref<128x32xf32, #tpu.memory_space<vmem>>
        %dma_start3A_172 = arith.constant 0 : i32
        %dma_start3A_173 = tpu.memref_slice %arg10[%add3A_165, %dma_start3A_172] : memref<157x128xi32, #tpu.memory_space<vmem>> -> memref<1x128xi32, #tpu.memory_space<vmem>>
        %dma_start3A_174 = tpu.memref_squeeze %dma_start3A_173 : memref<1x128xi32, #tpu.memory_space<vmem>> -> memref<128xi32, #tpu.memory_space<vmem>>
        %dma_start3A_175 = arith.constant 0 : i32
        %dma_start3A_176 = arith.constant 0 : i32
        %dma_start3A_177 = tpu.memref_slice %arg20[%dma_start3A_175, %dma_start3A_176] : memref<10240x32xf32, #tpu.memory_space<vmem_shared>> -> memref<10240x32xf32, #tpu.memory_space<vmem_shared>>
        tpu.enqueue_indirect_dma source(%dma_start3A_171 : memref<128x32xf32, #tpu.memory_space<vmem>>) target(%dma_start3A_177 : memref<10240x32xf32, #tpu.memory_space<vmem_shared>>) offsets(%dma_start3A_174 : memref<128xi32, #tpu.memory_space<vmem>>) semaphore(%run_scoped3A_167 : memref<!tpu.dma_semaphore, #tpu.memory_space<semaphore_mem>>) {add = true}
        %dma_wait3A_178 = arith.constant 0 : i32
        %dma_wait3A_179 = arith.constant 0 : i32
        %dma_wait3A_180 = tpu.memref_slice %arg12[%run_scoped3A_166, %dma_wait3A_178, %dma_wait3A_179] : memref<2x128x32xf32, #tpu.memory_space<vmem>> -> memref<1x128x32xf32, #tpu.memory_space<vmem>>
        %dma_wait3A_181 = tpu.memref_squeeze %dma_wait3A_180 : memref<1x128x32xf32, #tpu.memory_space<vmem>> -> memref<128x32xf32, #tpu.memory_space<vmem>>
        %dma_wait3A_182 = arith.constant 0 : i32
        %dma_wait3A_183 = tpu.memref_slice %arg10[%add3A_165, %dma_wait3A_182] : memref<157x128xi32, #tpu.memory_space<vmem>> -> memref<1x128xi32, #tpu.memory_space<vmem>>
        %dma_wait3A_184 = tpu.memref_squeeze %dma_wait3A_183 : memref<1x128xi32, #tpu.memory_space<vmem>> -> memref<128xi32, #tpu.memory_space<vmem>>
        %dma_wait3A_185 = arith.constant 0 : i32
        %dma_wait3A_186 = arith.constant 0 : i32
        %dma_wait3A_187 = tpu.memref_slice %arg20[%dma_wait3A_185, %dma_wait3A_186] : memref<10240x32xf32, #tpu.memory_space<vmem_shared>> -> memref<10240x32xf32, #tpu.memory_space<vmem_shared>>
        tpu.wait_indirect_dma semaphore(%run_scoped3A_167 : memref<!tpu.dma_semaphore, #tpu.memory_space<semaphore_mem>>) src(%dma_wait3A_181 : memref<128x32xf32, #tpu.memory_space<vmem>>) dst(%dma_wait3A_187 : memref<10240x32xf32, #tpu.memory_space<vmem_shared>>)
        tpu.yield
      }) : () -> ()
    }
    %scan3A_80 = arith.constant 78 : i32
    %dma_wait3A_81 = arith.constant 156 : i32
    %dma_wait3A_82 = arith.constant 0 : i32
    %dma_wait3A_83 = arith.constant 0 : i32
    %dma_wait3A_84 = arith.constant 0 : i32
    %dma_wait3A_85 = tpu.memref_slice %arg12[%dma_wait3A_82, %dma_wait3A_83, %dma_wait3A_84] : memref<2x128x32xf32, #tpu.memory_space<vmem>> -> memref<1x128x32xf32, #tpu.memory_space<vmem>>
    %dma_wait3A_86 = tpu.memref_squeeze %dma_wait3A_85 : memref<1x128x32xf32, #tpu.memory_space<vmem>> -> memref<128x32xf32, #tpu.memory_space<vmem>>
    %dma_wait3A_87 = arith.constant 0 : i32
    %dma_wait3A_88 = tpu.memref_slice %arg9[%dma_wait3A_81, %dma_wait3A_87] : memref<157x128xi32, #tpu.memory_space<vmem>> -> memref<1x128xi32, #tpu.memory_space<vmem>>
    %dma_wait3A_89 = tpu.memref_squeeze %dma_wait3A_88 : memref<1x128xi32, #tpu.memory_space<vmem>> -> memref<128xi32, #tpu.memory_space<vmem>>
    %dma_wait3A_90 = arith.constant 0 : i32
    %dma_wait3A_91 = arith.constant 0 : i32
    %dma_wait3A_92 = tpu.memref_slice %arg19[%dma_wait3A_90, %dma_wait3A_91] : memref<10240x32xf32, #tpu.memory_space<vmem_shared>> -> memref<10240x32xf32, #tpu.memory_space<vmem_shared>>
    tpu.wait_indirect_dma semaphore(%arg21 : memref<!tpu.dma_semaphore, #tpu.memory_space<semaphore_mem>>) src(%dma_wait3A_92 : memref<10240x32xf32, #tpu.memory_space<vmem_shared>>) dst(%dma_wait3A_86 : memref<128x32xf32, #tpu.memory_space<vmem>>)
    %run_scoped3A_93 = arith.constant 0 : i32
    %run_scoped3A_94 = arith.constant 156 : i32
    "tpu.region"() ({
      %run_scoped3A_111 = tpu.sem_alloc : memref<!tpu.dma_semaphore, #tpu.memory_space<semaphore_mem>>
      %dma_start3A_112 = arith.constant 0 : i32
      %dma_start3A_113 = arith.constant 0 : i32
      %dma_start3A_114 = tpu.memref_slice %arg12[%run_scoped3A_93, %dma_start3A_112, %dma_start3A_113] : memref<2x128x32xf32, #tpu.memory_space<vmem>> -> memref<1x128x32xf32, #tpu.memory_space<vmem>>
      %dma_start3A_115 = tpu.memref_squeeze %dma_start3A_114 : memref<1x128x32xf32, #tpu.memory_space<vmem>> -> memref<128x32xf32, #tpu.memory_space<vmem>>
      %dma_start3A_116 = arith.constant 0 : i32
      %dma_start3A_117 = tpu.memref_slice %arg10[%run_scoped3A_94, %dma_start3A_116] : memref<157x128xi32, #tpu.memory_space<vmem>> -> memref<1x128xi32, #tpu.memory_space<vmem>>
      %dma_start3A_118 = tpu.memref_squeeze %dma_start3A_117 : memref<1x128xi32, #tpu.memory_space<vmem>> -> memref<128xi32, #tpu.memory_space<vmem>>
      %dma_start3A_119 = arith.constant 0 : i32
      %dma_start3A_120 = arith.constant 0 : i32
      %dma_start3A_121 = tpu.memref_slice %arg20[%dma_start3A_119, %dma_start3A_120] : memref<10240x32xf32, #tpu.memory_space<vmem_shared>> -> memref<10240x32xf32, #tpu.memory_space<vmem_shared>>
      tpu.enqueue_indirect_dma source(%dma_start3A_115 : memref<128x32xf32, #tpu.memory_space<vmem>>) target(%dma_start3A_121 : memref<10240x32xf32, #tpu.memory_space<vmem_shared>>) offsets(%dma_start3A_118 : memref<128xi32, #tpu.memory_space<vmem>>) semaphore(%run_scoped3A_111 : memref<!tpu.dma_semaphore, #tpu.memory_space<semaphore_mem>>) {add = true}
      %dma_wait3A_122 = arith.constant 0 : i32
      %dma_wait3A_123 = arith.constant 0 : i32
      %dma_wait3A_124 = tpu.memref_slice %arg12[%run_scoped3A_93, %dma_wait3A_122, %dma_wait3A_123] : memref<2x128x32xf32, #tpu.memory_space<vmem>> -> memref<1x128x32xf32, #tpu.memory_space<vmem>>
      %dma_wait3A_125 = tpu.memref_squeeze %dma_wait3A_124 : memref<1x128x32xf32, #tpu.memory_space<vmem>> -> memref<128x32xf32, #tpu.memory_space<vmem>>
      %dma_wait3A_126 = arith.constant 0 : i32
      %dma_wait3A_127 = tpu.memref_slice %arg10[%run_scoped3A_94, %dma_wait3A_126] : memref<157x128xi32, #tpu.memory_space<vmem>> -> memref<1x128xi32, #tpu.memory_space<vmem>>
      %dma_wait3A_128 = tpu.memref_squeeze %dma_wait3A_127 : memref<1x128xi32, #tpu.memory_space<vmem>> -> memref<128xi32, #tpu.memory_space<vmem>>
      %dma_wait3A_129 = arith.constant 0 : i32
      %dma_wait3A_130 = arith.constant 0 : i32
      %dma_wait3A_131 = tpu.memref_slice %arg20[%dma_wait3A_129, %dma_wait3A_130] : memref<10240x32xf32, #tpu.memory_space<vmem_shared>> -> memref<10240x32xf32, #tpu.memory_space<vmem_shared>>
      tpu.wait_indirect_dma semaphore(%run_scoped3A_111 : memref<!tpu.dma_semaphore, #tpu.memory_space<semaphore_mem>>) src(%dma_wait3A_125 : memref<128x32xf32, #tpu.memory_space<vmem>>) dst(%dma_wait3A_131 : memref<10240x32xf32, #tpu.memory_space<vmem_shared>>)
      tpu.yield
    }) : () -> ()
    %barrier3A_95 = arith.constant 0 : index
    tpu.barrier barrier_id(%barrier3A_95)
    "tpu.region"() ({
      %run_scoped3A_111 = tpu.sem_alloc : memref<!tpu.dma_semaphore, #tpu.memory_space<semaphore_mem>>
      %dma_start3A_112 = arith.constant 0 : i32
      %dma_start3A_113 = tpu.memref_slice %arg20[%mul3A_0, %dma_start3A_112] : memref<10240x32xf32, #tpu.memory_space<vmem_shared>> -> memref<640x32xf32, #tpu.memory_space<vmem_shared>>
      %dma_start3A_114 = arith.constant 0 : i32
      %dma_start3A_115 = tpu.memref_slice %arg20[%mul3A_0, %dma_start3A_114] : memref<10240x32xf32, #tpu.memory_space<vmem_shared>> -> memref<640x32xf32, #tpu.memory_space<vmem_shared>>
      tpu.enqueue_dma source(%dma_start3A_115 : memref<640x32xf32, #tpu.memory_space<vmem_shared>>) target(%arg13 : memref<640x32xf32, #tpu.memory_space<vmem>>) target_semaphore(%run_scoped3A_111 : memref<!tpu.dma_semaphore, #tpu.memory_space<semaphore_mem>>)
      %dma_wait3A_116 = arith.constant 0 : i32
      %dma_wait3A_117 = tpu.memref_slice %arg20[%mul3A_0, %dma_wait3A_116] : memref<10240x32xf32, #tpu.memory_space<vmem_shared>> -> memref<640x32xf32, #tpu.memory_space<vmem_shared>>
      %dma_wait3A_118 = arith.constant 0 : i32
      %dma_wait3A_119 = tpu.memref_slice %arg20[%mul3A_0, %dma_wait3A_118] : memref<10240x32xf32, #tpu.memory_space<vmem_shared>> -> memref<640x32xf32, #tpu.memory_space<vmem_shared>>
      tpu.wait_dma2 semaphore(%run_scoped3A_111 : memref<!tpu.dma_semaphore, #tpu.memory_space<semaphore_mem>>) src(%dma_wait3A_119 : memref<640x32xf32, #tpu.memory_space<vmem_shared>>) dst(%arg13 : memref<640x32xf32, #tpu.memory_space<vmem>>)
      tpu.yield
    }) : () -> ()
    %get3A = arith.constant 0 : index
    %get3A_96 = tpu.vector_load %arg17[%get3A] {strides = array<i32>} : memref<32xf32, #tpu.memory_space<vmem>>, vector<16xf32>,
    %get3A_97 = arith.constant 16 : index
    %get3A_98 = tpu.vector_load %arg17[%get3A_97] {strides = array<i32>} : memref<32xf32, #tpu.memory_space<vmem>>, vector<16xf32>,
    %scan3A_99 = arith.constant 0 : i32
    %scan3A_100 = arith.constant 0 : i32
    %scan3A_101 = arith.constant 40 : i32
    %scan3A_102 = arith.addi %scan3A_100, %scan3A_101 : i32
    %scan3A_103 = arith.constant 1 : i32
    scf.for %scan3A_111 = %scan3A_100 to %scan3A_102 step %scan3A_103  : i32 {
      %mul3A_112 = arith.constant 16 : i32
      %mul3A_113 = arith.muli %scan3A_111, %mul3A_112 : i32
      %get3A_114 = arith.index_cast %mul3A_113 : i32 to index
      %get3A_115 = tpu.vector_load %arg15[%get3A_114] {strides = array<i32>} : memref<640xf32, #tpu.memory_space<vmem>>, vector<16xf32>,
      %add3A = arith.constant 0 : i32
      %add3A_116 = arith.addi %mul3A_113, %add3A : i32
      %get3A_117 = arith.index_cast %add3A_116 : i32 to index
      %get3A_118 = arith.constant 0 : index
      %get3A_119 = tpu.vector_load %arg13[%get3A_117, %get3A_118] {strides = array<i32>} : memref<640x32xf32, #tpu.memory_space<vmem>>, vector<16xf32>,
      %slice3A = vector.extract_strided_slice %get3A_115 {offsets = [0], sizes = [1], strides = [1]} : vector<16xf32> to vector<1xf32>
      %squeeze3A = vector.extract %slice3A[0] : f32 from vector<1xf32>
      %mul3A_120 = vector.broadcast %squeeze3A : f32 to vector<16xf32>
      %mul3A_121 = arith.mulf %get3A_119, %mul3A_120 : vector<16xf32>
      %add3A_122 = arith.addf %mul3A_121, %get3A_96 : vector<16xf32>
      %swap3A = arith.index_cast %add3A_116 : i32 to index
      %swap3A_123 = arith.constant 0 : index
      %swap3A_124 = tpu.vector_load %arg13[%swap3A, %swap3A_123] {strides = array<i32>} : memref<640x32xf32, #tpu.memory_space<vmem>>, vector<16xf32>,
      tpu.vector_store %arg13[%swap3A, %swap3A_123], %add3A_122 {strides = array<i32>} : memref<640x32xf32, #tpu.memory_space<vmem>>, vector<16xf32>,
      %get3A_125 = arith.index_cast %add3A_116 : i32 to index
      %get3A_126 = arith.constant 16 : index
      %get3A_127 = tpu.vector_load %arg13[%get3A_125, %get3A_126] {strides = array<i32>} : memref<640x32xf32, #tpu.memory_space<vmem>>, vector<16xf32>,
      %slice3A_128 = vector.extract_strided_slice %get3A_115 {offsets = [0], sizes = [1], strides = [1]} : vector<16xf32> to vector<1xf32>
      %squeeze3A_129 = vector.extract %slice3A_128[0] : f32 from vector<1xf32>
      %mul3A_130 = vector.broadcast %squeeze3A_129 : f32 to vector<16xf32>
      %mul3A_131 = arith.mulf %get3A_127, %mul3A_130 : vector<16xf32>
      %add3A_132 = arith.addf %mul3A_131, %get3A_98 : vector<16xf32>
      %swap3A_133 = arith.index_cast %add3A_116 : i32 to index
      %swap3A_134 = arith.constant 16 : index
      %swap3A_135 = tpu.vector_load %arg13[%swap3A_133, %swap3A_134] {strides = array<i32>} : memref<640x32xf32, #tpu.memory_space<vmem>>, vector<16xf32>,
      tpu.vector_store %arg13[%swap3A_133, %swap3A_134], %add3A_132 {strides = array<i32>} : memref<640x32xf32, #tpu.memory_space<vmem>>, vector<16xf32>,
      %add3A_136 = arith.constant 1 : i32
      %add3A_137 = arith.addi %mul3A_113, %add3A_136 : i32
      %get3A_138 = arith.index_cast %add3A_137 : i32 to index
      %get3A_139 = arith.constant 0 : index
      %get3A_140 = tpu.vector_load %arg13[%get3A_138, %get3A_139] {strides = array<i32>} : memref<640x32xf32, #tpu.memory_space<vmem>>, vector<16xf32>,
      %slice3A_141 = vector.extract_strided_slice %get3A_115 {offsets = [1], sizes = [1], strides = [1]} : vector<16xf32> to vector<1xf32>
      %squeeze3A_142 = vector.extract %slice3A_141[0] : f32 from vector<1xf32>
      %mul3A_143 = vector.broadcast %squeeze3A_142 : f32 to vector<16xf32>
      %mul3A_144 = arith.mulf %get3A_140, %mul3A_143 : vector<16xf32>
      %add3A_145 = arith.addf %mul3A_144, %get3A_96 : vector<16xf32>
      %swap3A_146 = arith.index_cast %add3A_137 : i32 to index
      %swap3A_147 = arith.constant 0 : index
      %swap3A_148 = tpu.vector_load %arg13[%swap3A_146, %swap3A_147] {strides = array<i32>} : memref<640x32xf32, #tpu.memory_space<vmem>>, vector<16xf32>,
      tpu.vector_store %arg13[%swap3A_146, %swap3A_147], %add3A_145 {strides = array<i32>} : memref<640x32xf32, #tpu.memory_space<vmem>>, vector<16xf32>,
      %get3A_149 = arith.index_cast %add3A_137 : i32 to index
      %get3A_150 = arith.constant 16 : index
      %get3A_151 = tpu.vector_load %arg13[%get3A_149, %get3A_150] {strides = array<i32>} : memref<640x32xf32, #tpu.memory_space<vmem>>, vector<16xf32>,
      %slice3A_152 = vector.extract_strided_slice %get3A_115 {offsets = [1], sizes = [1], strides = [1]} : vector<16xf32> to vector<1xf32>
      %squeeze3A_153 = vector.extract %slice3A_152[0] : f32 from vector<1xf32>
      %mul3A_154 = vector.broadcast %squeeze3A_153 : f32 to vector<16xf32>
      %mul3A_155 = arith.mulf %get3A_151, %mul3A_154 : vector<16xf32>
      %add3A_156 = arith.addf %mul3A_155, %get3A_98 : vector<16xf32>
      %swap3A_157 = arith.index_cast %add3A_137 : i32 to index
      %swap3A_158 = arith.constant 16 : index
      %swap3A_159 = tpu.vector_load %arg13[%swap3A_157, %swap3A_158] {strides = array<i32>} : memref<640x32xf32, #tpu.memory_space<vmem>>, vector<16xf32>,
      tpu.vector_store %arg13[%swap3A_157, %swap3A_158], %add3A_156 {strides = array<i32>} : memref<640x32xf32, #tpu.memory_space<vmem>>, vector<16xf32>,
      %add3A_160 = arith.constant 2 : i32
      %add3A_161 = arith.addi %mul3A_113, %add3A_160 : i32
      %get3A_162 = arith.index_cast %add3A_161 : i32 to index
      %get3A_163 = arith.constant 0 : index
      %get3A_164 = tpu.vector_load %arg13[%get3A_162, %get3A_163] {strides = array<i32>} : memref<640x32xf32, #tpu.memory_space<vmem>>, vector<16xf32>,
      %slice3A_165 = vector.extract_strided_slice %get3A_115 {offsets = [2], sizes = [1], strides = [1]} : vector<16xf32> to vector<1xf32>
      %squeeze3A_166 = vector.extract %slice3A_165[0] : f32 from vector<1xf32>
      %mul3A_167 = vector.broadcast %squeeze3A_166 : f32 to vector<16xf32>
      %mul3A_168 = arith.mulf %get3A_164, %mul3A_167 : vector<16xf32>
      %add3A_169 = arith.addf %mul3A_168, %get3A_96 : vector<16xf32>
      %swap3A_170 = arith.index_cast %add3A_161 : i32 to index
      %swap3A_171 = arith.constant 0 : index
      %swap3A_172 = tpu.vector_load %arg13[%swap3A_170, %swap3A_171] {strides = array<i32>} : memref<640x32xf32, #tpu.memory_space<vmem>>, vector<16xf32>,
      tpu.vector_store %arg13[%swap3A_170, %swap3A_171], %add3A_169 {strides = array<i32>} : memref<640x32xf32, #tpu.memory_space<vmem>>, vector<16xf32>,
      %get3A_173 = arith.index_cast %add3A_161 : i32 to index
      %get3A_174 = arith.constant 16 : index
      %get3A_175 = tpu.vector_load %arg13[%get3A_173, %get3A_174] {strides = array<i32>} : memref<640x32xf32, #tpu.memory_space<vmem>>, vector<16xf32>,
      %slice3A_176 = vector.extract_strided_slice %get3A_115 {offsets = [2], sizes = [1], strides = [1]} : vector<16xf32> to vector<1xf32>
      %squeeze3A_177 = vector.extract %slice3A_176[0] : f32 from vector<1xf32>
      %mul3A_178 = vector.broadcast %squeeze3A_177 : f32 to vector<16xf32>
      %mul3A_179 = arith.mulf %get3A_175, %mul3A_178 : vector<16xf32>
      %add3A_180 = arith.addf %mul3A_179, %get3A_98 : vector<16xf32>
      %swap3A_181 = arith.index_cast %add3A_161 : i32 to index
      %swap3A_182 = arith.constant 16 : index
      %swap3A_183 = tpu.vector_load %arg13[%swap3A_181, %swap3A_182] {strides = array<i32>} : memref<640x32xf32, #tpu.memory_space<vmem>>, vector<16xf32>,
      tpu.vector_store %arg13[%swap3A_181, %swap3A_182], %add3A_180 {strides = array<i32>} : memref<640x32xf32, #tpu.memory_space<vmem>>, vector<16xf32>,
      %add3A_184 = arith.constant 3 : i32
      %add3A_185 = arith.addi %mul3A_113, %add3A_184 : i32
      %get3A_186 = arith.index_cast %add3A_185 : i32 to index
      %get3A_187 = arith.constant 0 : index
      %get3A_188 = tpu.vector_load %arg13[%get3A_186, %get3A_187] {strides = array<i32>} : memref<640x32xf32, #tpu.memory_space<vmem>>, vector<16xf32>,
      %slice3A_189 = vector.extract_strided_slice %get3A_115 {offsets = [3], sizes = [1], strides = [1]} : vector<16xf32> to vector<1xf32>
      %squeeze3A_190 = vector.extract %slice3A_189[0] : f32 from vector<1xf32>
      %mul3A_191 = vector.broadcast %squeeze3A_190 : f32 to vector<16xf32>
      %mul3A_192 = arith.mulf %get3A_188, %mul3A_191 : vector<16xf32>
      %add3A_193 = arith.addf %mul3A_192, %get3A_96 : vector<16xf32>
      %swap3A_194 = arith.index_cast %add3A_185 : i32 to index
      %swap3A_195 = arith.constant 0 : index
      %swap3A_196 = tpu.vector_load %arg13[%swap3A_194, %swap3A_195] {strides = array<i32>} : memref<640x32xf32, #tpu.memory_space<vmem>>, vector<16xf32>,
      tpu.vector_store %arg13[%swap3A_194, %swap3A_195], %add3A_193 {strides = array<i32>} : memref<640x32xf32, #tpu.memory_space<vmem>>, vector<16xf32>,
      %get3A_197 = arith.index_cast %add3A_185 : i32 to index
      %get3A_198 = arith.constant 16 : index
      %get3A_199 = tpu.vector_load %arg13[%get3A_197, %get3A_198] {strides = array<i32>} : memref<640x32xf32, #tpu.memory_space<vmem>>, vector<16xf32>,
      %slice3A_200 = vector.extract_strided_slice %get3A_115 {offsets = [3], sizes = [1], strides = [1]} : vector<16xf32> to vector<1xf32>
      %squeeze3A_201 = vector.extract %slice3A_200[0] : f32 from vector<1xf32>
      %mul3A_202 = vector.broadcast %squeeze3A_201 : f32 to vector<16xf32>
      %mul3A_203 = arith.mulf %get3A_199, %mul3A_202 : vector<16xf32>
      %add3A_204 = arith.addf %mul3A_203, %get3A_98 : vector<16xf32>
      %swap3A_205 = arith.index_cast %add3A_185 : i32 to index
      %swap3A_206 = arith.constant 16 : index
      %swap3A_207 = tpu.vector_load %arg13[%swap3A_205, %swap3A_206] {strides = array<i32>} : memref<640x32xf32, #tpu.memory_space<vmem>>, vector<16xf32>,
      tpu.vector_store %arg13[%swap3A_205, %swap3A_206], %add3A_204 {strides = array<i32>} : memref<640x32xf32, #tpu.memory_space<vmem>>, vector<16xf32>,
      %add3A_208 = arith.constant 4 : i32
      %add3A_209 = arith.addi %mul3A_113, %add3A_208 : i32
      %get3A_210 = arith.index_cast %add3A_209 : i32 to index
      %get3A_211 = arith.constant 0 : index
      %get3A_212 = tpu.vector_load %arg13[%get3A_210, %get3A_211] {strides = array<i32>} : memref<640x32xf32, #tpu.memory_space<vmem>>, vector<16xf32>,
      %slice3A_213 = vector.extract_strided_slice %get3A_115 {offsets = [4], sizes = [1], strides = [1]} : vector<16xf32> to vector<1xf32>
      %squeeze3A_214 = vector.extract %slice3A_213[0] : f32 from vector<1xf32>
      %mul3A_215 = vector.broadcast %squeeze3A_214 : f32 to vector<16xf32>
      %mul3A_216 = arith.mulf %get3A_212, %mul3A_215 : vector<16xf32>
      %add3A_217 = arith.addf %mul3A_216, %get3A_96 : vector<16xf32>
      %swap3A_218 = arith.index_cast %add3A_209 : i32 to index
      %swap3A_219 = arith.constant 0 : index
      %swap3A_220 = tpu.vector_load %arg13[%swap3A_218, %swap3A_219] {strides = array<i32>} : memref<640x32xf32, #tpu.memory_space<vmem>>, vector<16xf32>,
      tpu.vector_store %arg13[%swap3A_218, %swap3A_219], %add3A_217 {strides = array<i32>} : memref<640x32xf32, #tpu.memory_space<vmem>>, vector<16xf32>,
      %get3A_221 = arith.index_cast %add3A_209 : i32 to index
      %get3A_222 = arith.constant 16 : index
      %get3A_223 = tpu.vector_load %arg13[%get3A_221, %get3A_222] {strides = array<i32>} : memref<640x32xf32, #tpu.memory_space<vmem>>, vector<16xf32>,
      %slice3A_224 = vector.extract_strided_slice %get3A_115 {offsets = [4], sizes = [1], strides = [1]} : vector<16xf32> to vector<1xf32>
      %squeeze3A_225 = vector.extract %slice3A_224[0] : f32 from vector<1xf32>
      %mul3A_226 = vector.broadcast %squeeze3A_225 : f32 to vector<16xf32>
      %mul3A_227 = arith.mulf %get3A_223, %mul3A_226 : vector<16xf32>
      %add3A_228 = arith.addf %mul3A_227, %get3A_98 : vector<16xf32>
      %swap3A_229 = arith.index_cast %add3A_209 : i32 to index
      %swap3A_230 = arith.constant 16 : index
      %swap3A_231 = tpu.vector_load %arg13[%swap3A_229, %swap3A_230] {strides = array<i32>} : memref<640x32xf32, #tpu.memory_space<vmem>>, vector<16xf32>,
      tpu.vector_store %arg13[%swap3A_229, %swap3A_230], %add3A_228 {strides = array<i32>} : memref<640x32xf32, #tpu.memory_space<vmem>>, vector<16xf32>,
      %add3A_232 = arith.constant 5 : i32
      %add3A_233 = arith.addi %mul3A_113, %add3A_232 : i32
      %get3A_234 = arith.index_cast %add3A_233 : i32 to index
      %get3A_235 = arith.constant 0 : index
      %get3A_236 = tpu.vector_load %arg13[%get3A_234, %get3A_235] {strides = array<i32>} : memref<640x32xf32, #tpu.memory_space<vmem>>, vector<16xf32>,
      %slice3A_237 = vector.extract_strided_slice %get3A_115 {offsets = [5], sizes = [1], strides = [1]} : vector<16xf32> to vector<1xf32>
      %squeeze3A_238 = vector.extract %slice3A_237[0] : f32 from vector<1xf32>
      %mul3A_239 = vector.broadcast %squeeze3A_238 : f32 to vector<16xf32>
      %mul3A_240 = arith.mulf %get3A_236, %mul3A_239 : vector<16xf32>
      %add3A_241 = arith.addf %mul3A_240, %get3A_96 : vector<16xf32>
      %swap3A_242 = arith.index_cast %add3A_233 : i32 to index
      %swap3A_243 = arith.constant 0 : index
      %swap3A_244 = tpu.vector_load %arg13[%swap3A_242, %swap3A_243] {strides = array<i32>} : memref<640x32xf32, #tpu.memory_space<vmem>>, vector<16xf32>,
      tpu.vector_store %arg13[%swap3A_242, %swap3A_243], %add3A_241 {strides = array<i32>} : memref<640x32xf32, #tpu.memory_space<vmem>>, vector<16xf32>,
      %get3A_245 = arith.index_cast %add3A_233 : i32 to index
      %get3A_246 = arith.constant 16 : index
      %get3A_247 = tpu.vector_load %arg13[%get3A_245, %get3A_246] {strides = array<i32>} : memref<640x32xf32, #tpu.memory_space<vmem>>, vector<16xf32>,
      %slice3A_248 = vector.extract_strided_slice %get3A_115 {offsets = [5], sizes = [1], strides = [1]} : vector<16xf32> to vector<1xf32>
      %squeeze3A_249 = vector.extract %slice3A_248[0] : f32 from vector<1xf32>
      %mul3A_250 = vector.broadcast %squeeze3A_249 : f32 to vector<16xf32>
      %mul3A_251 = arith.mulf %get3A_247, %mul3A_250 : vector<16xf32>
      %add3A_252 = arith.addf %mul3A_251, %get3A_98 : vector<16xf32>
      %swap3A_253 = arith.index_cast %add3A_233 : i32 to index
      %swap3A_254 = arith.constant 16 : index
      %swap3A_255 = tpu.vector_load %arg13[%swap3A_253, %swap3A_254] {strides = array<i32>} : memref<640x32xf32, #tpu.memory_space<vmem>>, vector<16xf32>,
      tpu.vector_store %arg13[%swap3A_253, %swap3A_254], %add3A_252 {strides = array<i32>} : memref<640x32xf32, #tpu.memory_space<vmem>>, vector<16xf32>,
      %add3A_256 = arith.constant 6 : i32
      %add3A_257 = arith.addi %mul3A_113, %add3A_256 : i32
      %get3A_258 = arith.index_cast %add3A_257 : i32 to index
      %get3A_259 = arith.constant 0 : index
      %get3A_260 = tpu.vector_load %arg13[%get3A_258, %get3A_259] {strides = array<i32>} : memref<640x32xf32, #tpu.memory_space<vmem>>, vector<16xf32>,
      %slice3A_261 = vector.extract_strided_slice %get3A_115 {offsets = [6], sizes = [1], strides = [1]} : vector<16xf32> to vector<1xf32>
      %squeeze3A_262 = vector.extract %slice3A_261[0] : f32 from vector<1xf32>
      %mul3A_263 = vector.broadcast %squeeze3A_262 : f32 to vector<16xf32>
      %mul3A_264 = arith.mulf %get3A_260, %mul3A_263 : vector<16xf32>
      %add3A_265 = arith.addf %mul3A_264, %get3A_96 : vector<16xf32>
      %swap3A_266 = arith.index_cast %add3A_257 : i32 to index
      %swap3A_267 = arith.constant 0 : index
      %swap3A_268 = tpu.vector_load %arg13[%swap3A_266, %swap3A_267] {strides = array<i32>} : memref<640x32xf32, #tpu.memory_space<vmem>>, vector<16xf32>,
      tpu.vector_store %arg13[%swap3A_266, %swap3A_267], %add3A_265 {strides = array<i32>} : memref<640x32xf32, #tpu.memory_space<vmem>>, vector<16xf32>,
      %get3A_269 = arith.index_cast %add3A_257 : i32 to index
      %get3A_270 = arith.constant 16 : index
      %get3A_271 = tpu.vector_load %arg13[%get3A_269, %get3A_270] {strides = array<i32>} : memref<640x32xf32, #tpu.memory_space<vmem>>, vector<16xf32>,
      %slice3A_272 = vector.extract_strided_slice %get3A_115 {offsets = [6], sizes = [1], strides = [1]} : vector<16xf32> to vector<1xf32>
      %squeeze3A_273 = vector.extract %slice3A_272[0] : f32 from vector<1xf32>
      %mul3A_274 = vector.broadcast %squeeze3A_273 : f32 to vector<16xf32>
      %mul3A_275 = arith.mulf %get3A_271, %mul3A_274 : vector<16xf32>
      %add3A_276 = arith.addf %mul3A_275, %get3A_98 : vector<16xf32>
      %swap3A_277 = arith.index_cast %add3A_257 : i32 to index
      %swap3A_278 = arith.constant 16 : index
      %swap3A_279 = tpu.vector_load %arg13[%swap3A_277, %swap3A_278] {strides = array<i32>} : memref<640x32xf32, #tpu.memory_space<vmem>>, vector<16xf32>,
      tpu.vector_store %arg13[%swap3A_277, %swap3A_278], %add3A_276 {strides = array<i32>} : memref<640x32xf32, #tpu.memory_space<vmem>>, vector<16xf32>,
      %add3A_280 = arith.constant 7 : i32
      %add3A_281 = arith.addi %mul3A_113, %add3A_280 : i32
      %get3A_282 = arith.index_cast %add3A_281 : i32 to index
      %get3A_283 = arith.constant 0 : index
      %get3A_284 = tpu.vector_load %arg13[%get3A_282, %get3A_283] {strides = array<i32>} : memref<640x32xf32, #tpu.memory_space<vmem>>, vector<16xf32>,
      %slice3A_285 = vector.extract_strided_slice %get3A_115 {offsets = [7], sizes = [1], strides = [1]} : vector<16xf32> to vector<1xf32>
      %squeeze3A_286 = vector.extract %slice3A_285[0] : f32 from vector<1xf32>
      %mul3A_287 = vector.broadcast %squeeze3A_286 : f32 to vector<16xf32>
      %mul3A_288 = arith.mulf %get3A_284, %mul3A_287 : vector<16xf32>
      %add3A_289 = arith.addf %mul3A_288, %get3A_96 : vector<16xf32>
      %swap3A_290 = arith.index_cast %add3A_281 : i32 to index
      %swap3A_291 = arith.constant 0 : index
      %swap3A_292 = tpu.vector_load %arg13[%swap3A_290, %swap3A_291] {strides = array<i32>} : memref<640x32xf32, #tpu.memory_space<vmem>>, vector<16xf32>,
      tpu.vector_store %arg13[%swap3A_290, %swap3A_291], %add3A_289 {strides = array<i32>} : memref<640x32xf32, #tpu.memory_space<vmem>>, vector<16xf32>,
      %get3A_293 = arith.index_cast %add3A_281 : i32 to index
      %get3A_294 = arith.constant 16 : index
      %get3A_295 = tpu.vector_load %arg13[%get3A_293, %get3A_294] {strides = array<i32>} : memref<640x32xf32, #tpu.memory_space<vmem>>, vector<16xf32>,
      %slice3A_296 = vector.extract_strided_slice %get3A_115 {offsets = [7], sizes = [1], strides = [1]} : vector<16xf32> to vector<1xf32>
      %squeeze3A_297 = vector.extract %slice3A_296[0] : f32 from vector<1xf32>
      %mul3A_298 = vector.broadcast %squeeze3A_297 : f32 to vector<16xf32>
      %mul3A_299 = arith.mulf %get3A_295, %mul3A_298 : vector<16xf32>
      %add3A_300 = arith.addf %mul3A_299, %get3A_98 : vector<16xf32>
      %swap3A_301 = arith.index_cast %add3A_281 : i32 to index
      %swap3A_302 = arith.constant 16 : index
      %swap3A_303 = tpu.vector_load %arg13[%swap3A_301, %swap3A_302] {strides = array<i32>} : memref<640x32xf32, #tpu.memory_space<vmem>>, vector<16xf32>,
      tpu.vector_store %arg13[%swap3A_301, %swap3A_302], %add3A_300 {strides = array<i32>} : memref<640x32xf32, #tpu.memory_space<vmem>>, vector<16xf32>,
      %add3A_304 = arith.constant 8 : i32
      %add3A_305 = arith.addi %mul3A_113, %add3A_304 : i32
      %get3A_306 = arith.index_cast %add3A_305 : i32 to index
      %get3A_307 = arith.constant 0 : index
      %get3A_308 = tpu.vector_load %arg13[%get3A_306, %get3A_307] {strides = array<i32>} : memref<640x32xf32, #tpu.memory_space<vmem>>, vector<16xf32>,
      %slice3A_309 = vector.extract_strided_slice %get3A_115 {offsets = [8], sizes = [1], strides = [1]} : vector<16xf32> to vector<1xf32>
      %squeeze3A_310 = vector.extract %slice3A_309[0] : f32 from vector<1xf32>
      %mul3A_311 = vector.broadcast %squeeze3A_310 : f32 to vector<16xf32>
      %mul3A_312 = arith.mulf %get3A_308, %mul3A_311 : vector<16xf32>
      %add3A_313 = arith.addf %mul3A_312, %get3A_96 : vector<16xf32>
      %swap3A_314 = arith.index_cast %add3A_305 : i32 to index
      %swap3A_315 = arith.constant 0 : index
      %swap3A_316 = tpu.vector_load %arg13[%swap3A_314, %swap3A_315] {strides = array<i32>} : memref<640x32xf32, #tpu.memory_space<vmem>>, vector<16xf32>,
      tpu.vector_store %arg13[%swap3A_314, %swap3A_315], %add3A_313 {strides = array<i32>} : memref<640x32xf32, #tpu.memory_space<vmem>>, vector<16xf32>,
      %get3A_317 = arith.index_cast %add3A_305 : i32 to index
      %get3A_318 = arith.constant 16 : index
      %get3A_319 = tpu.vector_load %arg13[%get3A_317, %get3A_318] {strides = array<i32>} : memref<640x32xf32, #tpu.memory_space<vmem>>, vector<16xf32>,
      %slice3A_320 = vector.extract_strided_slice %get3A_115 {offsets = [8], sizes = [1], strides = [1]} : vector<16xf32> to vector<1xf32>
      %squeeze3A_321 = vector.extract %slice3A_320[0] : f32 from vector<1xf32>
      %mul3A_322 = vector.broadcast %squeeze3A_321 : f32 to vector<16xf32>
      %mul3A_323 = arith.mulf %get3A_319, %mul3A_322 : vector<16xf32>
      %add3A_324 = arith.addf %mul3A_323, %get3A_98 : vector<16xf32>
      %swap3A_325 = arith.index_cast %add3A_305 : i32 to index
      %swap3A_326 = arith.constant 16 : index
      %swap3A_327 = tpu.vector_load %arg13[%swap3A_325, %swap3A_326] {strides = array<i32>} : memref<640x32xf32, #tpu.memory_space<vmem>>, vector<16xf32>,
      tpu.vector_store %arg13[%swap3A_325, %swap3A_326], %add3A_324 {strides = array<i32>} : memref<640x32xf32, #tpu.memory_space<vmem>>, vector<16xf32>,
      %add3A_328 = arith.constant 9 : i32
      %add3A_329 = arith.addi %mul3A_113, %add3A_328 : i32
      %get3A_330 = arith.index_cast %add3A_329 : i32 to index
      %get3A_331 = arith.constant 0 : index
      %get3A_332 = tpu.vector_load %arg13[%get3A_330, %get3A_331] {strides = array<i32>} : memref<640x32xf32, #tpu.memory_space<vmem>>, vector<16xf32>,
      %slice3A_333 = vector.extract_strided_slice %get3A_115 {offsets = [9], sizes = [1], strides = [1]} : vector<16xf32> to vector<1xf32>
      %squeeze3A_334 = vector.extract %slice3A_333[0] : f32 from vector<1xf32>
      %mul3A_335 = vector.broadcast %squeeze3A_334 : f32 to vector<16xf32>
      %mul3A_336 = arith.mulf %get3A_332, %mul3A_335 : vector<16xf32>
      %add3A_337 = arith.addf %mul3A_336, %get3A_96 : vector<16xf32>
      %swap3A_338 = arith.index_cast %add3A_329 : i32 to index
      %swap3A_339 = arith.constant 0 : index
      %swap3A_340 = tpu.vector_load %arg13[%swap3A_338, %swap3A_339] {strides = array<i32>} : memref<640x32xf32, #tpu.memory_space<vmem>>, vector<16xf32>,
      tpu.vector_store %arg13[%swap3A_338, %swap3A_339], %add3A_337 {strides = array<i32>} : memref<640x32xf32, #tpu.memory_space<vmem>>, vector<16xf32>,
      %get3A_341 = arith.index_cast %add3A_329 : i32 to index
      %get3A_342 = arith.constant 16 : index
      %get3A_343 = tpu.vector_load %arg13[%get3A_341, %get3A_342] {strides = array<i32>} : memref<640x32xf32, #tpu.memory_space<vmem>>, vector<16xf32>,
      %slice3A_344 = vector.extract_strided_slice %get3A_115 {offsets = [9], sizes = [1], strides = [1]} : vector<16xf32> to vector<1xf32>
      %squeeze3A_345 = vector.extract %slice3A_344[0] : f32 from vector<1xf32>
      %mul3A_346 = vector.broadcast %squeeze3A_345 : f32 to vector<16xf32>
      %mul3A_347 = arith.mulf %get3A_343, %mul3A_346 : vector<16xf32>
      %add3A_348 = arith.addf %mul3A_347, %get3A_98 : vector<16xf32>
      %swap3A_349 = arith.index_cast %add3A_329 : i32 to index
      %swap3A_350 = arith.constant 16 : index
      %swap3A_351 = tpu.vector_load %arg13[%swap3A_349, %swap3A_350] {strides = array<i32>} : memref<640x32xf32, #tpu.memory_space<vmem>>, vector<16xf32>,
      tpu.vector_store %arg13[%swap3A_349, %swap3A_350], %add3A_348 {strides = array<i32>} : memref<640x32xf32, #tpu.memory_space<vmem>>, vector<16xf32>,
      %add3A_352 = arith.constant 10 : i32
      %add3A_353 = arith.addi %mul3A_113, %add3A_352 : i32
      %get3A_354 = arith.index_cast %add3A_353 : i32 to index
      %get3A_355 = arith.constant 0 : index
      %get3A_356 = tpu.vector_load %arg13[%get3A_354, %get3A_355] {strides = array<i32>} : memref<640x32xf32, #tpu.memory_space<vmem>>, vector<16xf32>,
      %slice3A_357 = vector.extract_strided_slice %get3A_115 {offsets = [10], sizes = [1], strides = [1]} : vector<16xf32> to vector<1xf32>
      %squeeze3A_358 = vector.extract %slice3A_357[0] : f32 from vector<1xf32>
      %mul3A_359 = vector.broadcast %squeeze3A_358 : f32 to vector<16xf32>
      %mul3A_360 = arith.mulf %get3A_356, %mul3A_359 : vector<16xf32>
      %add3A_361 = arith.addf %mul3A_360, %get3A_96 : vector<16xf32>
      %swap3A_362 = arith.index_cast %add3A_353 : i32 to index
      %swap3A_363 = arith.constant 0 : index
      %swap3A_364 = tpu.vector_load %arg13[%swap3A_362, %swap3A_363] {strides = array<i32>} : memref<640x32xf32, #tpu.memory_space<vmem>>, vector<16xf32>,
      tpu.vector_store %arg13[%swap3A_362, %swap3A_363], %add3A_361 {strides = array<i32>} : memref<640x32xf32, #tpu.memory_space<vmem>>, vector<16xf32>,
      %get3A_365 = arith.index_cast %add3A_353 : i32 to index
      %get3A_366 = arith.constant 16 : index
      %get3A_367 = tpu.vector_load %arg13[%get3A_365, %get3A_366] {strides = array<i32>} : memref<640x32xf32, #tpu.memory_space<vmem>>, vector<16xf32>,
      %slice3A_368 = vector.extract_strided_slice %get3A_115 {offsets = [10], sizes = [1], strides = [1]} : vector<16xf32> to vector<1xf32>
      %squeeze3A_369 = vector.extract %slice3A_368[0] : f32 from vector<1xf32>
      %mul3A_370 = vector.broadcast %squeeze3A_369 : f32 to vector<16xf32>
      %mul3A_371 = arith.mulf %get3A_367, %mul3A_370 : vector<16xf32>
      %add3A_372 = arith.addf %mul3A_371, %get3A_98 : vector<16xf32>
      %swap3A_373 = arith.index_cast %add3A_353 : i32 to index
      %swap3A_374 = arith.constant 16 : index
      %swap3A_375 = tpu.vector_load %arg13[%swap3A_373, %swap3A_374] {strides = array<i32>} : memref<640x32xf32, #tpu.memory_space<vmem>>, vector<16xf32>,
      tpu.vector_store %arg13[%swap3A_373, %swap3A_374], %add3A_372 {strides = array<i32>} : memref<640x32xf32, #tpu.memory_space<vmem>>, vector<16xf32>,
      %add3A_376 = arith.constant 11 : i32
      %add3A_377 = arith.addi %mul3A_113, %add3A_376 : i32
      %get3A_378 = arith.index_cast %add3A_377 : i32 to index
      %get3A_379 = arith.constant 0 : index
      %get3A_380 = tpu.vector_load %arg13[%get3A_378, %get3A_379] {strides = array<i32>} : memref<640x32xf32, #tpu.memory_space<vmem>>, vector<16xf32>,
      %slice3A_381 = vector.extract_strided_slice %get3A_115 {offsets = [11], sizes = [1], strides = [1]} : vector<16xf32> to vector<1xf32>
      %squeeze3A_382 = vector.extract %slice3A_381[0] : f32 from vector<1xf32>
      %mul3A_383 = vector.broadcast %squeeze3A_382 : f32 to vector<16xf32>
      %mul3A_384 = arith.mulf %get3A_380, %mul3A_383 : vector<16xf32>
      %add3A_385 = arith.addf %mul3A_384, %get3A_96 : vector<16xf32>
      %swap3A_386 = arith.index_cast %add3A_377 : i32 to index
      %swap3A_387 = arith.constant 0 : index
      %swap3A_388 = tpu.vector_load %arg13[%swap3A_386, %swap3A_387] {strides = array<i32>} : memref<640x32xf32, #tpu.memory_space<vmem>>, vector<16xf32>,
      tpu.vector_store %arg13[%swap3A_386, %swap3A_387], %add3A_385 {strides = array<i32>} : memref<640x32xf32, #tpu.memory_space<vmem>>, vector<16xf32>,
      %get3A_389 = arith.index_cast %add3A_377 : i32 to index
      %get3A_390 = arith.constant 16 : index
      %get3A_391 = tpu.vector_load %arg13[%get3A_389, %get3A_390] {strides = array<i32>} : memref<640x32xf32, #tpu.memory_space<vmem>>, vector<16xf32>,
      %slice3A_392 = vector.extract_strided_slice %get3A_115 {offsets = [11], sizes = [1], strides = [1]} : vector<16xf32> to vector<1xf32>
      %squeeze3A_393 = vector.extract %slice3A_392[0] : f32 from vector<1xf32>
      %mul3A_394 = vector.broadcast %squeeze3A_393 : f32 to vector<16xf32>
      %mul3A_395 = arith.mulf %get3A_391, %mul3A_394 : vector<16xf32>
      %add3A_396 = arith.addf %mul3A_395, %get3A_98 : vector<16xf32>
      %swap3A_397 = arith.index_cast %add3A_377 : i32 to index
      %swap3A_398 = arith.constant 16 : index
      %swap3A_399 = tpu.vector_load %arg13[%swap3A_397, %swap3A_398] {strides = array<i32>} : memref<640x32xf32, #tpu.memory_space<vmem>>, vector<16xf32>,
      tpu.vector_store %arg13[%swap3A_397, %swap3A_398], %add3A_396 {strides = array<i32>} : memref<640x32xf32, #tpu.memory_space<vmem>>, vector<16xf32>,
      %add3A_400 = arith.constant 12 : i32
      %add3A_401 = arith.addi %mul3A_113, %add3A_400 : i32
      %get3A_402 = arith.index_cast %add3A_401 : i32 to index
      %get3A_403 = arith.constant 0 : index
      %get3A_404 = tpu.vector_load %arg13[%get3A_402, %get3A_403] {strides = array<i32>} : memref<640x32xf32, #tpu.memory_space<vmem>>, vector<16xf32>,
      %slice3A_405 = vector.extract_strided_slice %get3A_115 {offsets = [12], sizes = [1], strides = [1]} : vector<16xf32> to vector<1xf32>
      %squeeze3A_406 = vector.extract %slice3A_405[0] : f32 from vector<1xf32>
      %mul3A_407 = vector.broadcast %squeeze3A_406 : f32 to vector<16xf32>
      %mul3A_408 = arith.mulf %get3A_404, %mul3A_407 : vector<16xf32>
      %add3A_409 = arith.addf %mul3A_408, %get3A_96 : vector<16xf32>
      %swap3A_410 = arith.index_cast %add3A_401 : i32 to index
      %swap3A_411 = arith.constant 0 : index
      %swap3A_412 = tpu.vector_load %arg13[%swap3A_410, %swap3A_411] {strides = array<i32>} : memref<640x32xf32, #tpu.memory_space<vmem>>, vector<16xf32>,
      tpu.vector_store %arg13[%swap3A_410, %swap3A_411], %add3A_409 {strides = array<i32>} : memref<640x32xf32, #tpu.memory_space<vmem>>, vector<16xf32>,
      %get3A_413 = arith.index_cast %add3A_401 : i32 to index
      %get3A_414 = arith.constant 16 : index
      %get3A_415 = tpu.vector_load %arg13[%get3A_413, %get3A_414] {strides = array<i32>} : memref<640x32xf32, #tpu.memory_space<vmem>>, vector<16xf32>,
      %slice3A_416 = vector.extract_strided_slice %get3A_115 {offsets = [12], sizes = [1], strides = [1]} : vector<16xf32> to vector<1xf32>
      %squeeze3A_417 = vector.extract %slice3A_416[0] : f32 from vector<1xf32>
      %mul3A_418 = vector.broadcast %squeeze3A_417 : f32 to vector<16xf32>
      %mul3A_419 = arith.mulf %get3A_415, %mul3A_418 : vector<16xf32>
      %add3A_420 = arith.addf %mul3A_419, %get3A_98 : vector<16xf32>
      %swap3A_421 = arith.index_cast %add3A_401 : i32 to index
      %swap3A_422 = arith.constant 16 : index
      %swap3A_423 = tpu.vector_load %arg13[%swap3A_421, %swap3A_422] {strides = array<i32>} : memref<640x32xf32, #tpu.memory_space<vmem>>, vector<16xf32>,
      tpu.vector_store %arg13[%swap3A_421, %swap3A_422], %add3A_420 {strides = array<i32>} : memref<640x32xf32, #tpu.memory_space<vmem>>, vector<16xf32>,
      %add3A_424 = arith.constant 13 : i32
      %add3A_425 = arith.addi %mul3A_113, %add3A_424 : i32
      %get3A_426 = arith.index_cast %add3A_425 : i32 to index
      %get3A_427 = arith.constant 0 : index
      %get3A_428 = tpu.vector_load %arg13[%get3A_426, %get3A_427] {strides = array<i32>} : memref<640x32xf32, #tpu.memory_space<vmem>>, vector<16xf32>,
      %slice3A_429 = vector.extract_strided_slice %get3A_115 {offsets = [13], sizes = [1], strides = [1]} : vector<16xf32> to vector<1xf32>
      %squeeze3A_430 = vector.extract %slice3A_429[0] : f32 from vector<1xf32>
      %mul3A_431 = vector.broadcast %squeeze3A_430 : f32 to vector<16xf32>
      %mul3A_432 = arith.mulf %get3A_428, %mul3A_431 : vector<16xf32>
      %add3A_433 = arith.addf %mul3A_432, %get3A_96 : vector<16xf32>
      %swap3A_434 = arith.index_cast %add3A_425 : i32 to index
      %swap3A_435 = arith.constant 0 : index
      %swap3A_436 = tpu.vector_load %arg13[%swap3A_434, %swap3A_435] {strides = array<i32>} : memref<640x32xf32, #tpu.memory_space<vmem>>, vector<16xf32>,
      tpu.vector_store %arg13[%swap3A_434, %swap3A_435], %add3A_433 {strides = array<i32>} : memref<640x32xf32, #tpu.memory_space<vmem>>, vector<16xf32>,
      %get3A_437 = arith.index_cast %add3A_425 : i32 to index
      %get3A_438 = arith.constant 16 : index
      %get3A_439 = tpu.vector_load %arg13[%get3A_437, %get3A_438] {strides = array<i32>} : memref<640x32xf32, #tpu.memory_space<vmem>>, vector<16xf32>,
      %slice3A_440 = vector.extract_strided_slice %get3A_115 {offsets = [13], sizes = [1], strides = [1]} : vector<16xf32> to vector<1xf32>
      %squeeze3A_441 = vector.extract %slice3A_440[0] : f32 from vector<1xf32>
      %mul3A_442 = vector.broadcast %squeeze3A_441 : f32 to vector<16xf32>
      %mul3A_443 = arith.mulf %get3A_439, %mul3A_442 : vector<16xf32>
      %add3A_444 = arith.addf %mul3A_443, %get3A_98 : vector<16xf32>
      %swap3A_445 = arith.index_cast %add3A_425 : i32 to index
      %swap3A_446 = arith.constant 16 : index
      %swap3A_447 = tpu.vector_load %arg13[%swap3A_445, %swap3A_446] {strides = array<i32>} : memref<640x32xf32, #tpu.memory_space<vmem>>, vector<16xf32>,
      tpu.vector_store %arg13[%swap3A_445, %swap3A_446], %add3A_444 {strides = array<i32>} : memref<640x32xf32, #tpu.memory_space<vmem>>, vector<16xf32>,
      %add3A_448 = arith.constant 14 : i32
      %add3A_449 = arith.addi %mul3A_113, %add3A_448 : i32
      %get3A_450 = arith.index_cast %add3A_449 : i32 to index
      %get3A_451 = arith.constant 0 : index
      %get3A_452 = tpu.vector_load %arg13[%get3A_450, %get3A_451] {strides = array<i32>} : memref<640x32xf32, #tpu.memory_space<vmem>>, vector<16xf32>,
      %slice3A_453 = vector.extract_strided_slice %get3A_115 {offsets = [14], sizes = [1], strides = [1]} : vector<16xf32> to vector<1xf32>
      %squeeze3A_454 = vector.extract %slice3A_453[0] : f32 from vector<1xf32>
      %mul3A_455 = vector.broadcast %squeeze3A_454 : f32 to vector<16xf32>
      %mul3A_456 = arith.mulf %get3A_452, %mul3A_455 : vector<16xf32>
      %add3A_457 = arith.addf %mul3A_456, %get3A_96 : vector<16xf32>
      %swap3A_458 = arith.index_cast %add3A_449 : i32 to index
      %swap3A_459 = arith.constant 0 : index
      %swap3A_460 = tpu.vector_load %arg13[%swap3A_458, %swap3A_459] {strides = array<i32>} : memref<640x32xf32, #tpu.memory_space<vmem>>, vector<16xf32>,
      tpu.vector_store %arg13[%swap3A_458, %swap3A_459], %add3A_457 {strides = array<i32>} : memref<640x32xf32, #tpu.memory_space<vmem>>, vector<16xf32>,
      %get3A_461 = arith.index_cast %add3A_449 : i32 to index
      %get3A_462 = arith.constant 16 : index
      %get3A_463 = tpu.vector_load %arg13[%get3A_461, %get3A_462] {strides = array<i32>} : memref<640x32xf32, #tpu.memory_space<vmem>>, vector<16xf32>,
      %slice3A_464 = vector.extract_strided_slice %get3A_115 {offsets = [14], sizes = [1], strides = [1]} : vector<16xf32> to vector<1xf32>
      %squeeze3A_465 = vector.extract %slice3A_464[0] : f32 from vector<1xf32>
      %mul3A_466 = vector.broadcast %squeeze3A_465 : f32 to vector<16xf32>
      %mul3A_467 = arith.mulf %get3A_463, %mul3A_466 : vector<16xf32>
      %add3A_468 = arith.addf %mul3A_467, %get3A_98 : vector<16xf32>
      %swap3A_469 = arith.index_cast %add3A_449 : i32 to index
      %swap3A_470 = arith.constant 16 : index
      %swap3A_471 = tpu.vector_load %arg13[%swap3A_469, %swap3A_470] {strides = array<i32>} : memref<640x32xf32, #tpu.memory_space<vmem>>, vector<16xf32>,
      tpu.vector_store %arg13[%swap3A_469, %swap3A_470], %add3A_468 {strides = array<i32>} : memref<640x32xf32, #tpu.memory_space<vmem>>, vector<16xf32>,
      %add3A_472 = arith.constant 15 : i32
      %add3A_473 = arith.addi %mul3A_113, %add3A_472 : i32
      %get3A_474 = arith.index_cast %add3A_473 : i32 to index
      %get3A_475 = arith.constant 0 : index
      %get3A_476 = tpu.vector_load %arg13[%get3A_474, %get3A_475] {strides = array<i32>} : memref<640x32xf32, #tpu.memory_space<vmem>>, vector<16xf32>,
      %slice3A_477 = vector.extract_strided_slice %get3A_115 {offsets = [15], sizes = [1], strides = [1]} : vector<16xf32> to vector<1xf32>
      %squeeze3A_478 = vector.extract %slice3A_477[0] : f32 from vector<1xf32>
      %mul3A_479 = vector.broadcast %squeeze3A_478 : f32 to vector<16xf32>
      %mul3A_480 = arith.mulf %get3A_476, %mul3A_479 : vector<16xf32>
      %add3A_481 = arith.addf %mul3A_480, %get3A_96 : vector<16xf32>
      %swap3A_482 = arith.index_cast %add3A_473 : i32 to index
      %swap3A_483 = arith.constant 0 : index
      %swap3A_484 = tpu.vector_load %arg13[%swap3A_482, %swap3A_483] {strides = array<i32>} : memref<640x32xf32, #tpu.memory_space<vmem>>, vector<16xf32>,
      tpu.vector_store %arg13[%swap3A_482, %swap3A_483], %add3A_481 {strides = array<i32>} : memref<640x32xf32, #tpu.memory_space<vmem>>, vector<16xf32>,
      %get3A_485 = arith.index_cast %add3A_473 : i32 to index
      %get3A_486 = arith.constant 16 : index
      %get3A_487 = tpu.vector_load %arg13[%get3A_485, %get3A_486] {strides = array<i32>} : memref<640x32xf32, #tpu.memory_space<vmem>>, vector<16xf32>,
      %slice3A_488 = vector.extract_strided_slice %get3A_115 {offsets = [15], sizes = [1], strides = [1]} : vector<16xf32> to vector<1xf32>
      %squeeze3A_489 = vector.extract %slice3A_488[0] : f32 from vector<1xf32>
      %mul3A_490 = vector.broadcast %squeeze3A_489 : f32 to vector<16xf32>
      %mul3A_491 = arith.mulf %get3A_487, %mul3A_490 : vector<16xf32>
      %add3A_492 = arith.addf %mul3A_491, %get3A_98 : vector<16xf32>
      %swap3A_493 = arith.index_cast %add3A_473 : i32 to index
      %swap3A_494 = arith.constant 16 : index
      %swap3A_495 = tpu.vector_load %arg13[%swap3A_493, %swap3A_494] {strides = array<i32>} : memref<640x32xf32, #tpu.memory_space<vmem>>, vector<16xf32>,
      tpu.vector_store %arg13[%swap3A_493, %swap3A_494], %add3A_492 {strides = array<i32>} : memref<640x32xf32, #tpu.memory_space<vmem>>, vector<16xf32>,
    }
    %scan3A_104 = arith.constant 40 : i32
    %lt3A = arith.constant 15 : i32
    %lt3A_105 = arith.cmpi slt, %arg1, %lt3A : i32
    %convert_element_type3A = arith.extui %lt3A_105 : i1 to i32
    %cond3A = arith.constant 0 : i32
    %cond3A_106 = arith.cmpi ne, %convert_element_type3A, %cond3A : i32
    scf.if %cond3A_106 {
      %mul3A_111 = arith.constant 32 : i32
      %mul3A_112 = arith.muli %arg0, %mul3A_111 : i32
      "tpu.region"() ({
        %run_scoped3A_113 = tpu.sem_alloc : memref<!tpu.dma_semaphore, #tpu.memory_space<semaphore_mem>>
        %dma_start3A_114 = tpu.memref_slice %arg8[%mul3A_0, %mul3A_112] : memref<10000x64xf32, #tpu.memory_space<hbm>> -> memref<640x32xf32, #tpu.memory_space<hbm>>
        %dma_start3A_115 = tpu.memref_slice %arg8[%mul3A_0, %mul3A_112] : memref<10000x64xf32, #tpu.memory_space<hbm>> -> memref<640x32xf32, #tpu.memory_space<hbm>>
        tpu.enqueue_dma source(%arg13 : memref<640x32xf32, #tpu.memory_space<vmem>>) target(%dma_start3A_115 : memref<640x32xf32, #tpu.memory_space<hbm>>) target_semaphore(%run_scoped3A_113 : memref<!tpu.dma_semaphore, #tpu.memory_space<semaphore_mem>>)
        %dma_wait3A_116 = tpu.memref_slice %arg8[%mul3A_0, %mul3A_112] : memref<10000x64xf32, #tpu.memory_space<hbm>> -> memref<640x32xf32, #tpu.memory_space<hbm>>
        %dma_wait3A_117 = tpu.memref_slice %arg8[%mul3A_0, %mul3A_112] : memref<10000x64xf32, #tpu.memory_space<hbm>> -> memref<640x32xf32, #tpu.memory_space<hbm>>
        tpu.wait_dma2 semaphore(%run_scoped3A_113 : memref<!tpu.dma_semaphore, #tpu.memory_space<semaphore_mem>>) src(%arg13 : memref<640x32xf32, #tpu.memory_space<vmem>>) dst(%dma_wait3A_117 : memref<640x32xf32, #tpu.memory_space<hbm>>)
        tpu.yield
      }) : () -> ()
    } else {
    }
    %eq3A = arith.constant 15 : i32
    %eq3A_107 = arith.cmpi eq, %arg1, %eq3A : i32
    %convert_element_type3A_108 = arith.extui %eq3A_107 : i1 to i32
    %cond3A_109 = arith.constant 0 : i32
    %cond3A_110 = arith.cmpi ne, %convert_element_type3A_108, %cond3A_109 : i32
    scf.if %cond3A_110 {
      %mul3A_111 = arith.constant 32 : i32
      %mul3A_112 = arith.muli %arg0, %mul3A_111 : i32
      "tpu.region"() ({
        %run_scoped3A_113 = tpu.sem_alloc : memref<!tpu.dma_semaphore, #tpu.memory_space<semaphore_mem>>
        %dma_start3A_114 = arith.constant 0 : i32
        %dma_start3A_115 = arith.constant 0 : i32
        %dma_start3A_116 = tpu.memref_slice %arg13[%dma_start3A_114, %dma_start3A_115] : memref<640x32xf32, #tpu.memory_space<vmem>> -> memref<400x32xf32, #tpu.memory_space<vmem>>
        %dma_start3A_117 = tpu.memref_slice %arg8[%mul3A_0, %mul3A_112] : memref<10000x64xf32, #tpu.memory_space<hbm>> -> memref<400x32xf32, #tpu.memory_space<hbm>>
        %dma_start3A_118 = tpu.memref_slice %arg8[%mul3A_0, %mul3A_112] : memref<10000x64xf32, #tpu.memory_space<hbm>> -> memref<400x32xf32, #tpu.memory_space<hbm>>
        %dma_start3A_119 = arith.constant 0 : i32
        %dma_start3A_120 = arith.constant 0 : i32
        %dma_start3A_121 = tpu.memref_slice %arg13[%dma_start3A_119, %dma_start3A_120] : memref<640x32xf32, #tpu.memory_space<vmem>> -> memref<400x32xf32, #tpu.memory_space<vmem>>
        tpu.enqueue_dma source(%dma_start3A_121 : memref<400x32xf32, #tpu.memory_space<vmem>>) target(%dma_start3A_118 : memref<400x32xf32, #tpu.memory_space<hbm>>) target_semaphore(%run_scoped3A_113 : memref<!tpu.dma_semaphore, #tpu.memory_space<semaphore_mem>>)
        %dma_wait3A_122 = arith.constant 0 : i32
        %dma_wait3A_123 = arith.constant 0 : i32
        %dma_wait3A_124 = tpu.memref_slice %arg13[%dma_wait3A_122, %dma_wait3A_123] : memref<640x32xf32, #tpu.memory_space<vmem>> -> memref<400x32xf32, #tpu.memory_space<vmem>>
        %dma_wait3A_125 = tpu.memref_slice %arg8[%mul3A_0, %mul3A_112] : memref<10000x64xf32, #tpu.memory_space<hbm>> -> memref<400x32xf32, #tpu.memory_space<hbm>>
        %dma_wait3A_126 = tpu.memref_slice %arg8[%mul3A_0, %mul3A_112] : memref<10000x64xf32, #tpu.memory_space<hbm>> -> memref<400x32xf32, #tpu.memory_space<hbm>>
        %dma_wait3A_127 = arith.constant 0 : i32
        %dma_wait3A_128 = arith.constant 0 : i32
        %dma_wait3A_129 = tpu.memref_slice %arg13[%dma_wait3A_127, %dma_wait3A_128] : memref<640x32xf32, #tpu.memory_space<vmem>> -> memref<400x32xf32, #tpu.memory_space<vmem>>
        tpu.wait_dma2 semaphore(%run_scoped3A_113 : memref<!tpu.dma_semaphore, #tpu.memory_space<semaphore_mem>>) src(%dma_wait3A_129 : memref<400x32xf32, #tpu.memory_space<vmem>>) dst(%dma_wait3A_126 : memref<400x32xf32, #tpu.memory_space<hbm>>)
        tpu.yield
      }) : () -> ()
    } else {
    }
    return
  }
}

module attributes {stable_mosaic.version = 14 : i64} {
  func.func @_mm_body(%arg0: i32, %arg1: memref<80x128xf32, #tpu.memory_space<vmem>>, %arg2: memref<64x128xf32, #tpu.memory_space<vmem>>, %arg3: memref<2x80x32xf32, #tpu.memory_space<vmem>>) attributes {dimension_semantics = [#tpu.dimension_semantics<arbitrary>], iteration_bounds = array<i64: 125>, scalar_prefetch = 0 : i64, scratch_operands = 0 : i64, tpu.core_type = #tpu.core_type<tc>, window_params = [{transform_indices = @transform_0, window_bounds = array<i64: 80, 128>}, {pipeline_mode = #tpu.pipeline_mode<synchronous>, transform_indices = @transform_1, window_bounds = array<i64: 64, 128>}, {transform_indices = @transform_2, window_bounds = array<i64: 2, 80, 32>}]} {
    %get3A = arith.constant 0 : index
    %get3A_0 = arith.constant 0 : index
    %get3A_1 = vector.load %arg1[%get3A, %get3A_0] : memref<80x128xf32, #tpu.memory_space<vmem>>, vector<80x128xf32>
    %get3A_2 = arith.constant 0 : index
    %get3A_3 = arith.constant 0 : index
    %get3A_4 = vector.load %arg2[%get3A_2, %get3A_3] : memref<64x128xf32, #tpu.memory_space<vmem>>, vector<64x128xf32>
    %dot_general3A = arith.constant dense<0.000000e+00> : vector<80x64xf32>
    %dot_general3A_5 = tpu.matmul %get3A_1, %get3A_4, %dot_general3A {dimension_numbers = #tpu.dot_dimension_numbers<[1], [1], [0], [0], [0, 0, 1, 0], [], []>, transpose_lhs_hint = false} : vector<80x128xf32>, vector<64x128xf32>, vector<80x64xf32> -> vector<80x64xf32>
    %slice3A = vector.extract_strided_slice %dot_general3A_5 {offsets = [0, 0], sizes = [80, 32], strides = [1, 1]} : vector<80x64xf32> to vector<80x32xf32>
    %swap3A = arith.constant 0 : index
    %swap3A_6 = arith.constant 0 : index
    %swap3A_7 = arith.constant 0 : index
    %swap3A_8 = vector.load %arg3[%swap3A, %swap3A_6, %swap3A_7] : memref<2x80x32xf32, #tpu.memory_space<vmem>>, vector<1x80x32xf32>
    %swap3A_9 = vector.shape_cast %swap3A_8 : vector<1x80x32xf32> to vector<80x32xf32>
    %swap3A_10 = vector.shape_cast %slice3A : vector<80x32xf32> to vector<1x80x32xf32>
    tpu.vector_store %arg3[%swap3A, %swap3A_6, %swap3A_7], %swap3A_10 {strides = array<i32>} : memref<2x80x32xf32, #tpu.memory_space<vmem>>, vector<1x80x32xf32>,
    %slice3A_11 = vector.extract_strided_slice %dot_general3A_5 {offsets = [0, 32], sizes = [80, 32], strides = [1, 1]} : vector<80x64xf32> to vector<80x32xf32>
    %swap3A_12 = arith.constant 1 : index
    %swap3A_13 = arith.constant 0 : index
    %swap3A_14 = arith.constant 0 : index
    %swap3A_15 = vector.load %arg3[%swap3A_12, %swap3A_13, %swap3A_14] : memref<2x80x32xf32, #tpu.memory_space<vmem>>, vector<1x80x32xf32>
    %swap3A_16 = vector.shape_cast %swap3A_15 : vector<1x80x32xf32> to vector<80x32xf32>
    %swap3A_17 = vector.shape_cast %slice3A_11 : vector<80x32xf32> to vector<1x80x32xf32>
    tpu.vector_store %arg3[%swap3A_12, %swap3A_13, %swap3A_14], %swap3A_17 {strides = array<i32>} : memref<2x80x32xf32, #tpu.memory_space<vmem>>, vector<1x80x32xf32>,
    return
  }
  func.func @transform_0(%arg0: i32) -> (i32, i32) {
    %c0_i32 = arith.constant 0 : i32
    %c0_i32_0 = arith.constant 0 : i32
    return %arg0, %c0_i32 : i32, i32
  }
  func.func @transform_1(%arg0: i32) -> (i32, i32) {
    %c0_i32 = arith.constant 0 : i32
    %c0_i32_0 = arith.constant 0 : i32
    %c0_i32_1 = arith.constant 0 : i32
    return %c0_i32, %c0_i32_0 : i32, i32
  }
  func.func @transform_2(%arg0: i32) -> (i32, i32, i32) {
    %c0_i32 = arith.constant 0 : i32
    %c0_i32_0 = arith.constant 0 : i32
    %c0_i32_1 = arith.constant 0 : i32
    return %c0_i32, %arg0, %c0_i32_0 : i32, i32, i32
  }
}

</mosaic_0001>

<sc_bundles>
// kernel: kernel.4.cloned.1.call-start
scs
__scs_entry_jumppad:
0x0: {  	(pc) =	sbr.rel $0x88, $3  }
0x1: {  	(tag) =	ssettag $0x0;
	lr =	simm.s32 $0x1  }
0x2: {  	[smem:$0x3F9D] =	sst lr;
	_ =	strace $0xD0000000  }
0x3: {  	_ = 	snop  }
0x4: {  	_ = 	snop  }
0x5: {  	_ = 	snop  }
0x6: {  	_ = 	snop  }
0x7: {  	_ = 	snop  }
__scs_overlays_trampoline_lowered:
0x8: {  	[smem:$0x3FAC] =	sst s0  }
0x9: {  	[smem:$0x3FAD] =	sst s1  }
0xa: {  	[smem:$0x3FAE] =	sst s2  }
0xb: {  	[smem:$0x3FAF] =	sst s3  }
0xc: {  	[smem:$0x3FB0] =	sst s4  }
0xd: {  	[smem:$0x3FB1] =	sst s5  }
0xe: {  	[smem:$0x3FB2] =	sst s6  }
0xf: {  	[smem:$0x3FB3] =	sst s7  }
0x10: {  	[smem:$0x3FB4] =	sst s8  }
0x11: {  	[smem:$0x3FB5] =	sst s9;
	s0 =	simm.s32 @!p0 $0x0  }
0x12: {  	s1 =	sld [smem:$0x3F9B];
	s0 =	simm.s32 @p0 $0x1  }
0x13: {  	[smem:$0x3FB6] =	sst s0;
	s0 =	simm.s32 @!p1 $0x0  }
0x14: {  	s2 =	sld [smem:$0x3F9A];
	s0 =	simm.s32 @p1 $0x1  }
0x15: {  	[smem:$0x3FB7] =	sst s0;
	s0 =	simm.s32 @!p2 $0x0  }
0x16: {  	s3 =	sld [smem:$0x3FDB];
	s0 =	simm.s32 @p2 $0x1  }
0x17: {  	s4 =	simm.s32 $0x1BF5;
	[smem:$0x3FB9] =	sst s0  }
0x18: {  	s0 =	sld [smem:$0x3F9C];
	_ =	swait.ge [sflag:s4], $0x0  }
0x19: {  	s7 =	sld [smem:$0x3F9D]  }
0x1a: {  	s8 =	sadd.s32 $0xFFFFE003, lr  }
0x1b: {  	s9 =	sadd.s32 $0xFFFFFEF7, lr;
	s5 =	simm.s32 $0xFFFFFFFF;
	p2 =	slt.u32 s8, $0xFFFFF086  }
0x1c: {  	p1 =	slt.u32 s9, $0xF7A;
	s5 =	simm.s32 @!p2 $0x0  }
0x1d: {  	s5 =	simm.s32 @p1 $0x1;
	p0 =	seq.s32 s7, s2  }
0x1e: {  	s7 =	smul.u32 @!p0 $0xF7A, s2;
	p2 =	seq.s32 @!p0 s5, $0x0  }
0x1f: {  	s9 =	smul.u32 $0xF7A, s1;
	s8 =	simm.s32 @!p0 $0x1BF5;
	p2 =	por !p2, p0  }
0x20: {  	[sflag:s8] =	ssyncset.s32 @!p0 $0xFFFFF086;
	s6 =	sadd.s32 @!p0 s3, s7;
	s7 =	simm.s32 @!p0 $0x108  }
0x21: {  	s3 =	sadd.s32 s3, s9;
	s6 =	sadd.s32 @!p0 $0x88, s6;
	s7 =	simm.s32 @p2 $0x1082  }
0x22: {  	[simem:s7], [sflag:s8] =	dma.local @!p0 [hbm:s6], $0xF7A  }
0x23: {  	s9 =	sor.u32 $0xD0000000, s2;
	s6 =	simm.s32 $0x108;
	_ =	swait.ge @!p0 [sflag:s8], $0x0  }
0x24: {  	s3 =	sadd.s32 $0x88, s3;
	s6 =	simm.s32 @!p1 $0x1082;
	[sflag:s4] =	ssyncset.s32 $0xFFFFF086  }
0x25: {  	[simem:s6], [sflag:s4] =	dma.local [hbm:s3], $0xF7A  }
0x26: {  	[smem:$0x3F9D] =	sst s1;
	(tag) =	ssettag s2;
	_ =	strace s9  }
0x27: {  	s1 =	sld [smem:$0x3FAD]  }
0x28: {  	s2 =	sld [smem:$0x3FAE]  }
0x29: {  	s4 =	sld [smem:$0x3FB0]  }
0x2a: {  	p0 =	seq.s32 s5, $0x0;
	s5 =	sld [smem:$0x3FB1]  }
0x2b: {  	s6 =	sld [smem:$0x3FB2]  }
0x2c: {  	s7 =	sld [smem:$0x3FB3]  }
0x2d: {  	s3 =	simm.s32 $0x108;
	s8 =	sld [smem:$0x3FB4]  }
0x2e: {  	s3 =	simm.s32 @!p0 $0x1082;
	s9 =	sld [smem:$0x3FB5]  }
0x2f: {  	lr =	sadd.s32 s0, s3;
	s0 =	sld [smem:$0x3FAC]  }
0x30: {  	s3 =	sld [smem:$0x3FAF]  }
0x31: {  	[smem:$0x3FB8] =	sst s10  }
0x32: {  	s10 =	sld [smem:$0x3FB6];
	_ =	sdelay $0x3  }
0x33: {  	p0 =	seq.s32 s10, $0x1;
	s10 =	sld [smem:$0x3FB8];
	_ =	sdelay $0x3  }
0x34: {  	[smem:$0x3FB8] =	sst s10  }
0x35: {  	s10 =	sld [smem:$0x3FB7];
	_ =	sdelay $0x3  }
0x36: {  	p1 =	seq.s32 s10, $0x1;
	s10 =	sld [smem:$0x3FB8];
	_ =	sdelay $0x3  }
0x37: {  	[smem:$0x3FB8] =	sst s10  }
0x38: {  	s10 =	sld [smem:$0x3FB9]  }
0x39: {  	_ = 	snop;
	(pc) =	sbr.ind lr, $3  }
0x3a: {  	_ = 	snop  }
0x3b: {  	_ = 	snop  }
0x3c: {  	p2 =	seq.s32 s10, $0x1;
	s10 =	sld [smem:$0x3FB8]  }
0x3d: {  	_ =	shalt  }
0x3e: {  	_ =	shalt  }
0x3f: {  	_ =	shalt  }
0x40: {  	_ =	shalt  }
0x41: {  	_ =	shalt  }
0x42: {  	_ =	shalt  }
0x43: {  	_ =	shalt  }
0x44: {  	_ =	shalt  }
0x45: {  	_ =	shalt  }
0x46: {  	_ =	shalt  }
0x47: {  	_ =	shalt  }
0x48: {  	_ =	shalt  }
0x49: {  	_ =	shalt  }
0x4a: {  	_ =	shalt  }
0x4b: {  	_ =	shalt  }
0x4c: {  	_ =	shalt  }
0x4d: {  	_ =	shalt  }
0x4e: {  	_ =	shalt  }
0x4f: {  	_ =	shalt  }
0x50: {  	_ =	shalt  }
0x51: {  	_ =	shalt  }
0x52: {  	_ =	shalt  }
0x53: {  	_ =	shalt  }
0x54: {  	_ =	shalt  }
0x55: {  	_ =	shalt  }
0x56: {  	_ =	shalt  }
0x57: {  	_ =	shalt  }
0x58: {  	_ =	shalt  }
0x59: {  	_ =	shalt  }
0x5a: {  	_ =	shalt  }
0x5b: {  	_ =	shalt  }
0x5c: {  	_ =	shalt  }
0x5d: {  	_ =	shalt  }
0x5e: {  	_ =	shalt  }
0x5f: {  	_ =	shalt  }
0x60: {  	_ =	shalt  }
0x61: {  	_ =	shalt  }
0x62: {  	_ =	shalt  }
0x63: {  	_ =	shalt  }
0x64: {  	_ =	shalt  }
0x65: {  	_ =	shalt  }
0x66: {  	_ =	shalt  }
0x67: {  	_ =	shalt  }
0x68: {  	_ =	shalt  }
0x69: {  	_ =	shalt  }
0x6a: {  	_ =	shalt  }
0x6b: {  	_ =	shalt  }
0x6c: {  	_ =	shalt  }
0x6d: {  	_ =	shalt  }
0x6e: {  	_ =	shalt  }
0x6f: {  	_ =	shalt  }
0x70: {  	_ =	shalt  }
0x71: {  	_ =	shalt  }
0x72: {  	_ =	shalt  }
0x73: {  	_ =	shalt  }
0x74: {  	_ =	shalt  }
0x75: {  	_ =	shalt  }
0x76: {  	_ =	shalt  }
0x77: {  	_ =	shalt  }
0x78: {  	_ =	shalt  }
0x79: {  	_ =	shalt  }
0x7a: {  	_ =	shalt  }
0x7b: {  	_ =	shalt  }
0x7c: {  	_ =	shalt  }
0x7d: {  	_ =	shalt  }
0x7e: {  	_ =	shalt  }
0x7f: {  	_ =	shalt  }
0x80: {  	_ =	shalt  }
0x81: {  	_ =	shalt  }
0x82: {  	_ =	shalt  }
0x83: {  	_ =	shalt  }
0x84: {  	_ =	shalt  }
0x85: {  	_ =	shalt  }
0x86: {  	_ =	shalt  }
0x87: {  	_ =	shalt  }
.Lfunc_end0:
.L_simem_size_0:
called_computation_lowered:
.L_overlay_start_0:
0x88: {  	s2 =	sld [smem:$0x3FD9]  }
0x89: {  	s3 =	sld [smem:$0x3FFE];
	_ =	sdelay $0x1  }
0x8a: {  	s1 =	srdreg.scid  }
0x8b: {  	s0 =	sand.u32 $0x1, s1  }
0x8c: {  	s17 =	sshll.u32 s0, $0xA;
	s2 =	sadd.s32 s3, s2  }
0x8d: {  	s2 =	sadd.s32 s2, s17  }
0x8e: {  	[smem:$0x3FC4] =	sst s2  }
0x8f: {  	_ = 	snop  }
0x90: {  	s2 =	sld [smem:$0x3FC6]  }
0x91: {  	s18 =	sld [smem:$0x3FD0];
	(tm) =	ssettm $0x1  }
0x92: {  	s4 =	sld [smem:$0x3FFB];
	_ =	sdelay $0x3  }
0x93: {  	_ =	strace s4  }
0x94: {  	s4 =	sld [smem:$0x3FFC];
	_ =	sdelay $0x3  }
0x95: {  	_ =	strace s4  }
0x96: {  	s4 =	sld [smem:$0x3FFD];
	_ =	sdelay $0x3  }
0x97: {  	_ =	strace s4  }
0x98: {  	_ =	strace $0x8FFFFFFF  }
0x99: {  	s19 =	sld [smem:$0x3FDB];
	_ =	sdelay $0x1  }
0x9a: {  	s5 =	simm.s32 $_scs_section_size  }
0x9b: {  	s6 =	simm.s32 $_size__tile_overlayer_lowered;
	s7 =	simm.s32 $_tile_overlayer_lowered  }
0x9c: {  	s22 =	simm.s32 $0x1BFF;
	s21 =	sshll.u32 s7, $0x1;
	s4 =	sadd.s32 s5, s19  }
0x9d: {  	s8 =	simm.s32 $0x0;
	s20 =	sshll.u32 s6, $0x1;
	s6 =	sadd.s32 s21, s4  }
0x9e: {  	[timem:s8], [sflag:s22] =	dma.local [hbm:s6], s20  }
0x9f: {  	_ =	swait.ge [sflag:s22], s20  }
0xa0: {  	s5 =	ssub.s32 $0x0, s20;
	[sflag:s22] =	ssyncset.done $0x0  }
0xa1: {  	[sflag:s22] =	ssyncadd.s32 s5;
	_ =	sdelay $0x1  }
0xa2: {  	s23 =	simm.s32 $0x1B8B  }
0xa3: {  	_ =	swait.ge [sflag:s23], $0x1  }
0xa4: {  	[sflag:s23] =	ssyncset.done $0x0  }
0xa5: {  	s25 =	simm.s32 $0x1B8E;
	s24 =	sld [smem:$0x3FFE];
	[sflag:s23] =	ssyncadd.s32 $0xFFFFFFFF  }
0xa6: {  	s26 =	simm.s32 $execute0_lowered;
	[smem:$0x3FD2] =	sst s25  }
0xa7: {  	s6 =	sshll.u32 s26, $0x1;
	_ =	strace $0x80000046;
	[dreg:$0x1] =	wrdreg $0xFFFFFFFF  }
0xa8: {  	s28 =	simm.s32 $_size_execute0_lowered;
	s4 =	sadd.s32 s4, s6;
	[dreg:$0x0] =	wrdreg $0x0  }
0xa9: {  	s6 =	sshll.u32 s28, $0x1;
	[dreg:$0x2] =	wrdreg s4  }
0xaa: {  	[dreg:$0x3] =	wrdreg s6  }
0xab: {  	[dreg:$0x4] =	wrdreg $0xC0  }
0xac: {  	_ =	task [dreg:s8], $0x5FFFF  }
0xad: {  	[dreg:$0x1] =	wrdreg $0xFFFFFFFF  }
0xae: {  	[dreg:$0x0] =	wrdreg $0x60  }
0xaf: {  	[dreg:$0x2] =	wrdreg s24  }
0xb0: {  	[dreg:$0x3] =	wrdreg s2  }
0xb1: {  	[dreg:$0x4] =	wrdreg s18  }
0xb2: {  	[dreg:$0x5] =	wrdreg $0x115200  }
0xb3: {  	[dreg:$0x6] =	wrdreg $0x117A00  }
0xb4: {  	[dreg:$0x7] =	wrdreg $0x167A00  }
0xb5: {  	[dreg:$0x8] =	wrdreg $0x9  }
0xb6: {  	_ =	task.clear_ibuf [dreg:s8], $0x9FFFF;
	_ =	strace $0x90000046  }
0xb7: {  	s29 =	simm.s32 $0x9;
	_ =	strace $0x80000048  }
0xb8: {  	_ =	swait.ge [sflag:s29], $0x1  }
0xb9: {  	[sflag:s29] =	ssyncadd.s32 $0xFFFFFFFF  }
0xba: {  	_ =	strace $0x90000048  }
0xbb: {  	_ =	sfence  }
0xbc: {  	s30 =	sld [smem:$0x0];
	_ =	sdelay $0x2  }
0xbd: {  	s31 =	sshll.u32 s1, $0xD;
	s1 =	sshrl.u32 s1, $0x2  }
0xbe: {  	s3 =	sand.u32 $0x4000, s31;
	s1 =	sadd.s32 s1, s30  }
0xbf: {  	s0 =	sor.u32 s3, s0;
	s1 =	sshll.u32 s1, $0x11  }
0xc0: {  	s0 =	sor.u32 s1, s0  }
0xc1: {  	s0 =	sadd.s32 $0x8F2B, s0  }
0xc2: {  	[sflag:s0] =	ssyncadd.remote.s32 $0x1  }
0xc3: {  	_ =	sfence.sel $0xFFFF  }
0xc4: {  	[dreg:$0x0] =	wrdreg $0xFFFFFFFF;
	(pc) =	sbr.abs _section_cstart, $3  }
0xc5: {  	[dreg:$0x1] =	wrdreg $0xFFFFFFFF  }
0xc6: {  	_ =	task.clear_ibuf [dreg:s8], $0x2FFFF;
	_ =	strace $0x9FFFFFFF  }
0xc7: {  	(tm) =	ssettm $0x7FFFFFFF  }
tec
execute0_lowered:
.L_overlay_start_1:
0x0: {  	(tag) =	ssettag $0x1  }
0x1: {  	s0 =	rddreg [dreg:$0x0]  }
0x2: {  	s2 =	rddreg [dreg:$0x1]  }
0x3: {  	s6 =	rddreg [dreg:$0x2]  }
0x4: {  	s1 =	rddreg [dreg:$0x3];
	s4 =	srdreg.scid  }
0x5: {  	s19 =	stileid.u32;
	s3 =	rddreg [dreg:$0x4]  }
0x6: {  	s5 =	simm.s32 $0x0;
	s18 =	simm.s32 $0x3;
	s20 =	simm.s32 $0x9D00  }
0x7: {  	s28 =	simm.s32 $0x9D80;
	s29 =	simm.s32 $0xAD80;
	s8 =	smul.u32 $0x5000, s19  }
0x8: {  	s30 =	simm.s32 $0x2;
	s31 =	simm.s32 $0x9C80;
	s10 =	smul.u32 $0x9D0, s19  }
0x9: {  	s7 =	sand.u32 $0x1, s4;
	s4 =	rddreg [dreg:$0x5];
	s11 =	smul.u32 $0x280, s19  }
0xa: {  	[smem:$0x7FF] =	sst s5;
	s15 =	sadd.s32 $0x27E00, s0;
	s23 =	smul.u32 $0xA000, s19  }
0xb: {  	s26 =	sshll.u32 s19, $0x6;
	p0 =	seq.s32 s19, $0xF;
	s9 =	smul.u32 $0x50000, s7  }
0xc: {  	_ =	strace $0x80000047;
	s12 =	ssub.s32 $0x2, s7;
	[dreg:$0x7] =	wrdreg s15  }
0xd: {  	s16 =	sshll.u32 s7, $0x2;
	s7 =	sshll.u32 s7, $0x5;
	s10 =	sadd.s32 s10, s0  }
0xe: {  	s13 =	sshrl.u32 s11, $0x3;
	s14 =	sshrl.u32 s12, $0x1;
	s2 =	sadd.s32 s2, s16  }
0xf: {  	s24 =	sor.u32 s7, s23;
	s25 =	sadd.s32 s16, s6;
	s23 =	simm.s32 $0xBD80  }
0x10: {  	s9 =	sadd.s32 s8, s9;
	s17 =	ssub.s32 s12, s14;
	s22 =	sadd.s32 $0x14200, s10  }
0x11: {  	s10 =	sadd.s32 $0x1E000, s10;
	[dreg:$0xa] =	wrdreg s2;
	s14 =	sadd.s32 s8, s4  }
0x12: {  	s16 =	sadd.s32 $0x12C00, s25;
	s25 =	simm.s32 $0x1;
	[dreg:$0x8] =	wrdreg s22  }
0x13: {  	s2 =	simm.s32 $0x0;
	s9 =	sshrl.u32 s9, $0x3;
	[dreg:$0x9] =	wrdreg s10  }
0x14: {  	s10 =	sadd.s32 s11, s1;
	s9 =	sadd.s32 s9, s0;
	s0 =	sadd.s32 s13, s0  }
0x15: {  	s17 =	smax.u32 s17, $0x1;
	s22 =	sor.u32 $0x1C03, s26;
	s0 =	sadd.s32 $0x28000, s0  }
0x16: {  	s13 =	sadd.s32 s8, s3;
	[dreg:$0xb] =	wrdreg s0;
	s0 =	sshrl.u32 s24, $0x3  }
0x17: {  	s12 =	sadd.s32 $0x200, s9;
	s24 =	simm.s32 $0x80;
	s15 =	sadd.s32 s6, s0  }
.LBB2_1:
0x18: {  	s0 =	rddreg [dreg:$0x8]  }
0x19: {  	[tilespmem:s5], [sflag:$0x3] =	stream.linear.gather [hbm4b:s0+s5], $0x4E80, $0x38;
	[tilespmem:$0x1B7A0] =	vst v63  }
0x1a: {  	_ =	swait.ge [sflag:s18], $0x4E80  }
0x1b: {  	[sflag:s18] =	ssyncset.done $0x0  }
0x1c: {  	s6 =	simm.s32 $0x4E80;
	s8 =	rddreg [dreg:$0x9];
	[sflag:s18] =	ssyncadd.s32 $0xFFFFB180  }
0x1d: {  	[tilespmem:s6], [sflag:$0x3] =	stream.linear.gather [hbm4b:s8+s5], $0x4E80, $0x38;
	[tilespmem:$0x1B7A0] =	vst v63  }
0x1e: {  	_ =	swait.ge [sflag:s18], $0x4E80  }
0x1f: {  	[sflag:s18] =	ssyncset.done $0x0  }
0x20: {  	s9 =	rddreg [dreg:$0x7];
	[sflag:s18] =	ssyncadd.s32 $0xFFFFB180  }
0x21: {  	[tilespmem:s20], [sflag:$0x3] =	stream.linear.gather [hbm4b:s9+s5], $0x80, $0x38;
	[tilespmem:$0x1B7A0] =	vst v63  }
0x22: {  	_ =	swait.ge [sflag:s18], $0x80  }
0x23: {  	[sflag:s18] =	ssyncset.done $0x0  }
0x24: {  	s19 =	simm.s32 $0x11500;
	s11 =	rddreg [dreg:$0xa];
	[sflag:s18] =	ssyncadd.s32 $0xFFFFFF80  }
0x25: {  	[tilespmem:s19], [sflag:$0x3] =	stream.linear.gather [hbm4b:s11+s5], $0x20, $0x38;
	[tilespmem:$0x1B7A0] =	vst v63  }
0x26: {  	_ =	swait.ge [sflag:s18], $0x20  }
0x27: {  	[sflag:s18] =	ssyncset.done $0x0  }
0x28: {  	s21 =	sshrl.u32 s10, $0x3;
	s26 =	rddreg [dreg:$0xb];
	[sflag:s18] =	ssyncadd.s32 $0xFFFFFFE0  }
0x29: {  	[spmem:s21], [sflag:s22] =	dma.local [hbm:s26], $0x50  }
0x2a: {  	_ =	swait.ge [sflag:s18], $0x50  }
0x2b: {  	[sflag:s18] =	ssyncset.done $0x0  }
0x2c: {  	[sflag:s18] =	ssyncadd.s32 $0xFFFFFFB0  }
0x2d: {  	[tilespmem:s23], [sflag:$0x3] =	stream.linear.gather [hbm4b:s12+s5], $0x5000, $0x38;
	[tilespmem:$0x1B7A0] =	vst v63  }
0x2e: {  	_ =	swait.ge [sflag:s18], $0x5000  }
0x2f: {  	[sflag:s18] =	ssyncset.done $0x0  }
0x30: {  	[sflag:s18] =	ssyncadd.s32 $0xFFFFB000  }
0x31: {  	s0 =	simm.s32 $0x0;
	[bflag:$0x0] =	sbarrier.arrive $0xFFFF  }
.LBB2_2:
0x32: {  	p1 =	sne.s32 s0, $0x13800  }
.Ltmp0:
0x33: {  	_ = 	snop;
	(pc) =	sbr.rel @p1 .LBB2_2-.Ltmp0, $4  }
0x34: {  	_ = 	snop  }
0x35: {  	s6 =	sshra.s32 s0, $0x2  }
0x36: {  	s0 =	sadd.s32 $0x200, s0;
	s6 =	sadd.s32 $0x4E80, s6  }
0x37: {  	[spmem:s1] =	stream.indirect.scatter.add.f32 [tilespmem:s20], [sflag:$0x1], $0x1, s6, s24, $0xb8;
	[tilespmem:$0x1B7A0] =	vst v63  }
0x38: {  	_ =	swait.ge [sflag:s25], $0x80  }
0x39: {  	s0 =	simm.s32 $0x9C;
	[sflag:s25] =	ssyncset.done $0x0  }
.LBB2_4:
0x3a: {  	p1 =	sne.s32 s0, $0x1;
	s0 =	sadd.s32 $0xFFFFFFFF, s0;
	[sflag:s25] =	ssyncadd.s32 $0xFFFFFF80  }
.Ltmp1:
0x3b: {  	(pc) =	sbr.rel @p1 .LBB2_4-.Ltmp1, $3  }
0x3c: {  	_ =	sdelay $0x1  }
0x3d: {  	_ =	swait.ge [sflag:s25], $0x80  }
0x3e: {  	[sflag:s25] =	ssyncset.done $0x0  }
0x3f: {  	[sflag:s25] =	ssyncadd.s32 $0xFFFFFF80  }
0x40: {  	s0 =	simm.s32 $0x10D80;
	[bflag:$0x0] =	sbarrier.arrive $0xFFFF  }
0x41: {  	[tilespmem:s0], [sflag:$0x3] =	stream.linear.gather [spmem:s10], $0x280, $0x38;
	[tilespmem:$0x1B7A0] =	vst v63  }
0x42: {  	_ =	swait.ge [sflag:s18], $0x280  }
0x43: {  	[sflag:s18] =	ssyncset.done $0x0  }
0x44: {  	s26 =	simm.s32 $0x0;
	[sflag:s18] =	ssyncadd.s32 $0xFFFFFD80  }
0x45: {  	v0 =	vld [tilespmem:s26+$0x10D80];
	_ =	sdelay $0x4  }
0x46: {  	s21 =	simm.s32 $0x10;
	v0 =	vadd.f32 $1.000000000e+00, v0  }
0x47: {  	v1 =	vld [tilespmem:s21+$0x10D80]  }
0x48: {  	v2 =	vshrl.u32 v0, $0x1;
	v3 =	vmul.f32 $5.000000000e-01, v0  }
0x49: {  	v0 =	vsub.s32 $0x5F3759DF, v2  }
0x4a: {  	v2 =	vmul.f32 v0, v3  }
0x4b: {  	s19 =	simm.s32 $0x20  }
0x4c: {  	v4 =	vld [tilespmem:s19+$0x10D80];
	v1 =	vadd.f32 $1.000000000e+00, v1;
	v2 =	vmul.f32 v0, v2;
	_ =	sdelay $0x1  }
0x4d: {  	v5 =	vshrl.u32 v1, $0x1;
	v6 =	vmul.f32 $5.000000000e-01, v1;
	v1 =	vsub.f32 $1.500000000e+00, v2  }
0x4e: {  	v2 =	vsub.s32 $0x5F3759DF, v5  }
0x4f: {  	v5 =	vmul.f32 v2, v6;
	v1 =	vmul.f32 v0, v1  }
0x50: {  	s6 =	simm.s32 $0x30;
	v0 =	vadd.f32 $1.000000000e+00, v4  }
0x51: {  	v4 =	vld [tilespmem:s6+$0x10D80];
	v5 =	vmul.f32 v2, v5;
	v7 =	vmul.f32 v1, v3  }
0x52: {  	v8 =	vshrl.u32 v0, $0x1;
	v0 =	vmul.f32 $5.000000000e-01, v0  }
0x53: {  	v5 =	vsub.f32 $1.500000000e+00, v5;
	v8 =	vsub.s32 $0x5F3759DF, v8;
	v7 =	vmul.f32 v7, v1  }
0x54: {  	v9 =	vmul.f32 v8, v0  }
0x55: {  	v2 =	vmul.f32 v2, v5;
	v5 =	vsub.f32 $1.500000000e+00, v7  }
0x56: {  	s7 =	simm.s32 $0x40;
	v4 =	vadd.f32 $1.000000000e+00, v4;
	v9 =	vmul.f32 v8, v9  }
0x57: {  	v7 =	vld [tilespmem:s7+$0x10D80];
	v10 =	vmul.f32 v2, v6;
	v12 =	vmul.f32 v5, v1  }
0x58: {  	v5 =	vshrl.u32 v4, $0x1;
	v1 =	vmul.f32 $5.000000000e-01, v4  }
0x59: {  	v4 =	vsub.f32 $1.500000000e+00, v9;
	v9 =	vmul.f32 v10, v2;
	v10 =	vmul.f32 v12, v3;
	_ =	sdelay $0x1  }
0x5a: {  	v5 =	vsub.s32 $0x5F3759DF, v5;
	v3 =	vmul.f32 v8, v4;
	v8 =	vmul.f32 v10, v12  }
0x5b: {  	s8 =	simm.s32 $0x50;
	v11 =	vmul.f32 v5, v1;
	v4 =	vadd.f32 $1.000000000e+00, v7  }
0x5c: {  	v7 =	vsub.f32 $1.500000000e+00, v9;
	v14 =	vsub.f32 $1.500000000e+00, v8;
	v8 =	vld [tilespmem:s8+$0x10D80]  }
0x5d: {  	v9 =	vmul.f32 v5, v11;
	v10 =	vmul.f32 v3, v0  }
0x5e: {  	v13 =	vshrl.u32 v4, $0x1;
	v2 =	vmul.f32 v7, v2  }
0x5f: {  	v4 =	vmul.f32 $5.000000000e-01, v4;
	v11 =	vsub.f32 $1.500000000e+00, v9;
	v7 =	vmul.f32 v10, v3  }
0x60: {  	s9 =	simm.s32 $0x180;
	s0 =	simm.s32 $0x40;
	v10 =	vsub.s32 $0x5F3759DF, v13;
	v9 =	vmul.f32 v2, v6;
	v6 =	vmul.f32 v14, v12  }
.LBB2_6:
0x61: {  	s11 =	sshra.s32 s9, $0x2;
	v12 =	vadd.f32 $1.000000000e+00, v8;
	v13 =	vmul.f32 v10, v4;
	v11 =	vmul.f32 v5, v11;
	v14 =	vmovc v1;
	v1 =	vmovc v4;
	p1 =	sne.s32 s9, $0x9C0  }
.Ltmp2:
0x62: {  	v4 =	vsub.f32 $1.500000000e+00, v7;
	v5 =	vmovc v10;
	v8 =	vld [tilespmem:s11+$0x10D80];
	v7 =	vmul.f32 v9, v2;
	[tilespmem:s26+$0x11000] =	vst v6;
	v6 =	vmul.f32 v6, v6;
	(pc) =	sbr.rel @p1 .LBB2_6-.Ltmp2, $4  }
0x63: {  	v9 =	vmul.f32 v5, v13;
	v10 =	vmul.f32 v11, v14  }
0x64: {  	s9 =	sadd.s32 $0x40, s9;
	v13 =	vshrl.u32 v12, $0x1;
	v15 =	vmul.f32 v4, v3;
	v3 =	vmovc v11;
	v16 =	vsub.f32 $1.500000000e+00, v7;
	[tilespmem:s26+$0x11280] =	vst v6;
	s26 =	smov.u32 s21  }
0x65: {  	v4 =	vmul.f32 $5.000000000e-01, v12;
	s21 =	smov.u32 s19;
	s19 =	smov.u32 s6;
	s6 =	smov.u32 s7;
	v11 =	vsub.f32 $1.500000000e+00, v9;
	v7 =	vmul.f32 v10, v3  }
0x66: {  	s7 =	smov.u32 s8;
	s8 =	smov.u32 s11;
	v10 =	vsub.s32 $0x5F3759DF, v13;
	v9 =	vmul.f32 v15, v0;
	v0 =	vmovc v14;
	v6 =	vmul.f32 v16, v2;
	v2 =	vmovc v15  }
0x67: {  	v8 =	vadd.f32 $1.000000000e+00, v8;
	_ =	sdelay $0x1  }
0x68: {  	v12 =	vmul.f32 v10, v4;
	v13 =	vshrl.u32 v8, $0x1;
	v8 =	vmul.f32 $5.000000000e-01, v8  }
0x69: {  	v13 =	vsub.s32 $0x5F3759DF, v13  }
0x6a: {  	v12 =	vmul.f32 v10, v12;
	v14 =	vmul.f32 v13, v8  }
0x6b: {  	v5 =	vmul.f32 v5, v11  }
0x6c: {  	v11 =	vsub.f32 $1.500000000e+00, v12;
	v12 =	vmul.f32 v13, v14  }
0x6d: {  	v14 =	vmul.f32 v5, v1  }
0x6e: {  	v10 =	vmul.f32 v10, v11;
	v11 =	vsub.f32 $1.500000000e+00, v12  }
0x6f: {  	v7 =	vsub.f32 $1.500000000e+00, v7;
	v12 =	vmul.f32 v14, v5  }
0x70: {  	v14 =	vmul.f32 v10, v4;
	v11 =	vmul.f32 v13, v11  }
0x71: {  	v9 =	vmul.f32 v9, v2;
	v3 =	vmul.f32 v7, v3;
	v7 =	vsub.f32 $1.500000000e+00, v12  }
0x72: {  	v12 =	vmul.f32 v14, v10;
	v13 =	vmul.f32 v11, v8  }
0x73: {  	v0 =	vmul.f32 v3, v0;
	v5 =	vmul.f32 v7, v5  }
0x74: {  	v9 =	vsub.f32 $1.500000000e+00, v9;
	v7 =	vsub.f32 $1.500000000e+00, v12;
	v12 =	vmul.f32 v13, v11  }
0x75: {  	v0 =	vmul.f32 v0, v3;
	v1 =	vmul.f32 v5, v1  }
0x76: {  	v2 =	vmul.f32 v9, v2;
	v7 =	vmul.f32 v7, v10;
	v10 =	vsub.f32 $1.500000000e+00, v12  }
0x77: {  	v0 =	vsub.f32 $1.500000000e+00, v0;
	v13 =	vmul.f32 v6, v6;
	v1 =	vmul.f32 v1, v5  }
0x78: {  	v4 =	vmul.f32 v7, v4;
	v9 =	vmul.f32 v10, v11  }
0x79: {  	[tilespmem:s26+$0x11000] =	vst v6;
	v0 =	vmul.f32 v0, v3;
	v6 =	vmul.f32 v2, v2  }
0x7a: {  	[tilespmem:s26+$0x11280] =	vst v13;
	v1 =	vsub.f32 $1.500000000e+00, v1;
	v3 =	vmul.f32 v4, v7;
	v4 =	vmul.f32 v9, v8  }
0x7b: {  	[tilespmem:s21+$0x11000] =	vst v2;
	v2 =	vmul.f32 v0, v0  }
0x7c: {  	[tilespmem:s21+$0x11280] =	vst v6;
	v1 =	vmul.f32 v1, v5;
	v3 =	vsub.f32 $1.500000000e+00, v3;
	v4 =	vmul.f32 v4, v9  }
0x7d: {  	[tilespmem:s19+$0x11000] =	vst v0  }
0x7e: {  	[tilespmem:s19+$0x11280] =	vst v2;
	v0 =	vmul.f32 v1, v1;
	v2 =	vmul.f32 v3, v7;
	v3 =	vsub.f32 $1.500000000e+00, v4  }
0x7f: {  	[tilespmem:s6+$0x11000] =	vst v1  }
0x80: {  	[tilespmem:s6+$0x11280] =	vst v0;
	v0 =	vmul.f32 v2, v2;
	v1 =	vmul.f32 v3, v9  }
0x81: {  	[tilespmem:s7+$0x11000] =	vst v2  }
0x82: {  	[tilespmem:s7+$0x11280] =	vst v0;
	v0 =	vmul.f32 v1, v1  }
0x83: {  	[tilespmem:s8+$0x11000] =	vst v1  }
0x84: {  	s19 =	simm.s32 $0xBE80;
	[tilespmem:s8+$0x11280] =	vst v0  }
0x85: {  	v5 =	vld [tilespmem:s19+$0xFFFFFFA0]  }
0x86: {  	v3 =	vld [tilespmem:s19+$0xFFFFFFF0]  }
0x87: {  	v0 =	vld [tilespmem:s19+$0xFFFFFF60]  }
0x88: {  	v6 =	vld [tilespmem:s19+$0xFFFFFFD0]  }
0x89: {  	v7 =	vld [tilespmem:s19+$0x80]  }
0x8a: {  	v10 =	vld [tilespmem:s19+$0xFFFFFF10]  }
0x8b: {  	v14 =	vld [tilespmem:s19+$0xE0]  }
0x8c: {  	v9 =	vld [tilespmem:s19+$0xFFFFFF40]  }
0x8d: {  	s26 =	simm.s32 $0x0;
	v1 =	vld [tilespmem:s19+$0xFFFFFF90]  }
0x8e: {  	v2 =	vld [tilespmem:s26+$0x11000]  }
0x8f: {  	v8 =	vld [tilespmem:s19+$0xFFFFFFC0]  }
0x90: {  	v11 =	vld [tilespmem:s19+$0xFFFFFF00]  }
0x91: {  	v13 =	vld [tilespmem:s19+$0xD0]  }
0x92: {  	v21 =	vld [tilespmem:s19+$0xC0]  }
0x93: {  	v19 =	vld [tilespmem:s19+$0x90];
	v17 =	vbroadcast v2, $0x0;
	v4 =	vbroadcast v2, $0xF  }
0x94: {  	v20 =	vld [tilespmem:s19+$0xFFFFFF50];
	v18 =	vbroadcast v2, $0x2;
	v16 =	vbroadcast v2, $0xE  }
0x95: {  	v15 =	vld [tilespmem:s19+$0xB0];
	v12 =	vbroadcast v2, $0xC;
	v23 =	vmul.f32 v17, v11  }
0x96: {  	s21 =	simm.s32 $0xBE80;
	v11 =	vbroadcast v2, $0xD;
	v22 =	vmul.f32 v9, v18;
	v9 =	vld [tilespmem:s19+$0x60]  }
.LBB2_8:
0x97: {  	p1 =	sne.s32 s0, $0x9C0  }
0x98: {  	[tilespmem:s19+$0xFFFFFF00] =	vst v23;
	v23 =	vld [tilespmem:s19+$0xFFFFFFB0];
	v21 =	vmul.f32 v21, v16;
	v14 =	vmul.f32 v14, v4;
	s21 =	sadd.s32 $0x200, s21;
	s6 =	smov.u32 s0;
	s0 =	sadd.s32 $0x40, s0  }
0x99: {  	[tilespmem:s19+$0xFFFFFF40] =	vst v22;
	v22 =	vbroadcast v2, $0xA;
	v19 =	vmul.f32 v19, v12;
	v24 =	vld [tilespmem:s19+$0xA0]  }
0x9a: {  	v10 =	vmul.f32 v10, v17;
	v17 =	vmul.f32 v20, v18;
	v18 =	vld [tilespmem:s19+$0x70];
	[tilespmem:s19+$0xE0] =	vst v14  }
0x9b: {  	v14 =	vbroadcast v2, $0x5;
	v20 =	vld [tilespmem:s19+$0xFFFFFFE0];
	v15 =	vmul.f32 v15, v11;
	[tilespmem:s19+$0xC0] =	vst v21  }
0x9c: {  	v13 =	vmul.f32 v13, v16;
	[tilespmem:s19+$0xFFFFFF10] =	vst v10;
	v10 =	vbroadcast v2, $0x6;
	v21 =	vld [tilespmem:s19+$0x40]  }
0x9d: {  	v25 =	vbroadcast v2, $0xB;
	v5 =	vmul.f32 v5, v14;
	v16 =	vld [tilespmem:s19+$0xFFFFFF20];
	[tilespmem:s19+$0x90] =	vst v19  }
0x9e: {  	v19 =	vbroadcast v2, $0x9;
	[tilespmem:s19+$0xFFFFFF50] =	vst v17;
	v17 =	vld [tilespmem:s19+$0x20];
	v11 =	vmul.f32 v24, v11  }
0x9f: {  	v14 =	vmul.f32 v23, v14;
	v23 =	vld [tilespmem:s19+$0x50];
	v18 =	vmul.f32 v18, v25;
	[tilespmem:s19+$0xD0] =	vst v13  }
0xa0: {  	v7 =	vmul.f32 v7, v12;
	v13 =	vbroadcast v2, $0x7;
	v24 =	vld [tilespmem:s19+$0x30];
	[tilespmem:s19+$0xA0] =	vst v11  }
0xa1: {  	v8 =	vmul.f32 v8, v10;
	v11 =	vbroadcast v2, $0x3;
	v12 =	vld [tilespmem:s19+$0x0];
	[tilespmem:s19+$0x70] =	vst v18  }
0xa2: {  	v9 =	vmul.f32 v9, v25;
	v6 =	vmul.f32 v6, v10;
	v10 =	vld [tilespmem:s19+$0x10];
	[tilespmem:s19+$0x80] =	vst v7  }
0xa3: {  	v18 =	vbroadcast v2, $0x8;
	v21 =	vmul.f32 v21, v22;
	v7 =	vld [tilespmem:s19+$0xFFFFFF30];
	[tilespmem:s19+$0xB0] =	vst v15  }
0xa4: {  	v15 =	vbroadcast v2, $0x1;
	v25 =	vld [tilespmem:s19+$0xFFFFFF70];
	[tilespmem:s19+$0xFFFFFFD0] =	vst v6;
	v22 =	vmul.f32 v23, v22  }
0xa5: {  	v3 =	vmul.f32 v3, v13;
	v6 =	vmul.f32 v20, v13;
	[tilespmem:s19+$0xFFFFFFC0] =	vst v8;
	v8 =	vld [tilespmem:s19+$0xF0]  }
0xa6: {  	v20 =	vmul.f32 v24, v19;
	v13 =	vld [tilespmem:s19+$0xFFFFFF80];
	[tilespmem:s19+$0xFFFFFFA0] =	vst v5;
	v12 =	vmul.f32 v12, v18  }
0xa7: {  	v5 =	vld [tilespmem:s21+$0xFFFFFFA0];
	[tilespmem:s19+$0xFFFFFFF0] =	vst v3;
	v18 =	vmul.f32 v10, v18;
	v10 =	vmul.f32 v17, v19  }
0xa8: {  	v3 =	vmul.f32 v16, v15;
	v15 =	vmul.f32 v7, v15;
	[tilespmem:s19+$0x60] =	vst v9  }
0xa9: {  	v0 =	vmul.f32 v0, v11;
	v7 =	vmul.f32 v25, v11;
	[tilespmem:s19+$0xFFFFFFB0] =	vst v14  }
0xaa: {  	v2 =	vbroadcast v2, $0x4;
	[tilespmem:s19+$0xFFFFFF20] =	vst v3;
	v3 =	vmul.f32 v8, v4  }
0xab: {  	[tilespmem:s19+$0xFFFFFF60] =	vst v0  }
0xac: {  	v4 =	vmul.f32 v13, v2;
	v0 =	vmul.f32 v1, v2;
	[tilespmem:s19+$0x40] =	vst v21  }
0xad: {  	[tilespmem:s19+$0xFFFFFFE0] =	vst v6  }
0xae: {  	[tilespmem:s19+$0xF0] =	vst v3  }
0xaf: {  	[tilespmem:s19+$0xFFFFFF90] =	vst v0  }
0xb0: {  	v3 =	vld [tilespmem:s21+$0xFFFFFFF0];
	[tilespmem:s19+$0xFFFFFF70] =	vst v7  }
0xb1: {  	v0 =	vld [tilespmem:s21+$0xFFFFFF60];
	[tilespmem:s19+$0x20] =	vst v10  }
0xb2: {  	v6 =	vld [tilespmem:s21+$0xFFFFFFD0];
	[tilespmem:s19+$0x30] =	vst v20  }
0xb3: {  	v7 =	vld [tilespmem:s21+$0x80];
	[tilespmem:s19+$0xFFFFFF80] =	vst v4  }
0xb4: {  	v10 =	vld [tilespmem:s21+$0xFFFFFF10];
	[tilespmem:s19+$0x50] =	vst v22  }
0xb5: {  	v14 =	vld [tilespmem:s21+$0xE0];
	[tilespmem:s19+$0x0] =	vst v12  }
0xb6: {  	v9 =	vld [tilespmem:s21+$0xFFFFFF40];
	[tilespmem:s19+$0xFFFFFF30] =	vst v15  }
0xb7: {  	s6 =	sshra.s32 s6, $0x2;
	v1 =	vld [tilespmem:s21+$0xFFFFFF90];
	[tilespmem:s19+$0x10] =	vst v18;
	s19 =	smov.u32 s21  }
0xb8: {  	v2 =	vld [tilespmem:s6+$0x11000]  }
0xb9: {  	v8 =	vld [tilespmem:s21+$0xFFFFFFC0]  }
0xba: {  	v11 =	vld [tilespmem:s21+$0xFFFFFF00]  }
0xbb: {  	v13 =	vld [tilespmem:s21+$0xD0]  }
.Ltmp3:
0xbc: {  	v21 =	vld [tilespmem:s21+$0xC0];
	(pc) =	sbr.rel @p1 .LBB2_8-.Ltmp3, $4  }
0xbd: {  	v17 =	vbroadcast v2, $0x0;
	v19 =	vld [tilespmem:s21+$0x90];
	v4 =	vbroadcast v2, $0xF  }
0xbe: {  	v18 =	vbroadcast v2, $0x2;
	v16 =	vbroadcast v2, $0xE;
	v20 =	vld [tilespmem:s21+$0xFFFFFF50]  }
0xbf: {  	v23 =	vmul.f32 v17, v11;
	v11 =	vbroadcast v2, $0xD;
	v15 =	vld [tilespmem:s21+$0xB0]  }
0xc0: {  	v12 =	vbroadcast v2, $0xC;
	v22 =	vmul.f32 v9, v18;
	v9 =	vld [tilespmem:s21+$0x60]  }
0xc1: {  	[tilespmem:s19+$0xFFFFFF00] =	vst v23;
	v14 =	vmul.f32 v14, v4  }
0xc2: {  	v21 =	vmul.f32 v21, v16;
	[tilespmem:s19+$0xFFFFFF40] =	vst v22  }
0xc3: {  	v10 =	vmul.f32 v10, v17;
	[tilespmem:s19+$0xE0] =	vst v14  }
0xc4: {  	v28 =	vmul.f32 v13, v16;
	[tilespmem:s19+$0xC0] =	vst v21  }
0xc5: {  	v26 =	vmul.f32 v19, v12;
	[tilespmem:s19+$0xFFFFFF10] =	vst v10  }
0xc6: {  	v34 =	vbroadcast v2, $0x6;
	v7 =	vmul.f32 v7, v12;
	[tilespmem:s19+$0xD0] =	vst v28  }
0xc7: {  	v18 =	vmul.f32 v20, v18;
	[tilespmem:s19+$0x90] =	vst v26  }
0xc8: {  	v38 =	vbroadcast v2, $0x5;
	v6 =	vmul.f32 v6, v34;
	[tilespmem:s19+$0x80] =	vst v7  }
0xc9: {  	v40 =	vbroadcast v2, $0x7;
	v8 =	vmul.f32 v8, v34;
	[tilespmem:s19+$0xFFFFFF50] =	vst v18  }
0xca: {  	v47 =	vbroadcast v2, $0x3;
	v5 =	vmul.f32 v5, v38;
	[tilespmem:s19+$0xFFFFFFD0] =	vst v6  }
0xcb: {  	v24 =	vld [tilespmem:s19+$0xA0];
	v52 =	vbroadcast v2, $0x4;
	v3 =	vmul.f32 v3, v40;
	[tilespmem:s19+$0xFFFFFFC0] =	vst v8  }
0xcc: {  	v25 =	vld [tilespmem:s19+$0x70];
	v0 =	vmul.f32 v0, v47;
	[tilespmem:s19+$0xFFFFFFA0] =	vst v5  }
0xcd: {  	v27 =	vld [tilespmem:s19+$0xFFFFFFB0];
	v30 =	vbroadcast v2, $0xB;
	v1 =	vmul.f32 v1, v52;
	[tilespmem:s19+$0xFFFFFFF0] =	vst v3  }
0xce: {  	v29 =	vld [tilespmem:s19+$0xFFFFFF20];
	v36 =	vmul.f32 v15, v11;
	[tilespmem:s19+$0xFFFFFF60] =	vst v0  }
0xcf: {  	v33 =	vld [tilespmem:s19+$0x40];
	v9 =	vmul.f32 v9, v30;
	[tilespmem:s19+$0xFFFFFF90] =	vst v1  }
0xd0: {  	v31 =	vld [tilespmem:s19+$0xFFFFFFE0];
	v32 =	vmul.f32 v24, v11;
	[tilespmem:s19+$0xB0] =	vst v36  }
0xd1: {  	v45 =	vbroadcast v2, $0x1;
	v48 =	vld [tilespmem:s19+$0xF0];
	v17 =	vmul.f32 v25, v30;
	[tilespmem:s19+$0x60] =	vst v9  }
0xd2: {  	v42 =	vld [tilespmem:s19+$0xFFFFFF70];
	v49 =	vbroadcast v2, $0xA;
	v46 =	vmul.f32 v27, v38;
	[tilespmem:s19+$0xA0] =	vst v32  }
0xd3: {  	v37 =	vld [tilespmem:s19+$0x20];
	v13 =	vmul.f32 v29, v45;
	[tilespmem:s19+$0x70] =	vst v17  }
0xd4: {  	v39 =	vld [tilespmem:s19+$0x30];
	v51 =	vmul.f32 v33, v49;
	[tilespmem:s19+$0xFFFFFFB0] =	vst v46  }
0xd5: {  	v43 =	vld [tilespmem:s19+$0xFFFFFF80];
	v7 =	vmul.f32 v31, v40;
	[tilespmem:s19+$0xFFFFFF20] =	vst v13  }
0xd6: {  	v35 =	vld [tilespmem:s19+$0x50];
	v54 =	vbroadcast v2, $0x9;
	v53 =	vmul.f32 v48, v4;
	[tilespmem:s19+$0x40] =	vst v51  }
0xd7: {  	v41 =	vld [tilespmem:s19+$0x0];
	v55 =	vmul.f32 v42, v47;
	[tilespmem:s19+$0xFFFFFFE0] =	vst v7  }
0xd8: {  	v50 =	vld [tilespmem:s19+$0xFFFFFF30];
	v56 =	vmul.f32 v37, v54;
	[tilespmem:s19+$0xF0] =	vst v53  }
0xd9: {  	v44 =	vld [tilespmem:s19+$0x10];
	v57 =	vmul.f32 v39, v54;
	[tilespmem:s19+$0xFFFFFF70] =	vst v55  }
0xda: {  	v58 =	vbroadcast v2, $0x8;
	v59 =	vmul.f32 v43, v52;
	[tilespmem:s19+$0x20] =	vst v56  }
0xdb: {  	v60 =	vmul.f32 v35, v49;
	[tilespmem:s19+$0x30] =	vst v57  }
0xdc: {  	v61 =	vmul.f32 v41, v58;
	[tilespmem:s19+$0xFFFFFF80] =	vst v59  }
0xdd: {  	v62 =	vmul.f32 v50, v45;
	[tilespmem:s19+$0x50] =	vst v60  }
0xde: {  	v63 =	vmul.f32 v44, v58;
	[tilespmem:s19+$0x0] =	vst v61  }
0xdf: {  	[tilespmem:s19+$0xFFFFFF30] =	vst v62  }
0xe0: {  	[tilespmem:s19+$0x10] =	vst v63  }
0xe1: {  	[spmem:s13] =	stream.linear.scatter [tilespmem:s23], [sflag:$0x3], $0x5000, $0x38;
	[tilespmem:$0x1B7A0] =	vst v63  }
0xe2: {  	_ =	swait.ge [sflag:s18], $0x5000  }
0xe3: {  	[sflag:s18] =	ssyncset.done $0x0  }
0xe4: {  	[sflag:s18] =	ssyncadd.s32 $0xFFFFB000  }
0xe5: {  	[spmem:s14] =	stream.linear.scatter [tilespmem:s23], [sflag:$0x3], $0x5000, $0x38;
	[tilespmem:$0x1B7A0] =	vst v63  }
0xe6: {  	_ =	swait.ge [sflag:s18], $0x5000  }
0xe7: {  	[sflag:s18] =	ssyncset.done $0x0  }
0xe8: {  	[sflag:s18] =	ssyncadd.s32 $0xFFFFB000  }
0xe9: {  	s0 =	simm.s32 $0x0;
	[bflag:$0x0] =	sbarrier.arrive $0xFFFF  }
0xea: {  	[tilespmem:s28], [sflag:$0x1] =	stream.indirect.gather [spmem:s3], $0x20, s0, s24, $0xb8;
	[tilespmem:$0x1B7A0] =	vst v63  }
0xeb: {  	s11 =	simm.s32 $0x80  }
0xec: {  	[tilespmem:s29], [sflag:$0x2] =	stream.indirect.gather [spmem:s3], $0x20, s11, s24, $0xb8;
	[tilespmem:$0x1B7A0] =	vst v63  }
0xed: {  	_ =	swait.ge [sflag:s25], $0x1000  }
0xee: {  	[sflag:s25] =	ssyncset.done $0x0  }
0xef: {  	s19 =	simm.s32 $0x4E80;
	[sflag:s25] =	ssyncadd.s32 $0xFFFFF000  }
0xf0: {  	[spmem:s4] =	stream.indirect.scatter.add.f32 [tilespmem:s28], [sflag:$0x3], $0x20, s19, s24, $0xb8;
	[tilespmem:$0x1B7A0] =	vst v63  }
0xf1: {  	_ =	swait.ge [sflag:s18], $0x1000  }
0xf2: {  	[sflag:s18] =	ssyncset.done $0x0  }
0xf3: {  	s21 =	simm.s32 $0x100;
	[sflag:s18] =	ssyncadd.s32 $0xFFFFF000  }
0xf4: {  	[tilespmem:s28], [sflag:$0x1] =	stream.indirect.gather [spmem:s3], $0x20, s21, s24, $0xb8;
	[tilespmem:$0x1B7A0] =	vst v63  }
0xf5: {  	_ =	swait.ge [sflag:s30], $0x1000  }
0xf6: {  	[sflag:s30] =	ssyncset.done $0x0  }
0xf7: {  	s26 =	simm.s32 $0x4F00;
	[sflag:s30] =	ssyncadd.s32 $0xFFFFF000  }
0xf8: {  	[spmem:s4] =	stream.indirect.scatter.add.f32 [tilespmem:s29], [sflag:$0x3], $0x20, s26, s24, $0xb8;
	[tilespmem:$0x1B7A0] =	vst v63  }
0xf9: {  	_ =	swait.ge [sflag:s18], $0x1000  }
0xfa: {  	s6 =	simm.s32 $0x800;
	s0 =	simm.s32 $0x100;
	[sflag:s18] =	ssyncset.done $0x0  }
.LBB2_10:
0xfb: {  	s7 =	sadd.s32 $0x80, s0  }
0xfc: {  	[sflag:s18] =	ssyncadd.s32 $0xFFFFF000;
	s8 =	smov.u32 s6;
	s9 =	sadd.s32 $0x400, s6  }
0xfd: {  	[tilespmem:s29], [sflag:$0x2] =	stream.indirect.gather [spmem:s3], $0x20, s7, s24, $0xb8;
	[tilespmem:$0x1B7A0] =	vst v63  }
0xfe: {  	p1 =	sne.s32 s6, $0x13400;
	_ =	swait.ge [sflag:s25], $0x1000  }
0xff: {  	[sflag:s25] =	ssyncset.done $0x0  }
0x100: {  	s6 =	sadd.s32 $0x4E80, s0;
	[sflag:s25] =	ssyncadd.s32 $0xFFFFF000  }
0x101: {  	[spmem:s4] =	stream.indirect.scatter.add.f32 [tilespmem:s28], [sflag:$0x3], $0x20, s6, s24, $0xb8;
	[tilespmem:$0x1B7A0] =	vst v63  }
0x102: {  	_ =	swait.ge [sflag:s18], $0x1000  }
0x103: {  	[sflag:s18] =	ssyncset.done $0x0  }
0x104: {  	s6 =	sadd.s32 $0x100, s0;
	[sflag:s18] =	ssyncadd.s32 $0xFFFFF000  }
0x105: {  	[tilespmem:s28], [sflag:$0x1] =	stream.indirect.gather [spmem:s3], $0x20, s6, s24, $0xb8;
	[tilespmem:$0x1B7A0] =	vst v63  }
0x106: {  	_ =	swait.ge [sflag:s30], $0x1000  }
.Ltmp4:
0x107: {  	[sflag:s30] =	ssyncset.done $0x0;
	(pc) =	sbr.rel @p1 .LBB2_10-.Ltmp4, $4  }
0x108: {  	s0 =	sadd.s32 $0x4F00, s0;
	[sflag:s30] =	ssyncadd.s32 $0xFFFFF000  }
0x109: {  	[spmem:s4] =	stream.indirect.scatter.add.f32 [tilespmem:s29], [sflag:$0x3], $0x20, s0, s24, $0xb8;
	[tilespmem:$0x1B7A0] =	vst v63  }
0x10a: {  	_ =	swait.ge [sflag:s18], $0x1000  }
0x10b: {  	s6 =	smov.u32 s9;
	s0 =	sshra.s32 s8, $0x2;
	[sflag:s18] =	ssyncset.done $0x0  }
0x10c: {  	s6 =	sadd.s32 $0x80, s0;
	[sflag:s18] =	ssyncadd.s32 $0xFFFFF000  }
0x10d: {  	[tilespmem:s29], [sflag:$0x2] =	stream.indirect.gather [spmem:s3], $0x20, s6, s24, $0xb8;
	[tilespmem:$0x1B7A0] =	vst v63  }
0x10e: {  	_ =	swait.ge [sflag:s25], $0x1000  }
0x10f: {  	[sflag:s25] =	ssyncset.done $0x0  }
0x110: {  	s11 =	sadd.s32 $0x4E80, s0;
	[sflag:s25] =	ssyncadd.s32 $0xFFFFF000  }
0x111: {  	[spmem:s4] =	stream.indirect.scatter.add.f32 [tilespmem:s28], [sflag:$0x3], $0x20, s11, s24, $0xb8;
	[tilespmem:$0x1B7A0] =	vst v63  }
0x112: {  	_ =	swait.ge [sflag:s18], $0x1000  }
0x113: {  	[sflag:s18] =	ssyncset.done $0x0  }
0x114: {  	s19 =	sadd.s32 $0x100, s0;
	[sflag:s18] =	ssyncadd.s32 $0xFFFFF000  }
0x115: {  	[tilespmem:s28], [sflag:$0x1] =	stream.indirect.gather [spmem:s3], $0x20, s19, s24, $0xb8;
	[tilespmem:$0x1B7A0] =	vst v63  }
0x116: {  	_ =	swait.ge [sflag:s30], $0x1000  }
0x117: {  	[sflag:s30] =	ssyncset.done $0x0  }
0x118: {  	s21 =	sadd.s32 $0x4F00, s0;
	[sflag:s30] =	ssyncadd.s32 $0xFFFFF000  }
0x119: {  	[spmem:s4] =	stream.indirect.scatter.add.f32 [tilespmem:s29], [sflag:$0x3], $0x20, s21, s24, $0xb8;
	[tilespmem:$0x1B7A0] =	vst v63  }
0x11a: {  	_ =	swait.ge [sflag:s18], $0x1000  }
0x11b: {  	[sflag:s18] =	ssyncset.done $0x0  }
0x11c: {  	[sflag:s18] =	ssyncadd.s32 $0xFFFFF000  }
0x11d: {  	_ =	swait.ge [sflag:s25], $0x1000  }
0x11e: {  	[sflag:s25] =	ssyncset.done $0x0  }
0x11f: {  	[sflag:s25] =	ssyncadd.s32 $0xFFFFF000  }
0x120: {  	[spmem:s4] =	stream.indirect.scatter.add.f32 [tilespmem:s28], [sflag:$0x3], $0x20, s31, s24, $0xb8;
	[tilespmem:$0x1B7A0] =	vst v63  }
0x121: {  	_ =	swait.ge [sflag:s18], $0x1000  }
0x122: {  	[sflag:s18] =	ssyncset.done $0x0  }
0x123: {  	[sflag:s18] =	ssyncadd.s32 $0xFFFFF000  }
0x124: {  	[bflag:$0x0] =	sbarrier.arrive $0xFFFF  }
0x125: {  	[tilespmem:s23], [sflag:$0x3] =	stream.linear.gather [spmem:s14], $0x5000, $0x38;
	[tilespmem:$0x1B7A0] =	vst v63  }
0x126: {  	_ =	swait.ge [sflag:s18], $0x5000  }
0x127: {  	[sflag:s18] =	ssyncset.done $0x0  }
0x128: {  	s0 =	simm.s32 $0xBE80;
	[sflag:s18] =	ssyncadd.s32 $0xFFFFB000  }
0x129: {  	v5 =	vld [tilespmem:s0+$0xFFFFFFA0]  }
0x12a: {  	v3 =	vld [tilespmem:s0+$0xFFFFFFF0]  }
0x12b: {  	v0 =	vld [tilespmem:s0+$0xFFFFFF60]  }
0x12c: {  	v6 =	vld [tilespmem:s0+$0xFFFFFFD0]  }
0x12d: {  	v7 =	vld [tilespmem:s0+$0x80]  }
0x12e: {  	v10 =	vld [tilespmem:s0+$0xFFFFFF10]  }
0x12f: {  	v14 =	vld [tilespmem:s0+$0xE0]  }
0x130: {  	v9 =	vld [tilespmem:s0+$0xFFFFFF40]  }
0x131: {  	s26 =	simm.s32 $0x0;
	v1 =	vld [tilespmem:s0+$0xFFFFFF90]  }
0x132: {  	v2 =	vld [tilespmem:s26+$0x11280]  }
0x133: {  	v8 =	vld [tilespmem:s0+$0xFFFFFFC0]  }
0x134: {  	v11 =	vld [tilespmem:s0+$0xFFFFFF00]  }
0x135: {  	v12 =	vld [tilespmem:s0+$0xD0]  }
0x136: {  	v21 =	vld [tilespmem:s0+$0xC0]  }
0x137: {  	v19 =	vld [tilespmem:s0+$0x90];
	v17 =	vbroadcast v2, $0x0;
	v4 =	vbroadcast v2, $0xF  }
0x138: {  	v20 =	vld [tilespmem:s0+$0xFFFFFF50];
	v18 =	vbroadcast v2, $0x2;
	v16 =	vbroadcast v2, $0xE  }
0x139: {  	v15 =	vld [tilespmem:s0+$0xB0];
	v13 =	vbroadcast v2, $0xC;
	v23 =	vmul.f32 v17, v11  }
0x13a: {  	s19 =	simm.s32 $0x40;
	s21 =	simm.s32 $0xBE80;
	v11 =	vbroadcast v2, $0xD;
	v22 =	vmul.f32 v9, v18;
	v9 =	vld [tilespmem:s0+$0x60]  }
.LBB2_12:
0x13b: {  	p1 =	sne.s32 s19, $0x9C0  }
0x13c: {  	[tilespmem:s0+$0xFFFFFF00] =	vst v23;
	v23 =	vld [tilespmem:s0+$0xFFFFFFB0];
	v21 =	vmul.f32 v21, v16;
	v14 =	vmul.f32 v14, v4;
	s21 =	sadd.s32 $0x200, s21;
	s6 =	smov.u32 s19;
	s19 =	sadd.s32 $0x40, s19  }
0x13d: {  	[tilespmem:s0+$0xFFFFFF40] =	vst v22;
	v22 =	vbroadcast v2, $0xA;
	v19 =	vmul.f32 v19, v13;
	v24 =	vld [tilespmem:s0+$0xA0]  }
0x13e: {  	v10 =	vmul.f32 v10, v17;
	v17 =	vmul.f32 v20, v18;
	v18 =	vld [tilespmem:s0+$0x70];
	[tilespmem:s0+$0xE0] =	vst v14  }
0x13f: {  	v14 =	vbroadcast v2, $0x5;
	v20 =	vld [tilespmem:s0+$0xFFFFFFE0];
	v15 =	vmul.f32 v15, v11;
	[tilespmem:s0+$0xC0] =	vst v21  }
0x140: {  	v12 =	vmul.f32 v12, v16;
	[tilespmem:s0+$0xFFFFFF10] =	vst v10;
	v10 =	vbroadcast v2, $0x6;
	v21 =	vld [tilespmem:s0+$0x40]  }
0x141: {  	v25 =	vbroadcast v2, $0xB;
	v5 =	vmul.f32 v5, v14;
	v16 =	vld [tilespmem:s0+$0xFFFFFF20];
	[tilespmem:s0+$0x90] =	vst v19  }
0x142: {  	v19 =	vbroadcast v2, $0x9;
	[tilespmem:s0+$0xFFFFFF50] =	vst v17;
	v17 =	vld [tilespmem:s0+$0x20];
	v11 =	vmul.f32 v24, v11  }
0x143: {  	v14 =	vmul.f32 v23, v14;
	v23 =	vld [tilespmem:s0+$0x50];
	v18 =	vmul.f32 v18, v25;
	[tilespmem:s0+$0xD0] =	vst v12  }
0x144: {  	v7 =	vmul.f32 v7, v13;
	v12 =	vbroadcast v2, $0x7;
	v24 =	vld [tilespmem:s0+$0x30];
	[tilespmem:s0+$0xA0] =	vst v11  }
0x145: {  	v8 =	vmul.f32 v8, v10;
	v11 =	vbroadcast v2, $0x3;
	v13 =	vld [tilespmem:s0+$0x0];
	[tilespmem:s0+$0x70] =	vst v18  }
0x146: {  	v9 =	vmul.f32 v9, v25;
	v6 =	vmul.f32 v6, v10;
	v10 =	vld [tilespmem:s0+$0x10];
	[tilespmem:s0+$0x80] =	vst v7  }
0x147: {  	v18 =	vbroadcast v2, $0x8;
	v21 =	vmul.f32 v21, v22;
	v7 =	vld [tilespmem:s0+$0xFFFFFF30];
	[tilespmem:s0+$0xB0] =	vst v15  }
0x148: {  	v15 =	vbroadcast v2, $0x1;
	v25 =	vld [tilespmem:s0+$0xFFFFFF70];
	[tilespmem:s0+$0xFFFFFFD0] =	vst v6;
	v22 =	vmul.f32 v23, v22  }
0x149: {  	v3 =	vmul.f32 v3, v12;
	v6 =	vmul.f32 v20, v12;
	[tilespmem:s0+$0xFFFFFFC0] =	vst v8;
	v8 =	vld [tilespmem:s0+$0xF0]  }
0x14a: {  	v20 =	vmul.f32 v24, v19;
	v12 =	vld [tilespmem:s0+$0xFFFFFF80];
	[tilespmem:s0+$0xFFFFFFA0] =	vst v5;
	v13 =	vmul.f32 v13, v18  }
0x14b: {  	v5 =	vld [tilespmem:s21+$0xFFFFFFA0];
	[tilespmem:s0+$0xFFFFFFF0] =	vst v3;
	v18 =	vmul.f32 v10, v18;
	v10 =	vmul.f32 v17, v19  }
0x14c: {  	v3 =	vmul.f32 v16, v15;
	v15 =	vmul.f32 v7, v15;
	[tilespmem:s0+$0x60] =	vst v9  }
0x14d: {  	v0 =	vmul.f32 v0, v11;
	v7 =	vmul.f32 v25, v11;
	[tilespmem:s0+$0xFFFFFFB0] =	vst v14  }
0x14e: {  	v2 =	vbroadcast v2, $0x4;
	[tilespmem:s0+$0xFFFFFF20] =	vst v3;
	v3 =	vmul.f32 v8, v4  }
0x14f: {  	[tilespmem:s0+$0xFFFFFF60] =	vst v0  }
0x150: {  	v4 =	vmul.f32 v12, v2;
	v0 =	vmul.f32 v1, v2;
	[tilespmem:s0+$0x40] =	vst v21  }
0x151: {  	[tilespmem:s0+$0xFFFFFFE0] =	vst v6  }
0x152: {  	[tilespmem:s0+$0xF0] =	vst v3  }
0x153: {  	[tilespmem:s0+$0xFFFFFF90] =	vst v0  }
0x154: {  	v3 =	vld [tilespmem:s21+$0xFFFFFFF0];
	[tilespmem:s0+$0xFFFFFF70] =	vst v7  }
0x155: {  	v0 =	vld [tilespmem:s21+$0xFFFFFF60];
	[tilespmem:s0+$0x20] =	vst v10  }
0x156: {  	v6 =	vld [tilespmem:s21+$0xFFFFFFD0];
	[tilespmem:s0+$0x30] =	vst v20  }
0x157: {  	v7 =	vld [tilespmem:s21+$0x80];
	[tilespmem:s0+$0xFFFFFF80] =	vst v4  }
0x158: {  	v10 =	vld [tilespmem:s21+$0xFFFFFF10];
	[tilespmem:s0+$0x50] =	vst v22  }
0x159: {  	v14 =	vld [tilespmem:s21+$0xE0];
	[tilespmem:s0+$0x0] =	vst v13  }
0x15a: {  	v9 =	vld [tilespmem:s21+$0xFFFFFF40];
	[tilespmem:s0+$0xFFFFFF30] =	vst v15  }
0x15b: {  	s6 =	sshra.s32 s6, $0x2;
	v1 =	vld [tilespmem:s21+$0xFFFFFF90];
	[tilespmem:s0+$0x10] =	vst v18;
	s0 =	smov.u32 s21  }
0x15c: {  	v2 =	vld [tilespmem:s6+$0x11280]  }
0x15d: {  	v8 =	vld [tilespmem:s21+$0xFFFFFFC0]  }
0x15e: {  	v11 =	vld [tilespmem:s21+$0xFFFFFF00]  }
0x15f: {  	v12 =	vld [tilespmem:s21+$0xD0]  }
.Ltmp5:
0x160: {  	v21 =	vld [tilespmem:s21+$0xC0];
	(pc) =	sbr.rel @p1 .LBB2_12-.Ltmp5, $4  }
0x161: {  	v17 =	vbroadcast v2, $0x0;
	v19 =	vld [tilespmem:s21+$0x90];
	v4 =	vbroadcast v2, $0xF  }
0x162: {  	v18 =	vbroadcast v2, $0x2;
	v16 =	vbroadcast v2, $0xE;
	v20 =	vld [tilespmem:s21+$0xFFFFFF50]  }
0x163: {  	v23 =	vmul.f32 v17, v11;
	v11 =	vbroadcast v2, $0xD;
	v15 =	vld [tilespmem:s21+$0xB0]  }
0x164: {  	v13 =	vbroadcast v2, $0xC;
	v22 =	vmul.f32 v9, v18;
	v9 =	vld [tilespmem:s21+$0x60]  }
0x165: {  	[tilespmem:s0+$0xFFFFFF00] =	vst v23;
	v14 =	vmul.f32 v14, v4  }
0x166: {  	v21 =	vmul.f32 v21, v16;
	[tilespmem:s0+$0xFFFFFF40] =	vst v22  }
0x167: {  	v10 =	vmul.f32 v10, v17;
	[tilespmem:s0+$0xE0] =	vst v14  }
0x168: {  	v28 =	vmul.f32 v12, v16;
	[tilespmem:s0+$0xC0] =	vst v21  }
0x169: {  	v26 =	vmul.f32 v19, v13;
	[tilespmem:s0+$0xFFFFFF10] =	vst v10  }
0x16a: {  	v34 =	vbroadcast v2, $0x6;
	v7 =	vmul.f32 v7, v13;
	[tilespmem:s0+$0xD0] =	vst v28  }
0x16b: {  	v18 =	vmul.f32 v20, v18;
	[tilespmem:s0+$0x90] =	vst v26  }
0x16c: {  	v38 =	vbroadcast v2, $0x5;
	v6 =	vmul.f32 v6, v34;
	[tilespmem:s0+$0x80] =	vst v7  }
0x16d: {  	v40 =	vbroadcast v2, $0x7;
	v8 =	vmul.f32 v8, v34;
	[tilespmem:s0+$0xFFFFFF50] =	vst v18  }
0x16e: {  	v47 =	vbroadcast v2, $0x3;
	v5 =	vmul.f32 v5, v38;
	[tilespmem:s0+$0xFFFFFFD0] =	vst v6  }
0x16f: {  	v24 =	vld [tilespmem:s0+$0xA0];
	v52 =	vbroadcast v2, $0x4;
	v3 =	vmul.f32 v3, v40;
	[tilespmem:s0+$0xFFFFFFC0] =	vst v8  }
0x170: {  	v25 =	vld [tilespmem:s0+$0x70];
	v0 =	vmul.f32 v0, v47;
	[tilespmem:s0+$0xFFFFFFA0] =	vst v5  }
0x171: {  	v27 =	vld [tilespmem:s0+$0xFFFFFFB0];
	v30 =	vbroadcast v2, $0xB;
	v1 =	vmul.f32 v1, v52;
	[tilespmem:s0+$0xFFFFFFF0] =	vst v3  }
0x172: {  	v29 =	vld [tilespmem:s0+$0xFFFFFF20];
	v36 =	vmul.f32 v15, v11;
	[tilespmem:s0+$0xFFFFFF60] =	vst v0  }
0x173: {  	v33 =	vld [tilespmem:s0+$0x40];
	v9 =	vmul.f32 v9, v30;
	[tilespmem:s0+$0xFFFFFF90] =	vst v1  }
0x174: {  	v31 =	vld [tilespmem:s0+$0xFFFFFFE0];
	v32 =	vmul.f32 v24, v11;
	[tilespmem:s0+$0xB0] =	vst v36  }
0x175: {  	v45 =	vbroadcast v2, $0x1;
	v48 =	vld [tilespmem:s0+$0xF0];
	v17 =	vmul.f32 v25, v30;
	[tilespmem:s0+$0x60] =	vst v9  }
0x176: {  	v42 =	vld [tilespmem:s0+$0xFFFFFF70];
	v49 =	vbroadcast v2, $0xA;
	v46 =	vmul.f32 v27, v38;
	[tilespmem:s0+$0xA0] =	vst v32  }
0x177: {  	v37 =	vld [tilespmem:s0+$0x20];
	v12 =	vmul.f32 v29, v45;
	[tilespmem:s0+$0x70] =	vst v17  }
0x178: {  	v39 =	vld [tilespmem:s0+$0x30];
	v51 =	vmul.f32 v33, v49;
	[tilespmem:s0+$0xFFFFFFB0] =	vst v46  }
0x179: {  	v43 =	vld [tilespmem:s0+$0xFFFFFF80];
	v7 =	vmul.f32 v31, v40;
	[tilespmem:s0+$0xFFFFFF20] =	vst v12  }
0x17a: {  	v35 =	vld [tilespmem:s0+$0x50];
	v54 =	vbroadcast v2, $0x9;
	v53 =	vmul.f32 v48, v4;
	[tilespmem:s0+$0x40] =	vst v51  }
0x17b: {  	v41 =	vld [tilespmem:s0+$0x0];
	v55 =	vmul.f32 v42, v47;
	[tilespmem:s0+$0xFFFFFFE0] =	vst v7  }
0x17c: {  	v50 =	vld [tilespmem:s0+$0xFFFFFF30];
	v56 =	vmul.f32 v37, v54;
	[tilespmem:s0+$0xF0] =	vst v53  }
0x17d: {  	v44 =	vld [tilespmem:s0+$0x10];
	v57 =	vmul.f32 v39, v54;
	[tilespmem:s0+$0xFFFFFF70] =	vst v55  }
0x17e: {  	v58 =	vbroadcast v2, $0x8;
	v59 =	vmul.f32 v43, v52;
	[tilespmem:s0+$0x20] =	vst v56  }
0x17f: {  	v60 =	vmul.f32 v35, v49;
	[tilespmem:s0+$0x30] =	vst v57  }
0x180: {  	v61 =	vmul.f32 v41, v58;
	[tilespmem:s0+$0xFFFFFF80] =	vst v59  }
0x181: {  	v62 =	vmul.f32 v50, v45;
	[tilespmem:s0+$0x50] =	vst v60  }
0x182: {  	v63 =	vmul.f32 v44, v58;
	[tilespmem:s0+$0x0] =	vst v61  }
0x183: {  	[tilespmem:s0+$0xFFFFFF30] =	vst v62  }
0x184: {  	[tilespmem:s0+$0x10] =	vst v63  }
0x185: {  	[spmem:s13] =	stream.linear.scatter [tilespmem:s23], [sflag:$0x3], $0x5000, $0x38;
	[tilespmem:$0x1B7A0] =	vst v63  }
0x186: {  	_ =	swait.ge [sflag:s18], $0x5000  }
0x187: {  	[sflag:s18] =	ssyncset.done $0x0  }
0x188: {  	[sflag:s18] =	ssyncadd.s32 $0xFFFFB000  }
0x189: {  	[spmem:s14] =	stream.linear.scatter [tilespmem:s23], [sflag:$0x3], $0x5000, $0x38;
	[tilespmem:$0x1B7A0] =	vst v63  }
0x18a: {  	_ =	swait.ge [sflag:s18], $0x5000  }
0x18b: {  	[sflag:s18] =	ssyncset.done $0x0  }
0x18c: {  	[sflag:s18] =	ssyncadd.s32 $0xFFFFB000  }
0x18d: {  	s9 =	simm.s32 $0x0;
	[bflag:$0x0] =	sbarrier.arrive $0xFFFF  }
0x18e: {  	[tilespmem:s28], [sflag:$0x1] =	stream.indirect.gather [spmem:s3], $0x20, s9, s24, $0xb8;
	[tilespmem:$0x1B7A0] =	vst v63  }
0x18f: {  	s11 =	simm.s32 $0x80  }
0x190: {  	[tilespmem:s29], [sflag:$0x2] =	stream.indirect.gather [spmem:s3], $0x20, s11, s24, $0xb8;
	[tilespmem:$0x1B7A0] =	vst v63  }
0x191: {  	_ =	swait.ge [sflag:s25], $0x1000  }
0x192: {  	[sflag:s25] =	ssyncset.done $0x0  }
0x193: {  	s19 =	simm.s32 $0x4E80;
	[sflag:s25] =	ssyncadd.s32 $0xFFFFF000  }
0x194: {  	[spmem:s4] =	stream.indirect.scatter.add.f32 [tilespmem:s28], [sflag:$0x3], $0x20, s19, s24, $0xb8;
	[tilespmem:$0x1B7A0] =	vst v63  }
0x195: {  	_ =	swait.ge [sflag:s18], $0x1000  }
0x196: {  	[sflag:s18] =	ssyncset.done $0x0  }
0x197: {  	s21 =	simm.s32 $0x100;
	[sflag:s18] =	ssyncadd.s32 $0xFFFFF000  }
0x198: {  	[tilespmem:s28], [sflag:$0x1] =	stream.indirect.gather [spmem:s3], $0x20, s21, s24, $0xb8;
	[tilespmem:$0x1B7A0] =	vst v63  }
0x199: {  	_ =	swait.ge [sflag:s30], $0x1000  }
0x19a: {  	[sflag:s30] =	ssyncset.done $0x0  }
0x19b: {  	s26 =	simm.s32 $0x4F00;
	[sflag:s30] =	ssyncadd.s32 $0xFFFFF000  }
0x19c: {  	[spmem:s4] =	stream.indirect.scatter.add.f32 [tilespmem:s29], [sflag:$0x3], $0x20, s26, s24, $0xb8;
	[tilespmem:$0x1B7A0] =	vst v63  }
0x19d: {  	_ =	swait.ge [sflag:s18], $0x1000  }
0x19e: {  	s6 =	simm.s32 $0x800;
	s0 =	simm.s32 $0x100;
	[sflag:s18] =	ssyncset.done $0x0  }
.LBB2_14:
0x19f: {  	s7 =	sadd.s32 $0x80, s0  }
0x1a0: {  	[sflag:s18] =	ssyncadd.s32 $0xFFFFF000;
	s8 =	smov.u32 s6;
	s9 =	sadd.s32 $0x400, s6  }
0x1a1: {  	[tilespmem:s29], [sflag:$0x2] =	stream.indirect.gather [spmem:s3], $0x20, s7, s24, $0xb8;
	[tilespmem:$0x1B7A0] =	vst v63  }
0x1a2: {  	p1 =	sne.s32 s6, $0x13400;
	_ =	swait.ge [sflag:s25], $0x1000  }
0x1a3: {  	[sflag:s25] =	ssyncset.done $0x0  }
0x1a4: {  	s6 =	sadd.s32 $0x4E80, s0;
	[sflag:s25] =	ssyncadd.s32 $0xFFFFF000  }
0x1a5: {  	[spmem:s4] =	stream.indirect.scatter.add.f32 [tilespmem:s28], [sflag:$0x3], $0x20, s6, s24, $0xb8;
	[tilespmem:$0x1B7A0] =	vst v63  }
0x1a6: {  	_ =	swait.ge [sflag:s18], $0x1000  }
0x1a7: {  	[sflag:s18] =	ssyncset.done $0x0  }
0x1a8: {  	s6 =	sadd.s32 $0x100, s0;
	[sflag:s18] =	ssyncadd.s32 $0xFFFFF000  }
0x1a9: {  	[tilespmem:s28], [sflag:$0x1] =	stream.indirect.gather [spmem:s3], $0x20, s6, s24, $0xb8;
	[tilespmem:$0x1B7A0] =	vst v63  }
0x1aa: {  	_ =	swait.ge [sflag:s30], $0x1000  }
.Ltmp6:
0x1ab: {  	[sflag:s30] =	ssyncset.done $0x0;
	(pc) =	sbr.rel @p1 .LBB2_14-.Ltmp6, $4  }
0x1ac: {  	s0 =	sadd.s32 $0x4F00, s0;
	[sflag:s30] =	ssyncadd.s32 $0xFFFFF000  }
0x1ad: {  	[spmem:s4] =	stream.indirect.scatter.add.f32 [tilespmem:s29], [sflag:$0x3], $0x20, s0, s24, $0xb8;
	[tilespmem:$0x1B7A0] =	vst v63  }
0x1ae: {  	_ =	swait.ge [sflag:s18], $0x1000  }
0x1af: {  	s6 =	smov.u32 s9;
	s0 =	sshra.s32 s8, $0x2;
	[sflag:s18] =	ssyncset.done $0x0  }
0x1b0: {  	s6 =	sadd.s32 $0x80, s0;
	[sflag:s18] =	ssyncadd.s32 $0xFFFFF000  }
0x1b1: {  	[tilespmem:s29], [sflag:$0x2] =	stream.indirect.gather [spmem:s3], $0x20, s6, s24, $0xb8;
	[tilespmem:$0x1B7A0] =	vst v63  }
0x1b2: {  	_ =	swait.ge [sflag:s25], $0x1000  }
0x1b3: {  	[sflag:s25] =	ssyncset.done $0x0  }
0x1b4: {  	s19 =	sadd.s32 $0x4E80, s0;
	[sflag:s25] =	ssyncadd.s32 $0xFFFFF000  }
0x1b5: {  	[spmem:s4] =	stream.indirect.scatter.add.f32 [tilespmem:s28], [sflag:$0x3], $0x20, s19, s24, $0xb8;
	[tilespmem:$0x1B7A0] =	vst v63  }
0x1b6: {  	_ =	swait.ge [sflag:s18], $0x1000  }
0x1b7: {  	[sflag:s18] =	ssyncset.done $0x0  }
0x1b8: {  	s21 =	sadd.s32 $0x100, s0;
	[sflag:s18] =	ssyncadd.s32 $0xFFFFF000  }
0x1b9: {  	[tilespmem:s28], [sflag:$0x1] =	stream.indirect.gather [spmem:s3], $0x20, s21, s24, $0xb8;
	[tilespmem:$0x1B7A0] =	vst v63  }
0x1ba: {  	_ =	swait.ge [sflag:s30], $0x1000  }
0x1bb: {  	[sflag:s30] =	ssyncset.done $0x0  }
0x1bc: {  	s26 =	sadd.s32 $0x4F00, s0;
	[sflag:s30] =	ssyncadd.s32 $0xFFFFF000  }
0x1bd: {  	[spmem:s4] =	stream.indirect.scatter.add.f32 [tilespmem:s29], [sflag:$0x3], $0x20, s26, s24, $0xb8;
	[tilespmem:$0x1B7A0] =	vst v63  }
0x1be: {  	_ =	swait.ge [sflag:s18], $0x1000  }
0x1bf: {  	[sflag:s18] =	ssyncset.done $0x0  }
0x1c0: {  	[sflag:s18] =	ssyncadd.s32 $0xFFFFF000  }
0x1c1: {  	_ =	swait.ge [sflag:s25], $0x1000  }
0x1c2: {  	[sflag:s25] =	ssyncset.done $0x0  }
0x1c3: {  	[sflag:s25] =	ssyncadd.s32 $0xFFFFF000  }
0x1c4: {  	[spmem:s4] =	stream.indirect.scatter.add.f32 [tilespmem:s28], [sflag:$0x3], $0x20, s31, s24, $0xb8;
	[tilespmem:$0x1B7A0] =	vst v63  }
0x1c5: {  	_ =	swait.ge [sflag:s18], $0x1000  }
0x1c6: {  	[sflag:s18] =	ssyncset.done $0x0  }
0x1c7: {  	[sflag:s18] =	ssyncadd.s32 $0xFFFFF000  }
0x1c8: {  	[bflag:$0x0] =	sbarrier.arrive $0xFFFF  }
0x1c9: {  	[tilespmem:s23], [sflag:$0x3] =	stream.linear.gather [spmem:s14], $0x5000, $0x38;
	[tilespmem:$0x1B7A0] =	vst v63  }
0x1ca: {  	_ =	swait.ge [sflag:s18], $0x5000  }
0x1cb: {  	[sflag:s18] =	ssyncset.done $0x0  }
0x1cc: {  	[sflag:s18] =	ssyncadd.s32 $0xFFFFB000  }
0x1cd: {  	v0 =	vld [tilespmem:$0x11500]  }
0x1ce: {  	s0 =	simm.s32 $0xBE80;
	v1 =	vld [tilespmem:$0x11510]  }
0x1cf: {  	v2 =	vld [tilespmem:s0+$0xFFFFFFF0]  }
0x1d0: {  	v4 =	vld [tilespmem:s0+$0xFFFFFF70]  }
0x1d1: {  	s6 =	simm.s32 $0x0;
	s19 =	simm.s32 $0xBE80;
	s21 =	simm.s32 $0x40;
	v5 =	vld [tilespmem:s0+$0xFFFFFF30]  }
.LBB2_16:
0x1d2: {  	p1 =	sne.s32 s21, $0x9C0;
	v3 =	vld [tilespmem:s6+$0x11000]  }
0x1d3: {  	v6 =	vld [tilespmem:s0+$0xFFFFFF10]  }
0x1d4: {  	v7 =	vld [tilespmem:s0+$0xFFFFFF00]  }
0x1d5: {  	v8 =	vld [tilespmem:s0+$0xFFFFFF20]  }
0x1d6: {  	v9 =	vld [tilespmem:s0+$0xFFFFFF40]  }
0x1d7: {  	v10 =	vbroadcast v3, $0x0;
	v11 =	vbroadcast v3, $0x1;
	v12 =	vld [tilespmem:s0+$0xFFFFFF50]  }
0x1d8: {  	v13 =	vbroadcast v3, $0x2;
	v15 =	vbroadcast v3, $0x3;
	v14 =	vld [tilespmem:s0+$0xFFFFFF60]  }
0x1d9: {  	v7 =	vmul.f32 v10, v7;
	v6 =	vmul.f32 v6, v10;
	v10 =	vld [tilespmem:s0+$0xFFFFFFB0]  }
0x1da: {  	v5 =	vmul.f32 v5, v11;
	v8 =	vmul.f32 v8, v11;
	v11 =	vld [tilespmem:s0+$0xFFFFFF90]  }
0x1db: {  	v7 =	vadd.f32 v7, v0;
	v6 =	vadd.f32 v6, v1;
	v9 =	vmul.f32 v9, v13;
	v16 =	vld [tilespmem:s0+$0xFFFFFF80]  }
0x1dc: {  	v5 =	vadd.f32 v5, v1;
	v8 =	vadd.f32 v8, v0;
	v12 =	vmul.f32 v12, v13;
	v13 =	vld [tilespmem:s0+$0xFFFFFFA0]  }
0x1dd: {  	v4 =	vmul.f32 v4, v15;
	[tilespmem:s0+$0xFFFFFF00] =	vst v7;
	v7 =	vadd.f32 v9, v0;
	v9 =	vmul.f32 v14, v15;
	v14 =	vld [tilespmem:s0+$0xFFFFFFC0]  }
0x1de: {  	v15 =	vbroadcast v3, $0x5;
	[tilespmem:s0+$0xFFFFFF10] =	vst v6;
	v6 =	vadd.f32 v12, v1;
	v12 =	vbroadcast v3, $0x4;
	v17 =	vld [tilespmem:s0+$0xFFFFFFD0]  }
0x1df: {  	v4 =	vadd.f32 v4, v1;
	[tilespmem:s0+$0xFFFFFF20] =	vst v8;
	v8 =	vadd.f32 v9, v0;
	v9 =	vbroadcast v3, $0x6;
	v18 =	vld [tilespmem:s0+$0x50]  }
0x1e0: {  	[tilespmem:s0+$0xFFFFFF30] =	vst v5;
	v5 =	vmul.f32 v16, v12;
	v11 =	vmul.f32 v11, v12;
	v12 =	vld [tilespmem:s0+$0x10]  }
0x1e1: {  	v10 =	vmul.f32 v10, v15;
	[tilespmem:s0+$0xFFFFFF40] =	vst v7;
	v7 =	vmul.f32 v13, v15;
	v13 =	vld [tilespmem:s0+$0xFFFFFFE0]  }
0x1e2: {  	[tilespmem:s0+$0xFFFFFF50] =	vst v6;
	v5 =	vadd.f32 v5, v0;
	v6 =	vadd.f32 v11, v1;
	v11 =	vmul.f32 v14, v9;
	v14 =	vld [tilespmem:s0+$0x0]  }
0x1e3: {  	[tilespmem:s0+$0xFFFFFF60] =	vst v8;
	v7 =	vadd.f32 v7, v0;
	v8 =	vadd.f32 v10, v1;
	v9 =	vmul.f32 v17, v9;
	v10 =	vld [tilespmem:s0+$0x20]  }
0x1e4: {  	v15 =	vbroadcast v3, $0x8;
	[tilespmem:s0+$0xFFFFFF70] =	vst v4;
	v4 =	vadd.f32 v11, v0;
	v11 =	vbroadcast v3, $0x7;
	v16 =	vld [tilespmem:s0+$0x30]  }
0x1e5: {  	v19 =	vbroadcast v3, $0xA;
	[tilespmem:s0+$0xFFFFFF80] =	vst v5;
	v5 =	vadd.f32 v9, v1;
	v9 =	vbroadcast v3, $0x9;
	v17 =	vld [tilespmem:s0+$0x40]  }
0x1e6: {  	[tilespmem:s0+$0xFFFFFF90] =	vst v6;
	v6 =	vmul.f32 v13, v11;
	v2 =	vmul.f32 v2, v11;
	v11 =	vld [tilespmem:s0+$0x90]  }
0x1e7: {  	v12 =	vmul.f32 v12, v15;
	[tilespmem:s0+$0xFFFFFFA0] =	vst v7;
	v7 =	vmul.f32 v14, v15;
	v13 =	vld [tilespmem:s0+$0x70]  }
0x1e8: {  	[tilespmem:s0+$0xFFFFFFB0] =	vst v8;
	v6 =	vadd.f32 v6, v0;
	v2 =	vadd.f32 v2, v1;
	v8 =	vmul.f32 v10, v9;
	v10 =	vld [tilespmem:s0+$0x60]  }
0x1e9: {  	[tilespmem:s0+$0xFFFFFFC0] =	vst v4;
	v4 =	vadd.f32 v7, v0;
	v7 =	vadd.f32 v12, v1;
	v9 =	vmul.f32 v16, v9;
	v12 =	vld [tilespmem:s0+$0x80]  }
0x1ea: {  	v14 =	vmul.f32 v18, v19;
	[tilespmem:s0+$0xFFFFFFD0] =	vst v5;
	v5 =	vadd.f32 v8, v0;
	v8 =	vmul.f32 v17, v19;
	v15 =	vld [tilespmem:s0+$0xA0]  }
0x1eb: {  	v16 =	vbroadcast v3, $0xC;
	[tilespmem:s0+$0xFFFFFFE0] =	vst v6;
	v6 =	vadd.f32 v9, v1;
	v9 =	vbroadcast v3, $0xB;
	v17 =	vld [tilespmem:s0+$0xB0]  }
0x1ec: {  	[tilespmem:s0+$0xFFFFFFF0] =	vst v2;
	v2 =	vadd.f32 v8, v0;
	v8 =	vadd.f32 v14, v1;
	v14 =	vbroadcast v3, $0xD;
	v18 =	vld [tilespmem:s0+$0xF0]  }
0x1ed: {  	[tilespmem:s0+$0x0] =	vst v4;
	v4 =	vmul.f32 v10, v9;
	v9 =	vmul.f32 v13, v9;
	v10 =	vld [tilespmem:s0+$0xD0]  }
0x1ee: {  	v11 =	vmul.f32 v11, v16;
	[tilespmem:s0+$0x10] =	vst v7;
	v7 =	vmul.f32 v12, v16;
	v12 =	vld [tilespmem:s0+$0xC0]  }
0x1ef: {  	[tilespmem:s0+$0x20] =	vst v5;
	v4 =	vadd.f32 v4, v0;
	v5 =	vadd.f32 v9, v1;
	v9 =	vmul.f32 v15, v14;
	v13 =	vld [tilespmem:s0+$0xE0]  }
0x1f0: {  	[tilespmem:s0+$0x30] =	vst v6;
	v6 =	vadd.f32 v7, v0;
	v7 =	vadd.f32 v11, v1;
	v11 =	vmul.f32 v17, v14  }
0x1f1: {  	[tilespmem:s0+$0x40] =	vst v2;
	v2 =	vadd.f32 v9, v0;
	v9 =	vbroadcast v3, $0xE;
	v3 =	vbroadcast v3, $0xF  }
0x1f2: {  	[tilespmem:s0+$0x50] =	vst v8;
	v8 =	vadd.f32 v11, v1  }
0x1f3: {  	[tilespmem:s0+$0x60] =	vst v4;
	v4 =	vmul.f32 v12, v9;
	v9 =	vmul.f32 v10, v9  }
0x1f4: {  	[tilespmem:s0+$0x70] =	vst v5;
	v5 =	vmul.f32 v13, v3;
	v3 =	vmul.f32 v18, v3  }
0x1f5: {  	[tilespmem:s0+$0x80] =	vst v6;
	v4 =	vadd.f32 v4, v0;
	v6 =	vadd.f32 v9, v1  }
0x1f6: {  	[tilespmem:s0+$0x90] =	vst v7;
	v5 =	vadd.f32 v5, v0;
	v3 =	vadd.f32 v3, v1  }
0x1f7: {  	[tilespmem:s0+$0xA0] =	vst v2  }
.Ltmp7:
0x1f8: {  	[tilespmem:s0+$0xB0] =	vst v8;
	(pc) =	sbr.rel @p1 .LBB2_16-.Ltmp7, $4  }
0x1f9: {  	s0 =	sadd.s32 $0x200, s0;
	[tilespmem:s19+$0xC0] =	vst v4  }
0x1fa: {  	v2 =	vld [tilespmem:s0+$0xFFFFFFF0];
	[tilespmem:s19+$0xD0] =	vst v6  }
0x1fb: {  	v4 =	vld [tilespmem:s0+$0xFFFFFF70];
	[tilespmem:s19+$0xE0] =	vst v5  }
0x1fc: {  	s6 =	sshra.s32 s21, $0x2;
	s21 =	sadd.s32 $0x40, s21;
	v5 =	vld [tilespmem:s0+$0xFFFFFF30];
	[tilespmem:s19+$0xF0] =	vst v3;
	s19 =	smov.u32 s0  }
0x1fd: {  	v3 =	vld [tilespmem:s6+$0x11000];
	_ =	sdelay $0x2  }
0x1fe: {  	v6 =	vld [tilespmem:s0+$0xFFFFFF00]  }
0x1ff: {  	v7 =	vld [tilespmem:s0+$0xFFFFFF10]  }
0x200: {  	v8 =	vld [tilespmem:s0+$0xFFFFFF20];
	v9 =	vbroadcast v3, $0x0;
	v11 =	vbroadcast v3, $0x1  }
0x201: {  	v10 =	vld [tilespmem:s0+$0xFFFFFF40];
	v62 =	vbroadcast v3, $0x2;
	v14 =	vbroadcast v3, $0x3  }
0x202: {  	v12 =	vld [tilespmem:s0+$0xFFFFFF50];
	v20 =	vbroadcast v3, $0x4;
	v22 =	vbroadcast v3, $0x5  }
0x203: {  	v13 =	vld [tilespmem:s0+$0xFFFFFF60];
	v26 =	vbroadcast v3, $0x6;
	v6 =	vmul.f32 v9, v6  }
0x204: {  	v63 =	vld [tilespmem:s0+$0xFFFFFF80];
	v30 =	vbroadcast v3, $0x7;
	v7 =	vmul.f32 v7, v9  }
0x205: {  	v15 =	vld [tilespmem:s0+$0xFFFFFF90];
	v33 =	vbroadcast v3, $0x8;
	v8 =	vmul.f32 v8, v11;
	v6 =	vadd.f32 v6, v0  }
0x206: {  	v17 =	vld [tilespmem:s0+$0xFFFFFFA0];
	v37 =	vbroadcast v3, $0x9;
	v5 =	vmul.f32 v5, v11;
	v7 =	vadd.f32 v7, v1  }
0x207: {  	v18 =	vld [tilespmem:s0+$0xFFFFFFB0];
	v39 =	vbroadcast v3, $0xA;
	v10 =	vmul.f32 v10, v62;
	v8 =	vadd.f32 v8, v0;
	[tilespmem:s0+$0xFFFFFF00] =	vst v6  }
0x208: {  	v25 =	vld [tilespmem:s0+$0xFFFFFFE0];
	v43 =	vbroadcast v3, $0xB;
	v19 =	vmul.f32 v13, v14;
	v5 =	vadd.f32 v5, v1;
	[tilespmem:s0+$0xFFFFFF10] =	vst v7  }
0x209: {  	v52 =	vld [tilespmem:s0+$0xE0];
	v46 =	vbroadcast v3, $0xC;
	v4 =	vmul.f32 v4, v14;
	v10 =	vadd.f32 v10, v0;
	[tilespmem:s0+$0xFFFFFF20] =	vst v8  }
0x20a: {  	v53 =	vld [tilespmem:s0+$0xF0];
	v16 =	vmul.f32 v12, v62;
	v11 =	vmul.f32 v63, v20;
	v12 =	vadd.f32 v19, v0;
	[tilespmem:s0+$0xFFFFFF30] =	vst v5  }
0x20b: {  	v21 =	vld [tilespmem:s0+$0xFFFFFFC0];
	v49 =	vbroadcast v3, $0xD;
	v24 =	vmul.f32 v15, v20;
	v4 =	vadd.f32 v4, v1;
	[tilespmem:s0+$0xFFFFFF40] =	vst v10  }
0x20c: {  	v28 =	vld [tilespmem:s0+$0x0];
	v55 =	vbroadcast v3, $0xE;
	v9 =	vmul.f32 v17, v22;
	v11 =	vadd.f32 v11, v0;
	[tilespmem:s0+$0xFFFFFF60] =	vst v12  }
0x20d: {  	v29 =	vld [tilespmem:s0+$0x10];
	v3 =	vbroadcast v3, $0xF;
	v13 =	vmul.f32 v25, v30;
	v27 =	vadd.f32 v24, v1;
	[tilespmem:s0+$0xFFFFFF70] =	vst v4  }
0x20e: {  	v31 =	vld [tilespmem:s0+$0x20];
	v2 =	vmul.f32 v2, v30;
	v9 =	vadd.f32 v9, v0;
	[tilespmem:s0+$0xFFFFFF80] =	vst v11  }
0x20f: {  	v34 =	vld [tilespmem:s0+$0x30];
	v60 =	vmul.f32 v52, v3;
	v3 =	vmul.f32 v53, v3;
	v13 =	vadd.f32 v13, v0;
	[tilespmem:s0+$0xFFFFFF90] =	vst v27  }
0x210: {  	v35 =	vld [tilespmem:s0+$0x40];
	v2 =	vadd.f32 v2, v1;
	[tilespmem:s0+$0xFFFFFFA0] =	vst v9  }
0x211: {  	v38 =	vld [tilespmem:s0+$0x60];
	v63 =	vadd.f32 v3, v1;
	v5 =	vmul.f32 v18, v22;
	[tilespmem:s0+$0xFFFFFFE0] =	vst v13  }
0x212: {  	v48 =	vld [tilespmem:s0+$0xC0];
	v6 =	vadd.f32 v16, v1;
	v8 =	vmul.f32 v21, v26;
	[tilespmem:s0+$0xFFFFFFF0] =	vst v2  }
0x213: {  	v50 =	vld [tilespmem:s0+$0xD0];
	v10 =	vmul.f32 v28, v33;
	[tilespmem:s19+$0xF0] =	vst v63;
	v5 =	vadd.f32 v5, v1  }
0x214: {  	v41 =	vld [tilespmem:s0+$0x80];
	v4 =	vmul.f32 v29, v33;
	[tilespmem:s0+$0xFFFFFF50] =	vst v6;
	v32 =	vadd.f32 v8, v0  }
0x215: {  	v42 =	vld [tilespmem:s0+$0x90];
	v11 =	vmul.f32 v31, v37;
	v10 =	vadd.f32 v10, v0;
	[tilespmem:s0+$0xFFFFFFB0] =	vst v5  }
0x216: {  	v23 =	vld [tilespmem:s0+$0xFFFFFFD0];
	v12 =	vmul.f32 v34, v37;
	v4 =	vadd.f32 v4, v1;
	[tilespmem:s0+$0xFFFFFFC0] =	vst v32  }
0x217: {  	v40 =	vld [tilespmem:s0+$0x70];
	v9 =	vmul.f32 v35, v39;
	v11 =	vadd.f32 v11, v0;
	[tilespmem:s0+$0x0] =	vst v10  }
0x218: {  	v47 =	vld [tilespmem:s0+$0xB0];
	v7 =	vmul.f32 v38, v43;
	v45 =	vadd.f32 v12, v1;
	[tilespmem:s0+$0x10] =	vst v4  }
0x219: {  	v13 =	vmul.f32 v41, v46;
	v9 =	vadd.f32 v9, v0;
	[tilespmem:s0+$0x20] =	vst v11  }
0x21a: {  	v36 =	vld [tilespmem:s0+$0x50];
	v2 =	vmul.f32 v42, v46;
	v7 =	vadd.f32 v7, v0;
	[tilespmem:s0+$0x30] =	vst v45  }
0x21b: {  	v44 =	vld [tilespmem:s0+$0xA0];
	v6 =	vmul.f32 v23, v26;
	v54 =	vadd.f32 v13, v0;
	[tilespmem:s0+$0x40] =	vst v9  }
0x21c: {  	v8 =	vmul.f32 v40, v43;
	v2 =	vadd.f32 v2, v1;
	[tilespmem:s0+$0x60] =	vst v7  }
0x21d: {  	v56 =	vmul.f32 v47, v49;
	v6 =	vadd.f32 v6, v1;
	[tilespmem:s0+$0x80] =	vst v54  }
0x21e: {  	v51 =	vadd.f32 v8, v1;
	[tilespmem:s0+$0x90] =	vst v2  }
0x21f: {  	v5 =	vmul.f32 v36, v39;
	v7 =	vadd.f32 v56, v1;
	[tilespmem:s0+$0xFFFFFFD0] =	vst v6  }
0x220: {  	v62 =	vadd.f32 v60, v0;
	v6 =	vmul.f32 v44, v49;
	[tilespmem:s0+$0x70] =	vst v51  }
0x221: {  	v58 =	vmul.f32 v48, v55;
	v5 =	vadd.f32 v5, v1;
	[tilespmem:s0+$0xB0] =	vst v7  }
0x222: {  	v59 =	vmul.f32 v50, v55;
	[tilespmem:s19+$0xE0] =	vst v62;
	v57 =	vadd.f32 v6, v0  }
0x223: {  	[tilespmem:s0+$0x50] =	vst v5;
	v6 =	vadd.f32 v58, v0  }
0x224: {  	v61 =	vadd.f32 v59, v1;
	[tilespmem:s0+$0xA0] =	vst v57  }
0x225: {  	[tilespmem:s19+$0xC0] =	vst v6  }
0x226: {  	s6 =	simm.s32 @p0 $0x40;
	s7 =	simm.s32 @p0 $0xBD80;
	s0 =	simm.s32 @p0 $0x20;
	[tilespmem:s19+$0xD0] =	vst v61  }
0x227: {  	[hbm4b:s16+s0] =	stream.strided.scatter @p0 [tilespmem:s7], [sflag:$0x3], $0x3200, s6, s0, $0x38;
	[tilespmem:$0x1B7A0] =	vst v63  }
0x228: {  	s0 =	simm.s32 @p0 $0x3  }
0x229: {  	s2 =	sadd.s32 $0x1, s2;
	_ =	swait.ge @p0 [sflag:s0], $0x3200  }
0x22a: {  	p1 =	sne.s32 s2, s17;
	s6 =	simm.s32 @!p0 $0x40;
	[sflag:s0] =	ssyncset.done @p0 $0x0  }
0x22b: {  	s7 =	simm.s32 @!p0 $0xBD80;
	[sflag:s0] =	ssyncadd.s32 @p0 $0xFFFFCE00;
	s0 =	simm.s32 @!p0 $0x20  }
0x22c: {  	[hbm4b:s15+s0] =	stream.strided.scatter @!p0 [tilespmem:s7], [sflag:$0x3], $0x5000, s6, s0, $0x38;
	[tilespmem:$0x1B7A0] =	vst v63  }
.Ltmp8:
0x22d: {  	_ = 	snop;
	(pc) =	sbr.rel @p1 .LBB2_1-.Ltmp8, $4  }
0x22e: {  	s0 =	simm.s32 @!p0 $0x3  }
0x22f: {  	_ =	swait.ge @!p0 [sflag:s0], $0x5000  }
0x230: {  	[sflag:s0] =	ssyncset.done @!p0 $0x0  }
0x231: {  	[sflag:s0] =	ssyncadd.s32 @!p0 $0xFFFFB000  }
0x232: {  	_ =	sfence.sel $0x180000  }
0x233: {  	[bflag:$0x0] =	sbarrier.arrive $0xFFFF  }
0x234: {  	_ =	strace $0x90000047  }
0x235: {  	s0 =	stileid.u32;
	[bflag:$0x2] =	sbarrier.arrive $0xFFFF  }
0x236: {  	p0 =	sne.s32 s0, $0x0;
	s0 =	rddreg [dreg:$0x6]  }
0x237: {  	s0 =	sadd.s32 @!p0 $0x100000, s0  }
0x238: {  	[sflag:s0] =	ssyncadd.tile.s32 @!p0 $0x1;
	_ =	shalt  }
.Lfunc_end2:
_tile_overlayer_lowered:
.L_overlay_start_2:
0x239: {  	(tag) =	ssettag $0x2  }
0x23a: {  	s0 =	rddreg [dreg:$0x0];
	s2 =	stileid.u32  }
0x23b: {  	s1 =	rddreg [dreg:$0x1];
	p0 =	sne.s32 s2, $0x0  }
0x23c: {  	s3 =	rddreg [dreg:$0x2];
	[bflag:$0x3] =	sbarrier.arrive $0xFFFF;
	s2 =	simm.s32 @!p0 $0x1C03  }
0x23d: {  	[timem:s3], [sflag:s2] =	dma.local @!p0 [hbm:s0], s1  }
0x23e: {  	s0 =	simm.s32 @!p0 $0x3  }
0x23f: {  	_ =	swait.ge @!p0 [sflag:s0], s1  }
0x240: {  	s1 =	ssub.s32 @!p0 $0x0, s1;
	[sflag:s0] =	ssyncset.done @!p0 $0x0  }
0x241: {  	[sflag:s0] =	ssyncadd.s32 @!p0 s1  }
0x242: {  	[bflag:$0x3] =	sbarrier.arrive $0xFFFF  }
0x243: {  	_ =	shalt  }

</sc_bundles>
